<compile_context>
chip_gen: v7x
topology: tpu7x:2x2x1
jax: 0.10.2.dev20260603
libtpu: 0.0.44.dev20260713+nightly
codegen_flags: <defaults>
</compile_context>

<pallas_src>
import functools

import jax
import jax.numpy as jnp
import numpy as np
from jax import lax
from jax.experimental import pallas as pl
from jax.experimental.pallas import tpu as pltpu
from jax.experimental.pallas import tpu_sc as plsc

C = 384
K = 5
L = 16
NSLICE = C // L
BIG = np.int32(1 << 30)
B = 16
HW = 56 * 56
CB = 96


def _sc_topk_body(bn_e_hbm, bn_n_hbm, idxs_hbm, vb_ref, tmp_ref, iout_ref):
    cid = lax.axis_index("c")
    sid = lax.axis_index("s")
    lane = lax.iota(jnp.int32, L)

    def splat_min_i32(x):
        for d in (1, 2, 4, 8):
            tmp_ref[...] = x
            x = jnp.minimum(x, plsc.load_gather(tmp_ref, [lane ^ d]))
        return x

    def splat_min_f32(x):
        for d in (1, 2, 4, 8):
            tmp_ref[...] = plsc.bitcast(x, jnp.int32)
            g = plsc.bitcast(plsc.load_gather(tmp_ref, [lane ^ d]),
                             jnp.float32)
            x = jnp.minimum(x, g)
        return x

    def top5_smallest():
        def absify(i, _):
            vb_ref[pl.ds(i * L, L)] = jnp.abs(vb_ref[pl.ds(i * L, L)])
            return 0
        lax.fori_loop(0, NSLICE, absify, 0)

        idxvec = jnp.zeros((L,), jnp.int32)
        for p in range(K):
            def scan_min(i, m):
                return jnp.minimum(m, vb_ref[pl.ds(i * L, L)])
            m = lax.fori_loop(0, NSLICE, scan_min,
                              jnp.full((L,), jnp.inf, jnp.float32))
            mmin = splat_min_f32(m)

            def scan_arg(i, best):
                v = vb_ref[pl.ds(i * L, L)]
                cand = jnp.where(v == mmin, lane + i * L, BIG)
                return jnp.minimum(best, cand)
            best = lax.fori_loop(0, NSLICE, scan_arg,
                                 jnp.full((L,), BIG, jnp.int32))
            widx = splat_min_i32(best)

            def mask_out(i, _):
                v = vb_ref[pl.ds(i * L, L)]
                vb_ref[pl.ds(i * L, L)] = jnp.where(
                    lane + i * L == widx, jnp.inf, v)
                return 0
            lax.fori_loop(0, NSLICE, mask_out, 0)
            idxvec = jnp.where(lane == p, widx, idxvec)
        return idxvec

    @pl.when(jnp.logical_and(cid == 0, sid == 0))
    def _():
        pltpu.sync_copy(bn_n_hbm, vb_ref)
        iout_ref[...] = top5_smallest()
        pltpu.sync_copy(iout_ref, idxs_hbm.at[pl.ds(L, L)])

    @pl.when(jnp.logical_and(cid != 0, sid == 0))
    def _():
        pltpu.sync_copy(bn_e_hbm, vb_ref)
        iout_ref[...] = top5_smallest()
        pltpu.sync_copy(iout_ref, idxs_hbm.at[pl.ds(0, L)])


def _sc_topk(bn_e, bn_n):
    mesh = plsc.VectorSubcoreMesh(core_axis_name="c", subcore_axis_name="s")
    fn = pl.kernel(
        _sc_topk_body,
        out_type=jax.ShapeDtypeStruct((2 * L,), jnp.int32),
        mesh=mesh,
        scratch_types=[
            pltpu.VMEM((C,), jnp.float32),
            pltpu.VMEM((L,), jnp.int32),
            pltpu.VMEM((L,), jnp.int32),
        ],
        compiler_params=pltpu.CompilerParams(needs_layout_passes=False),
    )
    return fn(bn_e, bn_n)


def _tc_exchange_body(idxs_ref, e_ref, n_ref, *rest):
    swap_refs = rest[:2 * K]
    x1_ref, x2_ref = rest[2 * K], rest[2 * K + 1]
    j = pl.program_id(1)
    base = j * CB
    x1_ref[...] = e_ref[...]
    x2_ref[...] = n_ref[...]
    for k in range(K):
        p1 = idxs_ref[k]
        p2 = idxs_ref[L + k]
        ns_ref = swap_refs[k]
        es_ref = swap_refs[K + k]

        @pl.when(jnp.logical_and(p1 >= base, p1 < base + CB))
        def _():
            x1_ref[:, pl.ds(p1 - base, 1)] = ns_ref[...].reshape(1, 1, HW)

        @pl.when(jnp.logical_and(p2 >= base, p2 < base + CB))
        def _():
            x2_ref[:, pl.ds(p2 - base, 1)] = es_ref[...].reshape(1, 1, HW)


def _tc_exchange(idxs, e3, n3):
    blk = (1, CB, HW)
    sblk = (1, 1, 1, HW)
    nswap_specs = [
        pl.BlockSpec(sblk, (lambda b, j, r, k=k: (b, r[L + k], 0, 0)))
        for k in range(K)
    ]
    eswap_specs = [
        pl.BlockSpec(sblk, (lambda b, j, r, k=k: (b, r[k], 0, 0)))
        for k in range(K)
    ]
    grid_spec = pltpu.PrefetchScalarGridSpec(
        num_scalar_prefetch=1,
        grid=(B, C // CB),
        in_specs=[
            pl.BlockSpec(blk, lambda b, j, r: (b, j, 0)),
            pl.BlockSpec(blk, lambda b, j, r: (b, j, 0)),
            *nswap_specs,
            *eswap_specs,
        ],
        out_specs=[
            pl.BlockSpec(blk, lambda b, j, r: (b, j, 0)),
            pl.BlockSpec(blk, lambda b, j, r: (b, j, 0)),
        ],
    )
    call = pl.pallas_call(
        _tc_exchange_body,
        grid_spec=grid_spec,
        out_shape=[jax.ShapeDtypeStruct(e3.shape, e3.dtype)] * 2,
        compiler_params=pltpu.CompilerParams(
            dimension_semantics=("arbitrary", "arbitrary"),
        ),
    )
    n4 = n3.reshape(B, C, 1, HW)
    e4 = e3.reshape(B, C, 1, HW)
    return call(idxs, e3, n3, *([n4] * K), *([e4] * K))


def _tc_bulk_body(e_ref, n_ref, x1_ref, x2_ref):
    x1_ref[...] = e_ref[...]
    x2_ref[...] = n_ref[...]


def _tc_bulk(e3, n3):
    blk = (1, CB, HW)
    grid_spec = pl.GridSpec(
        grid=(B, C // CB),
        in_specs=[
            pl.BlockSpec(blk, lambda b, j: (b, j, 0)),
            pl.BlockSpec(blk, lambda b, j: (b, j, 0)),
        ],
        out_specs=[
            pl.BlockSpec(blk, lambda b, j: (b, j, 0)),
            pl.BlockSpec(blk, lambda b, j: (b, j, 0)),
        ],
    )
    return pl.pallas_call(
        _tc_bulk_body,
        grid_spec=grid_spec,
        out_shape=[jax.ShapeDtypeStruct(e3.shape, e3.dtype)] * 2,
        compiler_params=pltpu.CompilerParams(
            dimension_semantics=("arbitrary", "arbitrary"),
        ),
    )(e3, n3)


def _tc_paybuild_body(idxs_ref, nwin_ref, ewin_ref, pay_ref):
    i = pl.program_id(0)

    @pl.when(i < K)
    def _():
        col = idxs_ref[L + i] % 8
        pay_ref[...] = nwin_ref[:, pl.ds(col, 1)].reshape(B, 1, 1, HW)

    @pl.when(i >= K)
    def _():
        col = idxs_ref[i - K] % 8
        pay_ref[...] = ewin_ref[:, pl.ds(col, 1)].reshape(B, 1, 1, HW)


def _tc_paybuild(idxs, e3, n3):
    wblk = (B, 8, HW)
    grid_spec = pltpu.PrefetchScalarGridSpec(
        num_scalar_prefetch=1,
        grid=(2 * K,),
        in_specs=[
            pl.BlockSpec(
                wblk,
                lambda i, r: (0, r[L + jnp.minimum(i, K - 1)] // 8, 0)),
            pl.BlockSpec(
                wblk,
                lambda i, r: (0, r[jnp.maximum(i, K) - K] // 8, 0)),
        ],
        out_specs=[
            pl.BlockSpec((B, 1, 1, HW), lambda i, r: (0, i, 0, 0)),
        ],
    )
    return pl.pallas_call(
        _tc_paybuild_body,
        grid_spec=grid_spec,
        out_shape=[jax.ShapeDtypeStruct((B, 2 * K, 1, HW), jnp.float32)],
        compiler_params=pltpu.CompilerParams(
            dimension_semantics=("arbitrary",),
        ),
    )(idxs, n3, e3)[0]


def _tc_main_body(idxs_ref, e_ref, n_ref, pay_ref, x1_ref, x2_ref):
    j = pl.program_id(1)
    base = j * CB
    x1_ref[...] = e_ref[...]
    x2_ref[...] = n_ref[...]
    for k in range(K):
        p1 = idxs_ref[k]
        p2 = idxs_ref[L + k]

        @pl.when(jnp.logical_and(p1 >= base, p1 < base + CB))
        def _():
            x1_ref[:, pl.ds(p1 - base, 1)] = (
                pay_ref[:, k:k + 1].reshape(1, 1, HW))

        @pl.when(jnp.logical_and(p2 >= base, p2 < base + CB))
        def _():
            x2_ref[:, pl.ds(p2 - base, 1)] = (
                pay_ref[:, K + k:K + k + 1].reshape(1, 1, HW))


def _tc_main(idxs, e3, n3, pay):
    blk = (1, CB, HW)
    grid_spec = pltpu.PrefetchScalarGridSpec(
        num_scalar_prefetch=1,
        grid=(B, C // CB),
        in_specs=[
            pl.BlockSpec(blk, lambda b, j, r: (b, j, 0)),
            pl.BlockSpec(blk, lambda b, j, r: (b, j, 0)),
            pl.BlockSpec((1, 2 * K, 1, HW), lambda b, j, r: (b, 0, 0, 0)),
        ],
        out_specs=[
            pl.BlockSpec(blk, lambda b, j, r: (b, j, 0)),
            pl.BlockSpec(blk, lambda b, j, r: (b, j, 0)),
        ],
    )
    return pl.pallas_call(
        _tc_main_body,
        grid_spec=grid_spec,
        out_shape=[jax.ShapeDtypeStruct(e3.shape, e3.dtype)] * 2,
        compiler_params=pltpu.CompilerParams(
            dimension_semantics=("arbitrary", "arbitrary"),
        ),
    )(idxs, e3, n3, pay)


def kernel(e, n, bn_e, bn_n):
    idxs = _sc_topk(bn_e, bn_n)
    e3 = e.reshape(B, C, HW)
    n3 = n.reshape(B, C, HW)
    pay = _tc_paybuild(idxs, e3, n3)
    x1, x2 = _tc_main(idxs, e3, n3, pay)
    return (x1.reshape(e.shape), x2.reshape(e.shape))

# --- scband reference (transcript-rebuilt; emitter-appended) ---
"""Pipeline reference for scband-exchange-36266703847645 (READ-ONLY COPY).

The authoritative reference and input builder live on the scoring server;
editing this copy changes nothing except your own understanding.
"""

import jax, jax.numpy as jnp
import numpy as np

K = 5

def setup_inputs(seed: int = 0) -> dict:
    key = jax.random.key(seed)
    k1, k2, k3, k4 = jax.random.split(key, 4)
    e = jax.random.normal(k1, (16, 384, 56, 56), dtype=jnp.float32)
    n = jax.random.normal(k2, (16, 384, 56, 56), dtype=jnp.float32)
    bn_e = jax.random.normal(k3, (384,), dtype=jnp.float32)
    bn_n = jax.random.normal(k4, (384,), dtype=jnp.float32)
    return {"e": e, "n": n, "bn_e": bn_e, "bn_n": bn_n}

def reference(e, n, bn_e, bn_n):
    # bn_e / bn_n stand in for BatchNorm .weight vectors (gamma) of the torch module
    bn1 = jnp.abs(bn_e)
    bn2 = jnp.abs(bn_n)
    # torch .topk(K, largest=False) -> K smallest; emulate via top_k on negated values
    _, idx1 = jax.lax.top_k(-bn1, K)
    _, idx2 = jax.lax.top_k(-bn2, K)
    # x1 = copy of e with channels idx1 replaced by n's channels idx2
    x1 = e.at[:, idx1].set(n[:, idx2])
    # x2 = copy of n with channels idx2 replaced by e's channels idx1
    x2 = n.at[:, idx2].set(e[:, idx1])
    return (x1, x2)

if __name__ == "__main__":
    import jax
    _d = setup_inputs()
    print(jax.jit(kernel)(*tuple(_d.values())))

</pallas_src>

<mosaic_0001>
#map = affine_map<(d0, d1) -> (0)>
module attributes {stable_mosaic.version = 14 : i64} {
  func.func @_sc_topk_body(%arg0: i32, %arg1: i32, %arg2: memref<384xf32, #tpu.memory_space<hbm>>, %arg3: memref<384xf32, #tpu.memory_space<hbm>>, %arg4: memref<32xi32, #tpu.memory_space<hbm>>, %arg5: memref<384xf32, #tpu.memory_space<vmem>>, %arg6: memref<16xi32, #tpu.memory_space<vmem>>, %arg7: memref<16xi32, #tpu.memory_space<vmem>>) attributes {dimension_semantics = [#tpu.dimension_semantics<core_parallel>, #tpu.dimension_semantics<subcore_parallel>], iteration_bounds = array<i64: 2, 16>, scalar_prefetch = 0 : i64, scratch_operands = 3 : i64, tpu.core_type = #tpu.core_type<sc_vector_subcore>, window_params = [{transform_indices = #map}, {transform_indices = #map}, {transform_indices = #map}]} {
    %iota3A = tpu.iota {dimensions = array<i32: 0>} : vector<16xi32>
    %eq3A = arith.constant 0 : i32
    %eq3A_0 = arith.cmpi eq, %arg0, %eq3A : i32
    %eq3A_1 = arith.constant 0 : i32
    %eq3A_2 = arith.cmpi eq, %arg1, %eq3A_1 : i32
    %and3A = arith.andi %eq3A_0, %eq3A_2 : i1
    %convert_element_type3A = arith.extui %and3A : i1 to i32
    %cond3A = arith.constant 0 : i32
    %cond3A_3 = arith.cmpi ne, %convert_element_type3A, %cond3A : i32
    scf.if %cond3A_3 {
      "tpu.region"() ({
        %run_scoped3A = tpu.sem_alloc : memref<!tpu.dma_semaphore, #tpu.memory_space<semaphore_mem>>
        tpu.enqueue_dma source(%arg3 : memref<384xf32, #tpu.memory_space<hbm>>) target(%arg5 : memref<384xf32, #tpu.memory_space<vmem>>) target_semaphore(%run_scoped3A : memref<!tpu.dma_semaphore, #tpu.memory_space<semaphore_mem>>)
        tpu.wait_dma2 semaphore(%run_scoped3A : memref<!tpu.dma_semaphore, #tpu.memory_space<semaphore_mem>>) src(%arg3 : memref<384xf32, #tpu.memory_space<hbm>>) dst(%arg5 : memref<384xf32, #tpu.memory_space<vmem>>)
        tpu.yield
      }) : () -> ()
      %scan3A = arith.constant 0 : i32
      %scan3A_11 = arith.constant 0 : i32
      %scan3A_12 = arith.constant 24 : i32
      %scan3A_13 = arith.addi %scan3A_11, %scan3A_12 : i32
      %scan3A_14 = arith.constant 1 : i32
      %scan3A_15 = scf.for %scan3A_469 = %scan3A_11 to %scan3A_13 step %scan3A_14 iter_args(%scan3A_470 = %scan3A) -> (i32)  : i32 {
        %mul3A = arith.constant 16 : i32
        %mul3A_471 = arith.muli %scan3A_469, %mul3A : i32
        %get3A = arith.index_cast %mul3A_471 : i32 to index
        %get3A_472 = tpu.vector_load %arg5[%get3A] {strides = array<i32>} : memref<384xf32, #tpu.memory_space<vmem>>, vector<16xf32>,
        %abs3A = math.absf %get3A_472 : vector<16xf32>
        %mul3A_473 = arith.constant 16 : i32
        %mul3A_474 = arith.muli %scan3A_469, %mul3A_473 : i32
        %swap3A_475 = arith.index_cast %mul3A_474 : i32 to index
        %swap3A_476 = tpu.vector_load %arg5[%swap3A_475] {strides = array<i32>} : memref<384xf32, #tpu.memory_space<vmem>>, vector<16xf32>,
        tpu.vector_store %arg5[%swap3A_475], %abs3A {strides = array<i32>} : memref<384xf32, #tpu.memory_space<vmem>>, vector<16xf32>,
        %scan3A_477 = arith.constant 0 : i32
        scf.yield %scan3A_477 : i32
      }
      %scan3A_16 = arith.constant 24 : i32
      %broadcast_in_dim3A = arith.constant 0 : i32
      %broadcast_in_dim3A_17 = vector.broadcast %broadcast_in_dim3A : i32 to vector<16xi32>
      %broadcast_in_dim3A_18 = arith.constant 0x7F800000 : f32
      %broadcast_in_dim3A_19 = vector.broadcast %broadcast_in_dim3A_18 : f32 to vector<16xf32>
      %scan3A_20 = arith.constant 0 : i32
      %scan3A_21 = arith.constant 24 : i32
      %scan3A_22 = arith.addi %scan3A_20, %scan3A_21 : i32
      %scan3A_23 = arith.constant 1 : i32
      %scan3A_24 = scf.for %scan3A_469 = %scan3A_20 to %scan3A_22 step %scan3A_23 iter_args(%scan3A_470 = %broadcast_in_dim3A_19) -> (vector<16xf32>)  : i32 {
        %mul3A = arith.constant 16 : i32
        %mul3A_471 = arith.muli %scan3A_469, %mul3A : i32
        %get3A = arith.index_cast %mul3A_471 : i32 to index
        %get3A_472 = tpu.vector_load %arg5[%get3A] {strides = array<i32>} : memref<384xf32, #tpu.memory_space<vmem>>, vector<16xf32>,
        %min3A_473 = arith.minimumf %scan3A_470, %get3A_472 : vector<16xf32>
        scf.yield %min3A_473 : vector<16xf32>
      }
      %scan3A_25 = arith.constant 24 : i32
      %bitcast3A = vector.bitcast %scan3A_24 : vector<16xf32> to vector<16xi32>
      %swap3A = arith.constant 0 : index
      %swap3A_26 = tpu.vector_load %arg6[%swap3A] {strides = array<i32>} : memref<16xi32, #tpu.memory_space<vmem>>, vector<16xi32>,
      tpu.vector_store %arg6[%swap3A], %bitcast3A {strides = array<i32>} : memref<16xi32, #tpu.memory_space<vmem>>, vector<16xi32>,
      %xor3A = arith.constant 1 : i32
      %xor3A_27 = vector.broadcast %xor3A : i32 to vector<16xi32>
      %xor3A_28 = arith.xori %iota3A, %xor3A_27 : vector<16xi32>
      %gather3A = tpu.vector_load_idx %arg6[%xor3A_28] : memref<16xi32, #tpu.memory_space<vmem>>[vector<16xi32>], vector<16xi32>,
      %bitcast3A_29 = vector.bitcast %gather3A : vector<16xi32> to vector<16xf32>
      %min3A = arith.minimumf %scan3A_24, %bitcast3A_29 : vector<16xf32>
      %bitcast3A_30 = vector.bitcast %min3A : vector<16xf32> to vector<16xi32>
      %swap3A_31 = arith.constant 0 : index
      %swap3A_32 = tpu.vector_load %arg6[%swap3A_31] {strides = array<i32>} : memref<16xi32, #tpu.memory_space<vmem>>, vector<16xi32>,
      tpu.vector_store %arg6[%swap3A_31], %bitcast3A_30 {strides = array<i32>} : memref<16xi32, #tpu.memory_space<vmem>>, vector<16xi32>,
      %xor3A_33 = arith.constant 2 : i32
      %xor3A_34 = vector.broadcast %xor3A_33 : i32 to vector<16xi32>
      %xor3A_35 = arith.xori %iota3A, %xor3A_34 : vector<16xi32>
      %gather3A_36 = tpu.vector_load_idx %arg6[%xor3A_35] : memref<16xi32, #tpu.memory_space<vmem>>[vector<16xi32>], vector<16xi32>,
      %bitcast3A_37 = vector.bitcast %gather3A_36 : vector<16xi32> to vector<16xf32>
      %min3A_38 = arith.minimumf %min3A, %bitcast3A_37 : vector<16xf32>
      %bitcast3A_39 = vector.bitcast %min3A_38 : vector<16xf32> to vector<16xi32>
      %swap3A_40 = arith.constant 0 : index
      %swap3A_41 = tpu.vector_load %arg6[%swap3A_40] {strides = array<i32>} : memref<16xi32, #tpu.memory_space<vmem>>, vector<16xi32>,
      tpu.vector_store %arg6[%swap3A_40], %bitcast3A_39 {strides = array<i32>} : memref<16xi32, #tpu.memory_space<vmem>>, vector<16xi32>,
      %xor3A_42 = arith.constant 4 : i32
      %xor3A_43 = vector.broadcast %xor3A_42 : i32 to vector<16xi32>
      %xor3A_44 = arith.xori %iota3A, %xor3A_43 : vector<16xi32>
      %gather3A_45 = tpu.vector_load_idx %arg6[%xor3A_44] : memref<16xi32, #tpu.memory_space<vmem>>[vector<16xi32>], vector<16xi32>,
      %bitcast3A_46 = vector.bitcast %gather3A_45 : vector<16xi32> to vector<16xf32>
      %min3A_47 = arith.minimumf %min3A_38, %bitcast3A_46 : vector<16xf32>
      %bitcast3A_48 = vector.bitcast %min3A_47 : vector<16xf32> to vector<16xi32>
      %swap3A_49 = arith.constant 0 : index
      %swap3A_50 = tpu.vector_load %arg6[%swap3A_49] {strides = array<i32>} : memref<16xi32, #tpu.memory_space<vmem>>, vector<16xi32>,
      tpu.vector_store %arg6[%swap3A_49], %bitcast3A_48 {strides = array<i32>} : memref<16xi32, #tpu.memory_space<vmem>>, vector<16xi32>,
      %xor3A_51 = arith.constant 8 : i32
      %xor3A_52 = vector.broadcast %xor3A_51 : i32 to vector<16xi32>
      %xor3A_53 = arith.xori %iota3A, %xor3A_52 : vector<16xi32>
      %gather3A_54 = tpu.vector_load_idx %arg6[%xor3A_53] : memref<16xi32, #tpu.memory_space<vmem>>[vector<16xi32>], vector<16xi32>,
      %bitcast3A_55 = vector.bitcast %gather3A_54 : vector<16xi32> to vector<16xf32>
      %min3A_56 = arith.minimumf %min3A_47, %bitcast3A_55 : vector<16xf32>
      %broadcast_in_dim3A_57 = arith.constant 1073741824 : i32
      %broadcast_in_dim3A_58 = vector.broadcast %broadcast_in_dim3A_57 : i32 to vector<16xi32>
      %scan3A_59 = arith.constant 0 : i32
      %scan3A_60 = arith.constant 24 : i32
      %scan3A_61 = arith.addi %scan3A_59, %scan3A_60 : i32
      %scan3A_62 = arith.constant 1 : i32
      %scan3A_63 = scf.for %scan3A_469 = %scan3A_59 to %scan3A_61 step %scan3A_62 iter_args(%scan3A_470 = %broadcast_in_dim3A_58) -> (vector<16xi32>)  : i32 {
        %mul3A = arith.constant 16 : i32
        %mul3A_471 = arith.muli %scan3A_469, %mul3A : i32
        %get3A = arith.index_cast %mul3A_471 : i32 to index
        %get3A_472 = tpu.vector_load %arg5[%get3A] {strides = array<i32>} : memref<384xf32, #tpu.memory_space<vmem>>, vector<16xf32>,
        %eq3A_473 = arith.cmpf oeq, %get3A_472, %min3A_56 : vector<16xf32>
        %mul3A_474 = arith.constant 16 : i32
        %mul3A_475 = arith.muli %scan3A_469, %mul3A_474 : i32
        %add3A = vector.broadcast %mul3A_475 : i32 to vector<16xi32>
        %add3A_476 = arith.addi %iota3A, %add3A : vector<16xi32>
        %jit3A = arith.constant 1073741824 : i32
        %broadcast_in_dim3A_477 = vector.broadcast %jit3A : i32 to vector<16xi32>
        %select_n3A_478 = arith.select %eq3A_473, %add3A_476, %broadcast_in_dim3A_477 : vector<16xi1>, vector<16xi32>
        %min3A_479 = arith.minsi %scan3A_470, %select_n3A_478 : vector<16xi32>
        scf.yield %min3A_479 : vector<16xi32>
      }
      %scan3A_64 = arith.constant 24 : i32
      %swap3A_65 = arith.constant 0 : index
      %swap3A_66 = tpu.vector_load %arg6[%swap3A_65] {strides = array<i32>} : memref<16xi32, #tpu.memory_space<vmem>>, vector<16xi32>,
      tpu.vector_store %arg6[%swap3A_65], %scan3A_63 {strides = array<i32>} : memref<16xi32, #tpu.memory_space<vmem>>, vector<16xi32>,
      %xor3A_67 = arith.constant 1 : i32
      %xor3A_68 = vector.broadcast %xor3A_67 : i32 to vector<16xi32>
      %xor3A_69 = arith.xori %iota3A, %xor3A_68 : vector<16xi32>
      %gather3A_70 = tpu.vector_load_idx %arg6[%xor3A_69] : memref<16xi32, #tpu.memory_space<vmem>>[vector<16xi32>], vector<16xi32>,
      %min3A_71 = arith.minsi %scan3A_63, %gather3A_70 : vector<16xi32>
      %swap3A_72 = arith.constant 0 : index
      %swap3A_73 = tpu.vector_load %arg6[%swap3A_72] {strides = array<i32>} : memref<16xi32, #tpu.memory_space<vmem>>, vector<16xi32>,
      tpu.vector_store %arg6[%swap3A_72], %min3A_71 {strides = array<i32>} : memref<16xi32, #tpu.memory_space<vmem>>, vector<16xi32>,
      %xor3A_74 = arith.constant 2 : i32
      %xor3A_75 = vector.broadcast %xor3A_74 : i32 to vector<16xi32>
      %xor3A_76 = arith.xori %iota3A, %xor3A_75 : vector<16xi32>
      %gather3A_77 = tpu.vector_load_idx %arg6[%xor3A_76] : memref<16xi32, #tpu.memory_space<vmem>>[vector<16xi32>], vector<16xi32>,
      %min3A_78 = arith.minsi %min3A_71, %gather3A_77 : vector<16xi32>
      %swap3A_79 = arith.constant 0 : index
      %swap3A_80 = tpu.vector_load %arg6[%swap3A_79] {strides = array<i32>} : memref<16xi32, #tpu.memory_space<vmem>>, vector<16xi32>,
      tpu.vector_store %arg6[%swap3A_79], %min3A_78 {strides = array<i32>} : memref<16xi32, #tpu.memory_space<vmem>>, vector<16xi32>,
      %xor3A_81 = arith.constant 4 : i32
      %xor3A_82 = vector.broadcast %xor3A_81 : i32 to vector<16xi32>
      %xor3A_83 = arith.xori %iota3A, %xor3A_82 : vector<16xi32>
      %gather3A_84 = tpu.vector_load_idx %arg6[%xor3A_83] : memref<16xi32, #tpu.memory_space<vmem>>[vector<16xi32>], vector<16xi32>,
      %min3A_85 = arith.minsi %min3A_78, %gather3A_84 : vector<16xi32>
      %swap3A_86 = arith.constant 0 : index
      %swap3A_87 = tpu.vector_load %arg6[%swap3A_86] {strides = array<i32>} : memref<16xi32, #tpu.memory_space<vmem>>, vector<16xi32>,
      tpu.vector_store %arg6[%swap3A_86], %min3A_85 {strides = array<i32>} : memref<16xi32, #tpu.memory_space<vmem>>, vector<16xi32>,
      %xor3A_88 = arith.constant 8 : i32
      %xor3A_89 = vector.broadcast %xor3A_88 : i32 to vector<16xi32>
      %xor3A_90 = arith.xori %iota3A, %xor3A_89 : vector<16xi32>
      %gather3A_91 = tpu.vector_load_idx %arg6[%xor3A_90] : memref<16xi32, #tpu.memory_space<vmem>>[vector<16xi32>], vector<16xi32>,
      %min3A_92 = arith.minsi %min3A_85, %gather3A_91 : vector<16xi32>
      %scan3A_93 = arith.constant 0 : i32
      %scan3A_94 = arith.constant 0 : i32
      %scan3A_95 = arith.constant 24 : i32
      %scan3A_96 = arith.addi %scan3A_94, %scan3A_95 : i32
      %scan3A_97 = arith.constant 1 : i32
      %scan3A_98 = scf.for %scan3A_469 = %scan3A_94 to %scan3A_96 step %scan3A_97 iter_args(%scan3A_470 = %scan3A_93) -> (i32)  : i32 {
        %mul3A = arith.constant 16 : i32
        %mul3A_471 = arith.muli %scan3A_469, %mul3A : i32
        %get3A = arith.index_cast %mul3A_471 : i32 to index
        %get3A_472 = tpu.vector_load %arg5[%get3A] {strides = array<i32>} : memref<384xf32, #tpu.memory_space<vmem>>, vector<16xf32>,
        %mul3A_473 = arith.constant 16 : i32
        %mul3A_474 = arith.muli %scan3A_469, %mul3A_473 : i32
        %add3A = vector.broadcast %mul3A_474 : i32 to vector<16xi32>
        %add3A_475 = arith.addi %iota3A, %add3A : vector<16xi32>
        %eq3A_476 = arith.cmpi eq, %add3A_475, %min3A_92 : vector<16xi32>
        %jit3A = arith.constant 0x7F800000 : f32
        %broadcast_in_dim3A_477 = vector.broadcast %jit3A : f32 to vector<16xf32>
        %select_n3A_478 = arith.select %eq3A_476, %broadcast_in_dim3A_477, %get3A_472 : vector<16xi1>, vector<16xf32>
        %mul3A_479 = arith.constant 16 : i32
        %mul3A_480 = arith.muli %scan3A_469, %mul3A_479 : i32
        %swap3A_481 = arith.index_cast %mul3A_480 : i32 to index
        %swap3A_482 = tpu.vector_load %arg5[%swap3A_481] {strides = array<i32>} : memref<384xf32, #tpu.memory_space<vmem>>, vector<16xf32>,
        tpu.vector_store %arg5[%swap3A_481], %select_n3A_478 {strides = array<i32>} : memref<384xf32, #tpu.memory_space<vmem>>, vector<16xf32>,
        %scan3A_483 = arith.constant 0 : i32
        scf.yield %scan3A_483 : i32
      }
      %scan3A_99 = arith.constant 24 : i32
      %eq3A_100 = arith.constant 0 : i32
      %eq3A_101 = vector.broadcast %eq3A_100 : i32 to vector<16xi32>
      %eq3A_102 = arith.cmpi eq, %iota3A, %eq3A_101 : vector<16xi32>
      %select_n3A = arith.select %eq3A_102, %min3A_92, %broadcast_in_dim3A_17 : vector<16xi1>, vector<16xi32>
      %broadcast_in_dim3A_103 = arith.constant 0x7F800000 : f32
      %broadcast_in_dim3A_104 = vector.broadcast %broadcast_in_dim3A_103 : f32 to vector<16xf32>
      %scan3A_105 = arith.constant 0 : i32
      %scan3A_106 = arith.constant 24 : i32
      %scan3A_107 = arith.addi %scan3A_105, %scan3A_106 : i32
      %scan3A_108 = arith.constant 1 : i32
      %scan3A_109 = scf.for %scan3A_469 = %scan3A_105 to %scan3A_107 step %scan3A_108 iter_args(%scan3A_470 = %broadcast_in_dim3A_104) -> (vector<16xf32>)  : i32 {
        %mul3A = arith.constant 16 : i32
        %mul3A_471 = arith.muli %scan3A_469, %mul3A : i32
        %get3A = arith.index_cast %mul3A_471 : i32 to index
        %get3A_472 = tpu.vector_load %arg5[%get3A] {strides = array<i32>} : memref<384xf32, #tpu.memory_space<vmem>>, vector<16xf32>,
        %min3A_473 = arith.minimumf %scan3A_470, %get3A_472 : vector<16xf32>
        scf.yield %min3A_473 : vector<16xf32>
      }
      %scan3A_110 = arith.constant 24 : i32
      %bitcast3A_111 = vector.bitcast %scan3A_109 : vector<16xf32> to vector<16xi32>
      %swap3A_112 = arith.constant 0 : index
      %swap3A_113 = tpu.vector_load %arg6[%swap3A_112] {strides = array<i32>} : memref<16xi32, #tpu.memory_space<vmem>>, vector<16xi32>,
      tpu.vector_store %arg6[%swap3A_112], %bitcast3A_111 {strides = array<i32>} : memref<16xi32, #tpu.memory_space<vmem>>, vector<16xi32>,
      %xor3A_114 = arith.constant 1 : i32
      %xor3A_115 = vector.broadcast %xor3A_114 : i32 to vector<16xi32>
      %xor3A_116 = arith.xori %iota3A, %xor3A_115 : vector<16xi32>
      %gather3A_117 = tpu.vector_load_idx %arg6[%xor3A_116] : memref<16xi32, #tpu.memory_space<vmem>>[vector<16xi32>], vector<16xi32>,
      %bitcast3A_118 = vector.bitcast %gather3A_117 : vector<16xi32> to vector<16xf32>
      %min3A_119 = arith.minimumf %scan3A_109, %bitcast3A_118 : vector<16xf32>
      %bitcast3A_120 = vector.bitcast %min3A_119 : vector<16xf32> to vector<16xi32>
      %swap3A_121 = arith.constant 0 : index
      %swap3A_122 = tpu.vector_load %arg6[%swap3A_121] {strides = array<i32>} : memref<16xi32, #tpu.memory_space<vmem>>, vector<16xi32>,
      tpu.vector_store %arg6[%swap3A_121], %bitcast3A_120 {strides = array<i32>} : memref<16xi32, #tpu.memory_space<vmem>>, vector<16xi32>,
      %xor3A_123 = arith.constant 2 : i32
      %xor3A_124 = vector.broadcast %xor3A_123 : i32 to vector<16xi32>
      %xor3A_125 = arith.xori %iota3A, %xor3A_124 : vector<16xi32>
      %gather3A_126 = tpu.vector_load_idx %arg6[%xor3A_125] : memref<16xi32, #tpu.memory_space<vmem>>[vector<16xi32>], vector<16xi32>,
      %bitcast3A_127 = vector.bitcast %gather3A_126 : vector<16xi32> to vector<16xf32>
      %min3A_128 = arith.minimumf %min3A_119, %bitcast3A_127 : vector<16xf32>
      %bitcast3A_129 = vector.bitcast %min3A_128 : vector<16xf32> to vector<16xi32>
      %swap3A_130 = arith.constant 0 : index
      %swap3A_131 = tpu.vector_load %arg6[%swap3A_130] {strides = array<i32>} : memref<16xi32, #tpu.memory_space<vmem>>, vector<16xi32>,
      tpu.vector_store %arg6[%swap3A_130], %bitcast3A_129 {strides = array<i32>} : memref<16xi32, #tpu.memory_space<vmem>>, vector<16xi32>,
      %xor3A_132 = arith.constant 4 : i32
      %xor3A_133 = vector.broadcast %xor3A_132 : i32 to vector<16xi32>
      %xor3A_134 = arith.xori %iota3A, %xor3A_133 : vector<16xi32>
      %gather3A_135 = tpu.vector_load_idx %arg6[%xor3A_134] : memref<16xi32, #tpu.memory_space<vmem>>[vector<16xi32>], vector<16xi32>,
      %bitcast3A_136 = vector.bitcast %gather3A_135 : vector<16xi32> to vector<16xf32>
      %min3A_137 = arith.minimumf %min3A_128, %bitcast3A_136 : vector<16xf32>
      %bitcast3A_138 = vector.bitcast %min3A_137 : vector<16xf32> to vector<16xi32>
      %swap3A_139 = arith.constant 0 : index
      %swap3A_140 = tpu.vector_load %arg6[%swap3A_139] {strides = array<i32>} : memref<16xi32, #tpu.memory_space<vmem>>, vector<16xi32>,
      tpu.vector_store %arg6[%swap3A_139], %bitcast3A_138 {strides = array<i32>} : memref<16xi32, #tpu.memory_space<vmem>>, vector<16xi32>,
      %xor3A_141 = arith.constant 8 : i32
      %xor3A_142 = vector.broadcast %xor3A_141 : i32 to vector<16xi32>
      %xor3A_143 = arith.xori %iota3A, %xor3A_142 : vector<16xi32>
      %gather3A_144 = tpu.vector_load_idx %arg6[%xor3A_143] : memref<16xi32, #tpu.memory_space<vmem>>[vector<16xi32>], vector<16xi32>,
      %bitcast3A_145 = vector.bitcast %gather3A_144 : vector<16xi32> to vector<16xf32>
      %min3A_146 = arith.minimumf %min3A_137, %bitcast3A_145 : vector<16xf32>
      %broadcast_in_dim3A_147 = arith.constant 1073741824 : i32
      %broadcast_in_dim3A_148 = vector.broadcast %broadcast_in_dim3A_147 : i32 to vector<16xi32>
      %scan3A_149 = arith.constant 0 : i32
      %scan3A_150 = arith.constant 24 : i32
      %scan3A_151 = arith.addi %scan3A_149, %scan3A_150 : i32
      %scan3A_152 = arith.constant 1 : i32
      %scan3A_153 = scf.for %scan3A_469 = %scan3A_149 to %scan3A_151 step %scan3A_152 iter_args(%scan3A_470 = %broadcast_in_dim3A_148) -> (vector<16xi32>)  : i32 {
        %mul3A = arith.constant 16 : i32
        %mul3A_471 = arith.muli %scan3A_469, %mul3A : i32
        %get3A = arith.index_cast %mul3A_471 : i32 to index
        %get3A_472 = tpu.vector_load %arg5[%get3A] {strides = array<i32>} : memref<384xf32, #tpu.memory_space<vmem>>, vector<16xf32>,
        %eq3A_473 = arith.cmpf oeq, %get3A_472, %min3A_146 : vector<16xf32>
        %mul3A_474 = arith.constant 16 : i32
        %mul3A_475 = arith.muli %scan3A_469, %mul3A_474 : i32
        %add3A = vector.broadcast %mul3A_475 : i32 to vector<16xi32>
        %add3A_476 = arith.addi %iota3A, %add3A : vector<16xi32>
        %jit3A = arith.constant 1073741824 : i32
        %broadcast_in_dim3A_477 = vector.broadcast %jit3A : i32 to vector<16xi32>
        %select_n3A_478 = arith.select %eq3A_473, %add3A_476, %broadcast_in_dim3A_477 : vector<16xi1>, vector<16xi32>
        %min3A_479 = arith.minsi %scan3A_470, %select_n3A_478 : vector<16xi32>
        scf.yield %min3A_479 : vector<16xi32>
      }
      %scan3A_154 = arith.constant 24 : i32
      %swap3A_155 = arith.constant 0 : index
      %swap3A_156 = tpu.vector_load %arg6[%swap3A_155] {strides = array<i32>} : memref<16xi32, #tpu.memory_space<vmem>>, vector<16xi32>,
      tpu.vector_store %arg6[%swap3A_155], %scan3A_153 {strides = array<i32>} : memref<16xi32, #tpu.memory_space<vmem>>, vector<16xi32>,
      %xor3A_157 = arith.constant 1 : i32
      %xor3A_158 = vector.broadcast %xor3A_157 : i32 to vector<16xi32>
      %xor3A_159 = arith.xori %iota3A, %xor3A_158 : vector<16xi32>
      %gather3A_160 = tpu.vector_load_idx %arg6[%xor3A_159] : memref<16xi32, #tpu.memory_space<vmem>>[vector<16xi32>], vector<16xi32>,
      %min3A_161 = arith.minsi %scan3A_153, %gather3A_160 : vector<16xi32>
      %swap3A_162 = arith.constant 0 : index
      %swap3A_163 = tpu.vector_load %arg6[%swap3A_162] {strides = array<i32>} : memref<16xi32, #tpu.memory_space<vmem>>, vector<16xi32>,
      tpu.vector_store %arg6[%swap3A_162], %min3A_161 {strides = array<i32>} : memref<16xi32, #tpu.memory_space<vmem>>, vector<16xi32>,
      %xor3A_164 = arith.constant 2 : i32
      %xor3A_165 = vector.broadcast %xor3A_164 : i32 to vector<16xi32>
      %xor3A_166 = arith.xori %iota3A, %xor3A_165 : vector<16xi32>
      %gather3A_167 = tpu.vector_load_idx %arg6[%xor3A_166] : memref<16xi32, #tpu.memory_space<vmem>>[vector<16xi32>], vector<16xi32>,
      %min3A_168 = arith.minsi %min3A_161, %gather3A_167 : vector<16xi32>
      %swap3A_169 = arith.constant 0 : index
      %swap3A_170 = tpu.vector_load %arg6[%swap3A_169] {strides = array<i32>} : memref<16xi32, #tpu.memory_space<vmem>>, vector<16xi32>,
      tpu.vector_store %arg6[%swap3A_169], %min3A_168 {strides = array<i32>} : memref<16xi32, #tpu.memory_space<vmem>>, vector<16xi32>,
      %xor3A_171 = arith.constant 4 : i32
      %xor3A_172 = vector.broadcast %xor3A_171 : i32 to vector<16xi32>
      %xor3A_173 = arith.xori %iota3A, %xor3A_172 : vector<16xi32>
      %gather3A_174 = tpu.vector_load_idx %arg6[%xor3A_173] : memref<16xi32, #tpu.memory_space<vmem>>[vector<16xi32>], vector<16xi32>,
      %min3A_175 = arith.minsi %min3A_168, %gather3A_174 : vector<16xi32>
      %swap3A_176 = arith.constant 0 : index
      %swap3A_177 = tpu.vector_load %arg6[%swap3A_176] {strides = array<i32>} : memref<16xi32, #tpu.memory_space<vmem>>, vector<16xi32>,
      tpu.vector_store %arg6[%swap3A_176], %min3A_175 {strides = array<i32>} : memref<16xi32, #tpu.memory_space<vmem>>, vector<16xi32>,
      %xor3A_178 = arith.constant 8 : i32
      %xor3A_179 = vector.broadcast %xor3A_178 : i32 to vector<16xi32>
      %xor3A_180 = arith.xori %iota3A, %xor3A_179 : vector<16xi32>
      %gather3A_181 = tpu.vector_load_idx %arg6[%xor3A_180] : memref<16xi32, #tpu.memory_space<vmem>>[vector<16xi32>], vector<16xi32>,
      %min3A_182 = arith.minsi %min3A_175, %gather3A_181 : vector<16xi32>
      %scan3A_183 = arith.constant 0 : i32
      %scan3A_184 = arith.constant 0 : i32
      %scan3A_185 = arith.constant 24 : i32
      %scan3A_186 = arith.addi %scan3A_184, %scan3A_185 : i32
      %scan3A_187 = arith.constant 1 : i32
      %scan3A_188 = scf.for %scan3A_469 = %scan3A_184 to %scan3A_186 step %scan3A_187 iter_args(%scan3A_470 = %scan3A_183) -> (i32)  : i32 {
        %mul3A = arith.constant 16 : i32
        %mul3A_471 = arith.muli %scan3A_469, %mul3A : i32
        %get3A = arith.index_cast %mul3A_471 : i32 to index
        %get3A_472 = tpu.vector_load %arg5[%get3A] {strides = array<i32>} : memref<384xf32, #tpu.memory_space<vmem>>, vector<16xf32>,
        %mul3A_473 = arith.constant 16 : i32
        %mul3A_474 = arith.muli %scan3A_469, %mul3A_473 : i32
        %add3A = vector.broadcast %mul3A_474 : i32 to vector<16xi32>
        %add3A_475 = arith.addi %iota3A, %add3A : vector<16xi32>
        %eq3A_476 = arith.cmpi eq, %add3A_475, %min3A_182 : vector<16xi32>
        %jit3A = arith.constant 0x7F800000 : f32
        %broadcast_in_dim3A_477 = vector.broadcast %jit3A : f32 to vector<16xf32>
        %select_n3A_478 = arith.select %eq3A_476, %broadcast_in_dim3A_477, %get3A_472 : vector<16xi1>, vector<16xf32>
        %mul3A_479 = arith.constant 16 : i32
        %mul3A_480 = arith.muli %scan3A_469, %mul3A_479 : i32
        %swap3A_481 = arith.index_cast %mul3A_480 : i32 to index
        %swap3A_482 = tpu.vector_load %arg5[%swap3A_481] {strides = array<i32>} : memref<384xf32, #tpu.memory_space<vmem>>, vector<16xf32>,
        tpu.vector_store %arg5[%swap3A_481], %select_n3A_478 {strides = array<i32>} : memref<384xf32, #tpu.memory_space<vmem>>, vector<16xf32>,
        %scan3A_483 = arith.constant 0 : i32
        scf.yield %scan3A_483 : i32
      }
      %scan3A_189 = arith.constant 24 : i32
      %eq3A_190 = arith.constant 1 : i32
      %eq3A_191 = vector.broadcast %eq3A_190 : i32 to vector<16xi32>
      %eq3A_192 = arith.cmpi eq, %iota3A, %eq3A_191 : vector<16xi32>
      %select_n3A_193 = arith.select %eq3A_192, %min3A_182, %select_n3A : vector<16xi1>, vector<16xi32>
      %broadcast_in_dim3A_194 = arith.constant 0x7F800000 : f32
      %broadcast_in_dim3A_195 = vector.broadcast %broadcast_in_dim3A_194 : f32 to vector<16xf32>
      %scan3A_196 = arith.constant 0 : i32
      %scan3A_197 = arith.constant 24 : i32
      %scan3A_198 = arith.addi %scan3A_196, %scan3A_197 : i32
      %scan3A_199 = arith.constant 1 : i32
      %scan3A_200 = scf.for %scan3A_469 = %scan3A_196 to %scan3A_198 step %scan3A_199 iter_args(%scan3A_470 = %broadcast_in_dim3A_195) -> (vector<16xf32>)  : i32 {
        %mul3A = arith.constant 16 : i32
        %mul3A_471 = arith.muli %scan3A_469, %mul3A : i32
        %get3A = arith.index_cast %mul3A_471 : i32 to index
        %get3A_472 = tpu.vector_load %arg5[%get3A] {strides = array<i32>} : memref<384xf32, #tpu.memory_space<vmem>>, vector<16xf32>,
        %min3A_473 = arith.minimumf %scan3A_470, %get3A_472 : vector<16xf32>
        scf.yield %min3A_473 : vector<16xf32>
      }
      %scan3A_201 = arith.constant 24 : i32
      %bitcast3A_202 = vector.bitcast %scan3A_200 : vector<16xf32> to vector<16xi32>
      %swap3A_203 = arith.constant 0 : index
      %swap3A_204 = tpu.vector_load %arg6[%swap3A_203] {strides = array<i32>} : memref<16xi32, #tpu.memory_space<vmem>>, vector<16xi32>,
      tpu.vector_store %arg6[%swap3A_203], %bitcast3A_202 {strides = array<i32>} : memref<16xi32, #tpu.memory_space<vmem>>, vector<16xi32>,
      %xor3A_205 = arith.constant 1 : i32
      %xor3A_206 = vector.broadcast %xor3A_205 : i32 to vector<16xi32>
      %xor3A_207 = arith.xori %iota3A, %xor3A_206 : vector<16xi32>
      %gather3A_208 = tpu.vector_load_idx %arg6[%xor3A_207] : memref<16xi32, #tpu.memory_space<vmem>>[vector<16xi32>], vector<16xi32>,
      %bitcast3A_209 = vector.bitcast %gather3A_208 : vector<16xi32> to vector<16xf32>
      %min3A_210 = arith.minimumf %scan3A_200, %bitcast3A_209 : vector<16xf32>
      %bitcast3A_211 = vector.bitcast %min3A_210 : vector<16xf32> to vector<16xi32>
      %swap3A_212 = arith.constant 0 : index
      %swap3A_213 = tpu.vector_load %arg6[%swap3A_212] {strides = array<i32>} : memref<16xi32, #tpu.memory_space<vmem>>, vector<16xi32>,
      tpu.vector_store %arg6[%swap3A_212], %bitcast3A_211 {strides = array<i32>} : memref<16xi32, #tpu.memory_space<vmem>>, vector<16xi32>,
      %xor3A_214 = arith.constant 2 : i32
      %xor3A_215 = vector.broadcast %xor3A_214 : i32 to vector<16xi32>
      %xor3A_216 = arith.xori %iota3A, %xor3A_215 : vector<16xi32>
      %gather3A_217 = tpu.vector_load_idx %arg6[%xor3A_216] : memref<16xi32, #tpu.memory_space<vmem>>[vector<16xi32>], vector<16xi32>,
      %bitcast3A_218 = vector.bitcast %gather3A_217 : vector<16xi32> to vector<16xf32>
      %min3A_219 = arith.minimumf %min3A_210, %bitcast3A_218 : vector<16xf32>
      %bitcast3A_220 = vector.bitcast %min3A_219 : vector<16xf32> to vector<16xi32>
      %swap3A_221 = arith.constant 0 : index
      %swap3A_222 = tpu.vector_load %arg6[%swap3A_221] {strides = array<i32>} : memref<16xi32, #tpu.memory_space<vmem>>, vector<16xi32>,
      tpu.vector_store %arg6[%swap3A_221], %bitcast3A_220 {strides = array<i32>} : memref<16xi32, #tpu.memory_space<vmem>>, vector<16xi32>,
      %xor3A_223 = arith.constant 4 : i32
      %xor3A_224 = vector.broadcast %xor3A_223 : i32 to vector<16xi32>
      %xor3A_225 = arith.xori %iota3A, %xor3A_224 : vector<16xi32>
      %gather3A_226 = tpu.vector_load_idx %arg6[%xor3A_225] : memref<16xi32, #tpu.memory_space<vmem>>[vector<16xi32>], vector<16xi32>,
      %bitcast3A_227 = vector.bitcast %gather3A_226 : vector<16xi32> to vector<16xf32>
      %min3A_228 = arith.minimumf %min3A_219, %bitcast3A_227 : vector<16xf32>
      %bitcast3A_229 = vector.bitcast %min3A_228 : vector<16xf32> to vector<16xi32>
      %swap3A_230 = arith.constant 0 : index
      %swap3A_231 = tpu.vector_load %arg6[%swap3A_230] {strides = array<i32>} : memref<16xi32, #tpu.memory_space<vmem>>, vector<16xi32>,
      tpu.vector_store %arg6[%swap3A_230], %bitcast3A_229 {strides = array<i32>} : memref<16xi32, #tpu.memory_space<vmem>>, vector<16xi32>,
      %xor3A_232 = arith.constant 8 : i32
      %xor3A_233 = vector.broadcast %xor3A_232 : i32 to vector<16xi32>
      %xor3A_234 = arith.xori %iota3A, %xor3A_233 : vector<16xi32>
      %gather3A_235 = tpu.vector_load_idx %arg6[%xor3A_234] : memref<16xi32, #tpu.memory_space<vmem>>[vector<16xi32>], vector<16xi32>,
      %bitcast3A_236 = vector.bitcast %gather3A_235 : vector<16xi32> to vector<16xf32>
      %min3A_237 = arith.minimumf %min3A_228, %bitcast3A_236 : vector<16xf32>
      %broadcast_in_dim3A_238 = arith.constant 1073741824 : i32
      %broadcast_in_dim3A_239 = vector.broadcast %broadcast_in_dim3A_238 : i32 to vector<16xi32>
      %scan3A_240 = arith.constant 0 : i32
      %scan3A_241 = arith.constant 24 : i32
      %scan3A_242 = arith.addi %scan3A_240, %scan3A_241 : i32
      %scan3A_243 = arith.constant 1 : i32
      %scan3A_244 = scf.for %scan3A_469 = %scan3A_240 to %scan3A_242 step %scan3A_243 iter_args(%scan3A_470 = %broadcast_in_dim3A_239) -> (vector<16xi32>)  : i32 {
        %mul3A = arith.constant 16 : i32
        %mul3A_471 = arith.muli %scan3A_469, %mul3A : i32
        %get3A = arith.index_cast %mul3A_471 : i32 to index
        %get3A_472 = tpu.vector_load %arg5[%get3A] {strides = array<i32>} : memref<384xf32, #tpu.memory_space<vmem>>, vector<16xf32>,
        %eq3A_473 = arith.cmpf oeq, %get3A_472, %min3A_237 : vector<16xf32>
        %mul3A_474 = arith.constant 16 : i32
        %mul3A_475 = arith.muli %scan3A_469, %mul3A_474 : i32
        %add3A = vector.broadcast %mul3A_475 : i32 to vector<16xi32>
        %add3A_476 = arith.addi %iota3A, %add3A : vector<16xi32>
        %jit3A = arith.constant 1073741824 : i32
        %broadcast_in_dim3A_477 = vector.broadcast %jit3A : i32 to vector<16xi32>
        %select_n3A_478 = arith.select %eq3A_473, %add3A_476, %broadcast_in_dim3A_477 : vector<16xi1>, vector<16xi32>
        %min3A_479 = arith.minsi %scan3A_470, %select_n3A_478 : vector<16xi32>
        scf.yield %min3A_479 : vector<16xi32>
      }
      %scan3A_245 = arith.constant 24 : i32
      %swap3A_246 = arith.constant 0 : index
      %swap3A_247 = tpu.vector_load %arg6[%swap3A_246] {strides = array<i32>} : memref<16xi32, #tpu.memory_space<vmem>>, vector<16xi32>,
      tpu.vector_store %arg6[%swap3A_246], %scan3A_244 {strides = array<i32>} : memref<16xi32, #tpu.memory_space<vmem>>, vector<16xi32>,
      %xor3A_248 = arith.constant 1 : i32
      %xor3A_249 = vector.broadcast %xor3A_248 : i32 to vector<16xi32>
      %xor3A_250 = arith.xori %iota3A, %xor3A_249 : vector<16xi32>
      %gather3A_251 = tpu.vector_load_idx %arg6[%xor3A_250] : memref<16xi32, #tpu.memory_space<vmem>>[vector<16xi32>], vector<16xi32>,
      %min3A_252 = arith.minsi %scan3A_244, %gather3A_251 : vector<16xi32>
      %swap3A_253 = arith.constant 0 : index
      %swap3A_254 = tpu.vector_load %arg6[%swap3A_253] {strides = array<i32>} : memref<16xi32, #tpu.memory_space<vmem>>, vector<16xi32>,
      tpu.vector_store %arg6[%swap3A_253], %min3A_252 {strides = array<i32>} : memref<16xi32, #tpu.memory_space<vmem>>, vector<16xi32>,
      %xor3A_255 = arith.constant 2 : i32
      %xor3A_256 = vector.broadcast %xor3A_255 : i32 to vector<16xi32>
      %xor3A_257 = arith.xori %iota3A, %xor3A_256 : vector<16xi32>
      %gather3A_258 = tpu.vector_load_idx %arg6[%xor3A_257] : memref<16xi32, #tpu.memory_space<vmem>>[vector<16xi32>], vector<16xi32>,
      %min3A_259 = arith.minsi %min3A_252, %gather3A_258 : vector<16xi32>
      %swap3A_260 = arith.constant 0 : index
      %swap3A_261 = tpu.vector_load %arg6[%swap3A_260] {strides = array<i32>} : memref<16xi32, #tpu.memory_space<vmem>>, vector<16xi32>,
      tpu.vector_store %arg6[%swap3A_260], %min3A_259 {strides = array<i32>} : memref<16xi32, #tpu.memory_space<vmem>>, vector<16xi32>,
      %xor3A_262 = arith.constant 4 : i32
      %xor3A_263 = vector.broadcast %xor3A_262 : i32 to vector<16xi32>
      %xor3A_264 = arith.xori %iota3A, %xor3A_263 : vector<16xi32>
      %gather3A_265 = tpu.vector_load_idx %arg6[%xor3A_264] : memref<16xi32, #tpu.memory_space<vmem>>[vector<16xi32>], vector<16xi32>,
      %min3A_266 = arith.minsi %min3A_259, %gather3A_265 : vector<16xi32>
      %swap3A_267 = arith.constant 0 : index
      %swap3A_268 = tpu.vector_load %arg6[%swap3A_267] {strides = array<i32>} : memref<16xi32, #tpu.memory_space<vmem>>, vector<16xi32>,
      tpu.vector_store %arg6[%swap3A_267], %min3A_266 {strides = array<i32>} : memref<16xi32, #tpu.memory_space<vmem>>, vector<16xi32>,
      %xor3A_269 = arith.constant 8 : i32
      %xor3A_270 = vector.broadcast %xor3A_269 : i32 to vector<16xi32>
      %xor3A_271 = arith.xori %iota3A, %xor3A_270 : vector<16xi32>
      %gather3A_272 = tpu.vector_load_idx %arg6[%xor3A_271] : memref<16xi32, #tpu.memory_space<vmem>>[vector<16xi32>], vector<16xi32>,
      %min3A_273 = arith.minsi %min3A_266, %gather3A_272 : vector<16xi32>
      %scan3A_274 = arith.constant 0 : i32
      %scan3A_275 = arith.constant 0 : i32
      %scan3A_276 = arith.constant 24 : i32
      %scan3A_277 = arith.addi %scan3A_275, %scan3A_276 : i32
      %scan3A_278 = arith.constant 1 : i32
      %scan3A_279 = scf.for %scan3A_469 = %scan3A_275 to %scan3A_277 step %scan3A_278 iter_args(%scan3A_470 = %scan3A_274) -> (i32)  : i32 {
        %mul3A = arith.constant 16 : i32
        %mul3A_471 = arith.muli %scan3A_469, %mul3A : i32
        %get3A = arith.index_cast %mul3A_471 : i32 to index
        %get3A_472 = tpu.vector_load %arg5[%get3A] {strides = array<i32>} : memref<384xf32, #tpu.memory_space<vmem>>, vector<16xf32>,
        %mul3A_473 = arith.constant 16 : i32
        %mul3A_474 = arith.muli %scan3A_469, %mul3A_473 : i32
        %add3A = vector.broadcast %mul3A_474 : i32 to vector<16xi32>
        %add3A_475 = arith.addi %iota3A, %add3A : vector<16xi32>
        %eq3A_476 = arith.cmpi eq, %add3A_475, %min3A_273 : vector<16xi32>
        %jit3A = arith.constant 0x7F800000 : f32
        %broadcast_in_dim3A_477 = vector.broadcast %jit3A : f32 to vector<16xf32>
        %select_n3A_478 = arith.select %eq3A_476, %broadcast_in_dim3A_477, %get3A_472 : vector<16xi1>, vector<16xf32>
        %mul3A_479 = arith.constant 16 : i32
        %mul3A_480 = arith.muli %scan3A_469, %mul3A_479 : i32
        %swap3A_481 = arith.index_cast %mul3A_480 : i32 to index
        %swap3A_482 = tpu.vector_load %arg5[%swap3A_481] {strides = array<i32>} : memref<384xf32, #tpu.memory_space<vmem>>, vector<16xf32>,
        tpu.vector_store %arg5[%swap3A_481], %select_n3A_478 {strides = array<i32>} : memref<384xf32, #tpu.memory_space<vmem>>, vector<16xf32>,
        %scan3A_483 = arith.constant 0 : i32
        scf.yield %scan3A_483 : i32
      }
      %scan3A_280 = arith.constant 24 : i32
      %eq3A_281 = arith.constant 2 : i32
      %eq3A_282 = vector.broadcast %eq3A_281 : i32 to vector<16xi32>
      %eq3A_283 = arith.cmpi eq, %iota3A, %eq3A_282 : vector<16xi32>
      %select_n3A_284 = arith.select %eq3A_283, %min3A_273, %select_n3A_193 : vector<16xi1>, vector<16xi32>
      %broadcast_in_dim3A_285 = arith.constant 0x7F800000 : f32
      %broadcast_in_dim3A_286 = vector.broadcast %broadcast_in_dim3A_285 : f32 to vector<16xf32>
      %scan3A_287 = arith.constant 0 : i32
      %scan3A_288 = arith.constant 24 : i32
      %scan3A_289 = arith.addi %scan3A_287, %scan3A_288 : i32
      %scan3A_290 = arith.constant 1 : i32
      %scan3A_291 = scf.for %scan3A_469 = %scan3A_287 to %scan3A_289 step %scan3A_290 iter_args(%scan3A_470 = %broadcast_in_dim3A_286) -> (vector<16xf32>)  : i32 {
        %mul3A = arith.constant 16 : i32
        %mul3A_471 = arith.muli %scan3A_469, %mul3A : i32
        %get3A = arith.index_cast %mul3A_471 : i32 to index
        %get3A_472 = tpu.vector_load %arg5[%get3A] {strides = array<i32>} : memref<384xf32, #tpu.memory_space<vmem>>, vector<16xf32>,
        %min3A_473 = arith.minimumf %scan3A_470, %get3A_472 : vector<16xf32>
        scf.yield %min3A_473 : vector<16xf32>
      }
      %scan3A_292 = arith.constant 24 : i32
      %bitcast3A_293 = vector.bitcast %scan3A_291 : vector<16xf32> to vector<16xi32>
      %swap3A_294 = arith.constant 0 : index
      %swap3A_295 = tpu.vector_load %arg6[%swap3A_294] {strides = array<i32>} : memref<16xi32, #tpu.memory_space<vmem>>, vector<16xi32>,
      tpu.vector_store %arg6[%swap3A_294], %bitcast3A_293 {strides = array<i32>} : memref<16xi32, #tpu.memory_space<vmem>>, vector<16xi32>,
      %xor3A_296 = arith.constant 1 : i32
      %xor3A_297 = vector.broadcast %xor3A_296 : i32 to vector<16xi32>
      %xor3A_298 = arith.xori %iota3A, %xor3A_297 : vector<16xi32>
      %gather3A_299 = tpu.vector_load_idx %arg6[%xor3A_298] : memref<16xi32, #tpu.memory_space<vmem>>[vector<16xi32>], vector<16xi32>,
      %bitcast3A_300 = vector.bitcast %gather3A_299 : vector<16xi32> to vector<16xf32>
      %min3A_301 = arith.minimumf %scan3A_291, %bitcast3A_300 : vector<16xf32>
      %bitcast3A_302 = vector.bitcast %min3A_301 : vector<16xf32> to vector<16xi32>
      %swap3A_303 = arith.constant 0 : index
      %swap3A_304 = tpu.vector_load %arg6[%swap3A_303] {strides = array<i32>} : memref<16xi32, #tpu.memory_space<vmem>>, vector<16xi32>,
      tpu.vector_store %arg6[%swap3A_303], %bitcast3A_302 {strides = array<i32>} : memref<16xi32, #tpu.memory_space<vmem>>, vector<16xi32>,
      %xor3A_305 = arith.constant 2 : i32
      %xor3A_306 = vector.broadcast %xor3A_305 : i32 to vector<16xi32>
      %xor3A_307 = arith.xori %iota3A, %xor3A_306 : vector<16xi32>
      %gather3A_308 = tpu.vector_load_idx %arg6[%xor3A_307] : memref<16xi32, #tpu.memory_space<vmem>>[vector<16xi32>], vector<16xi32>,
      %bitcast3A_309 = vector.bitcast %gather3A_308 : vector<16xi32> to vector<16xf32>
      %min3A_310 = arith.minimumf %min3A_301, %bitcast3A_309 : vector<16xf32>
      %bitcast3A_311 = vector.bitcast %min3A_310 : vector<16xf32> to vector<16xi32>
      %swap3A_312 = arith.constant 0 : index
      %swap3A_313 = tpu.vector_load %arg6[%swap3A_312] {strides = array<i32>} : memref<16xi32, #tpu.memory_space<vmem>>, vector<16xi32>,
      tpu.vector_store %arg6[%swap3A_312], %bitcast3A_311 {strides = array<i32>} : memref<16xi32, #tpu.memory_space<vmem>>, vector<16xi32>,
      %xor3A_314 = arith.constant 4 : i32
      %xor3A_315 = vector.broadcast %xor3A_314 : i32 to vector<16xi32>
      %xor3A_316 = arith.xori %iota3A, %xor3A_315 : vector<16xi32>
      %gather3A_317 = tpu.vector_load_idx %arg6[%xor3A_316] : memref<16xi32, #tpu.memory_space<vmem>>[vector<16xi32>], vector<16xi32>,
      %bitcast3A_318 = vector.bitcast %gather3A_317 : vector<16xi32> to vector<16xf32>
      %min3A_319 = arith.minimumf %min3A_310, %bitcast3A_318 : vector<16xf32>
      %bitcast3A_320 = vector.bitcast %min3A_319 : vector<16xf32> to vector<16xi32>
      %swap3A_321 = arith.constant 0 : index
      %swap3A_322 = tpu.vector_load %arg6[%swap3A_321] {strides = array<i32>} : memref<16xi32, #tpu.memory_space<vmem>>, vector<16xi32>,
      tpu.vector_store %arg6[%swap3A_321], %bitcast3A_320 {strides = array<i32>} : memref<16xi32, #tpu.memory_space<vmem>>, vector<16xi32>,
      %xor3A_323 = arith.constant 8 : i32
      %xor3A_324 = vector.broadcast %xor3A_323 : i32 to vector<16xi32>
      %xor3A_325 = arith.xori %iota3A, %xor3A_324 : vector<16xi32>
      %gather3A_326 = tpu.vector_load_idx %arg6[%xor3A_325] : memref<16xi32, #tpu.memory_space<vmem>>[vector<16xi32>], vector<16xi32>,
      %bitcast3A_327 = vector.bitcast %gather3A_326 : vector<16xi32> to vector<16xf32>
      %min3A_328 = arith.minimumf %min3A_319, %bitcast3A_327 : vector<16xf32>
      %broadcast_in_dim3A_329 = arith.constant 1073741824 : i32
      %broadcast_in_dim3A_330 = vector.broadcast %broadcast_in_dim3A_329 : i32 to vector<16xi32>
      %scan3A_331 = arith.constant 0 : i32
      %scan3A_332 = arith.constant 24 : i32
      %scan3A_333 = arith.addi %scan3A_331, %scan3A_332 : i32
      %scan3A_334 = arith.constant 1 : i32
      %scan3A_335 = scf.for %scan3A_469 = %scan3A_331 to %scan3A_333 step %scan3A_334 iter_args(%scan3A_470 = %broadcast_in_dim3A_330) -> (vector<16xi32>)  : i32 {
        %mul3A = arith.constant 16 : i32
        %mul3A_471 = arith.muli %scan3A_469, %mul3A : i32
        %get3A = arith.index_cast %mul3A_471 : i32 to index
        %get3A_472 = tpu.vector_load %arg5[%get3A] {strides = array<i32>} : memref<384xf32, #tpu.memory_space<vmem>>, vector<16xf32>,
        %eq3A_473 = arith.cmpf oeq, %get3A_472, %min3A_328 : vector<16xf32>
        %mul3A_474 = arith.constant 16 : i32
        %mul3A_475 = arith.muli %scan3A_469, %mul3A_474 : i32
        %add3A = vector.broadcast %mul3A_475 : i32 to vector<16xi32>
        %add3A_476 = arith.addi %iota3A, %add3A : vector<16xi32>
        %jit3A = arith.constant 1073741824 : i32
        %broadcast_in_dim3A_477 = vector.broadcast %jit3A : i32 to vector<16xi32>
        %select_n3A_478 = arith.select %eq3A_473, %add3A_476, %broadcast_in_dim3A_477 : vector<16xi1>, vector<16xi32>
        %min3A_479 = arith.minsi %scan3A_470, %select_n3A_478 : vector<16xi32>
        scf.yield %min3A_479 : vector<16xi32>
      }
      %scan3A_336 = arith.constant 24 : i32
      %swap3A_337 = arith.constant 0 : index
      %swap3A_338 = tpu.vector_load %arg6[%swap3A_337] {strides = array<i32>} : memref<16xi32, #tpu.memory_space<vmem>>, vector<16xi32>,
      tpu.vector_store %arg6[%swap3A_337], %scan3A_335 {strides = array<i32>} : memref<16xi32, #tpu.memory_space<vmem>>, vector<16xi32>,
      %xor3A_339 = arith.constant 1 : i32
      %xor3A_340 = vector.broadcast %xor3A_339 : i32 to vector<16xi32>
      %xor3A_341 = arith.xori %iota3A, %xor3A_340 : vector<16xi32>
      %gather3A_342 = tpu.vector_load_idx %arg6[%xor3A_341] : memref<16xi32, #tpu.memory_space<vmem>>[vector<16xi32>], vector<16xi32>,
      %min3A_343 = arith.minsi %scan3A_335, %gather3A_342 : vector<16xi32>
      %swap3A_344 = arith.constant 0 : index
      %swap3A_345 = tpu.vector_load %arg6[%swap3A_344] {strides = array<i32>} : memref<16xi32, #tpu.memory_space<vmem>>, vector<16xi32>,
      tpu.vector_store %arg6[%swap3A_344], %min3A_343 {strides = array<i32>} : memref<16xi32, #tpu.memory_space<vmem>>, vector<16xi32>,
      %xor3A_346 = arith.constant 2 : i32
      %xor3A_347 = vector.broadcast %xor3A_346 : i32 to vector<16xi32>
      %xor3A_348 = arith.xori %iota3A, %xor3A_347 : vector<16xi32>
      %gather3A_349 = tpu.vector_load_idx %arg6[%xor3A_348] : memref<16xi32, #tpu.memory_space<vmem>>[vector<16xi32>], vector<16xi32>,
      %min3A_350 = arith.minsi %min3A_343, %gather3A_349 : vector<16xi32>
      %swap3A_351 = arith.constant 0 : index
      %swap3A_352 = tpu.vector_load %arg6[%swap3A_351] {strides = array<i32>} : memref<16xi32, #tpu.memory_space<vmem>>, vector<16xi32>,
      tpu.vector_store %arg6[%swap3A_351], %min3A_350 {strides = array<i32>} : memref<16xi32, #tpu.memory_space<vmem>>, vector<16xi32>,
      %xor3A_353 = arith.constant 4 : i32
      %xor3A_354 = vector.broadcast %xor3A_353 : i32 to vector<16xi32>
      %xor3A_355 = arith.xori %iota3A, %xor3A_354 : vector<16xi32>
      %gather3A_356 = tpu.vector_load_idx %arg6[%xor3A_355] : memref<16xi32, #tpu.memory_space<vmem>>[vector<16xi32>], vector<16xi32>,
      %min3A_357 = arith.minsi %min3A_350, %gather3A_356 : vector<16xi32>
      %swap3A_358 = arith.constant 0 : index
      %swap3A_359 = tpu.vector_load %arg6[%swap3A_358] {strides = array<i32>} : memref<16xi32, #tpu.memory_space<vmem>>, vector<16xi32>,
      tpu.vector_store %arg6[%swap3A_358], %min3A_357 {strides = array<i32>} : memref<16xi32, #tpu.memory_space<vmem>>, vector<16xi32>,
      %xor3A_360 = arith.constant 8 : i32
      %xor3A_361 = vector.broadcast %xor3A_360 : i32 to vector<16xi32>
      %xor3A_362 = arith.xori %iota3A, %xor3A_361 : vector<16xi32>
      %gather3A_363 = tpu.vector_load_idx %arg6[%xor3A_362] : memref<16xi32, #tpu.memory_space<vmem>>[vector<16xi32>], vector<16xi32>,
      %min3A_364 = arith.minsi %min3A_357, %gather3A_363 : vector<16xi32>
      %scan3A_365 = arith.constant 0 : i32
      %scan3A_366 = arith.constant 0 : i32
      %scan3A_367 = arith.constant 24 : i32
      %scan3A_368 = arith.addi %scan3A_366, %scan3A_367 : i32
      %scan3A_369 = arith.constant 1 : i32
      %scan3A_370 = scf.for %scan3A_469 = %scan3A_366 to %scan3A_368 step %scan3A_369 iter_args(%scan3A_470 = %scan3A_365) -> (i32)  : i32 {
        %mul3A = arith.constant 16 : i32
        %mul3A_471 = arith.muli %scan3A_469, %mul3A : i32
        %get3A = arith.index_cast %mul3A_471 : i32 to index
        %get3A_472 = tpu.vector_load %arg5[%get3A] {strides = array<i32>} : memref<384xf32, #tpu.memory_space<vmem>>, vector<16xf32>,
        %mul3A_473 = arith.constant 16 : i32
        %mul3A_474 = arith.muli %scan3A_469, %mul3A_473 : i32
        %add3A = vector.broadcast %mul3A_474 : i32 to vector<16xi32>
        %add3A_475 = arith.addi %iota3A, %add3A : vector<16xi32>
        %eq3A_476 = arith.cmpi eq, %add3A_475, %min3A_364 : vector<16xi32>
        %jit3A = arith.constant 0x7F800000 : f32
        %broadcast_in_dim3A_477 = vector.broadcast %jit3A : f32 to vector<16xf32>
        %select_n3A_478 = arith.select %eq3A_476, %broadcast_in_dim3A_477, %get3A_472 : vector<16xi1>, vector<16xf32>
        %mul3A_479 = arith.constant 16 : i32
        %mul3A_480 = arith.muli %scan3A_469, %mul3A_479 : i32
        %swap3A_481 = arith.index_cast %mul3A_480 : i32 to index
        %swap3A_482 = tpu.vector_load %arg5[%swap3A_481] {strides = array<i32>} : memref<384xf32, #tpu.memory_space<vmem>>, vector<16xf32>,
        tpu.vector_store %arg5[%swap3A_481], %select_n3A_478 {strides = array<i32>} : memref<384xf32, #tpu.memory_space<vmem>>, vector<16xf32>,
        %scan3A_483 = arith.constant 0 : i32
        scf.yield %scan3A_483 : i32
      }
      %scan3A_371 = arith.constant 24 : i32
      %eq3A_372 = arith.constant 3 : i32
      %eq3A_373 = vector.broadcast %eq3A_372 : i32 to vector<16xi32>
      %eq3A_374 = arith.cmpi eq, %iota3A, %eq3A_373 : vector<16xi32>
      %select_n3A_375 = arith.select %eq3A_374, %min3A_364, %select_n3A_284 : vector<16xi1>, vector<16xi32>
      %broadcast_in_dim3A_376 = arith.constant 0x7F800000 : f32
      %broadcast_in_dim3A_377 = vector.broadcast %broadcast_in_dim3A_376 : f32 to vector<16xf32>
      %scan3A_378 = arith.constant 0 : i32
      %scan3A_379 = arith.constant 24 : i32
      %scan3A_380 = arith.addi %scan3A_378, %scan3A_379 : i32
      %scan3A_381 = arith.constant 1 : i32
      %scan3A_382 = scf.for %scan3A_469 = %scan3A_378 to %scan3A_380 step %scan3A_381 iter_args(%scan3A_470 = %broadcast_in_dim3A_377) -> (vector<16xf32>)  : i32 {
        %mul3A = arith.constant 16 : i32
        %mul3A_471 = arith.muli %scan3A_469, %mul3A : i32
        %get3A = arith.index_cast %mul3A_471 : i32 to index
        %get3A_472 = tpu.vector_load %arg5[%get3A] {strides = array<i32>} : memref<384xf32, #tpu.memory_space<vmem>>, vector<16xf32>,
        %min3A_473 = arith.minimumf %scan3A_470, %get3A_472 : vector<16xf32>
        scf.yield %min3A_473 : vector<16xf32>
      }
      %scan3A_383 = arith.constant 24 : i32
      %bitcast3A_384 = vector.bitcast %scan3A_382 : vector<16xf32> to vector<16xi32>
      %swap3A_385 = arith.constant 0 : index
      %swap3A_386 = tpu.vector_load %arg6[%swap3A_385] {strides = array<i32>} : memref<16xi32, #tpu.memory_space<vmem>>, vector<16xi32>,
      tpu.vector_store %arg6[%swap3A_385], %bitcast3A_384 {strides = array<i32>} : memref<16xi32, #tpu.memory_space<vmem>>, vector<16xi32>,
      %xor3A_387 = arith.constant 1 : i32
      %xor3A_388 = vector.broadcast %xor3A_387 : i32 to vector<16xi32>
      %xor3A_389 = arith.xori %iota3A, %xor3A_388 : vector<16xi32>
      %gather3A_390 = tpu.vector_load_idx %arg6[%xor3A_389] : memref<16xi32, #tpu.memory_space<vmem>>[vector<16xi32>], vector<16xi32>,
      %bitcast3A_391 = vector.bitcast %gather3A_390 : vector<16xi32> to vector<16xf32>
      %min3A_392 = arith.minimumf %scan3A_382, %bitcast3A_391 : vector<16xf32>
      %bitcast3A_393 = vector.bitcast %min3A_392 : vector<16xf32> to vector<16xi32>
      %swap3A_394 = arith.constant 0 : index
      %swap3A_395 = tpu.vector_load %arg6[%swap3A_394] {strides = array<i32>} : memref<16xi32, #tpu.memory_space<vmem>>, vector<16xi32>,
      tpu.vector_store %arg6[%swap3A_394], %bitcast3A_393 {strides = array<i32>} : memref<16xi32, #tpu.memory_space<vmem>>, vector<16xi32>,
      %xor3A_396 = arith.constant 2 : i32
      %xor3A_397 = vector.broadcast %xor3A_396 : i32 to vector<16xi32>
      %xor3A_398 = arith.xori %iota3A, %xor3A_397 : vector<16xi32>
      %gather3A_399 = tpu.vector_load_idx %arg6[%xor3A_398] : memref<16xi32, #tpu.memory_space<vmem>>[vector<16xi32>], vector<16xi32>,
      %bitcast3A_400 = vector.bitcast %gather3A_399 : vector<16xi32> to vector<16xf32>
      %min3A_401 = arith.minimumf %min3A_392, %bitcast3A_400 : vector<16xf32>
      %bitcast3A_402 = vector.bitcast %min3A_401 : vector<16xf32> to vector<16xi32>
      %swap3A_403 = arith.constant 0 : index
      %swap3A_404 = tpu.vector_load %arg6[%swap3A_403] {strides = array<i32>} : memref<16xi32, #tpu.memory_space<vmem>>, vector<16xi32>,
      tpu.vector_store %arg6[%swap3A_403], %bitcast3A_402 {strides = array<i32>} : memref<16xi32, #tpu.memory_space<vmem>>, vector<16xi32>,
      %xor3A_405 = arith.constant 4 : i32
      %xor3A_406 = vector.broadcast %xor3A_405 : i32 to vector<16xi32>
      %xor3A_407 = arith.xori %iota3A, %xor3A_406 : vector<16xi32>
      %gather3A_408 = tpu.vector_load_idx %arg6[%xor3A_407] : memref<16xi32, #tpu.memory_space<vmem>>[vector<16xi32>], vector<16xi32>,
      %bitcast3A_409 = vector.bitcast %gather3A_408 : vector<16xi32> to vector<16xf32>
      %min3A_410 = arith.minimumf %min3A_401, %bitcast3A_409 : vector<16xf32>
      %bitcast3A_411 = vector.bitcast %min3A_410 : vector<16xf32> to vector<16xi32>
      %swap3A_412 = arith.constant 0 : index
      %swap3A_413 = tpu.vector_load %arg6[%swap3A_412] {strides = array<i32>} : memref<16xi32, #tpu.memory_space<vmem>>, vector<16xi32>,
      tpu.vector_store %arg6[%swap3A_412], %bitcast3A_411 {strides = array<i32>} : memref<16xi32, #tpu.memory_space<vmem>>, vector<16xi32>,
      %xor3A_414 = arith.constant 8 : i32
      %xor3A_415 = vector.broadcast %xor3A_414 : i32 to vector<16xi32>
      %xor3A_416 = arith.xori %iota3A, %xor3A_415 : vector<16xi32>
      %gather3A_417 = tpu.vector_load_idx %arg6[%xor3A_416] : memref<16xi32, #tpu.memory_space<vmem>>[vector<16xi32>], vector<16xi32>,
      %bitcast3A_418 = vector.bitcast %gather3A_417 : vector<16xi32> to vector<16xf32>
      %min3A_419 = arith.minimumf %min3A_410, %bitcast3A_418 : vector<16xf32>
      %broadcast_in_dim3A_420 = arith.constant 1073741824 : i32
      %broadcast_in_dim3A_421 = vector.broadcast %broadcast_in_dim3A_420 : i32 to vector<16xi32>
      %scan3A_422 = arith.constant 0 : i32
      %scan3A_423 = arith.constant 24 : i32
      %scan3A_424 = arith.addi %scan3A_422, %scan3A_423 : i32
      %scan3A_425 = arith.constant 1 : i32
      %scan3A_426 = scf.for %scan3A_469 = %scan3A_422 to %scan3A_424 step %scan3A_425 iter_args(%scan3A_470 = %broadcast_in_dim3A_421) -> (vector<16xi32>)  : i32 {
        %mul3A = arith.constant 16 : i32
        %mul3A_471 = arith.muli %scan3A_469, %mul3A : i32
        %get3A = arith.index_cast %mul3A_471 : i32 to index
        %get3A_472 = tpu.vector_load %arg5[%get3A] {strides = array<i32>} : memref<384xf32, #tpu.memory_space<vmem>>, vector<16xf32>,
        %eq3A_473 = arith.cmpf oeq, %get3A_472, %min3A_419 : vector<16xf32>
        %mul3A_474 = arith.constant 16 : i32
        %mul3A_475 = arith.muli %scan3A_469, %mul3A_474 : i32
        %add3A = vector.broadcast %mul3A_475 : i32 to vector<16xi32>
        %add3A_476 = arith.addi %iota3A, %add3A : vector<16xi32>
        %jit3A = arith.constant 1073741824 : i32
        %broadcast_in_dim3A_477 = vector.broadcast %jit3A : i32 to vector<16xi32>
        %select_n3A_478 = arith.select %eq3A_473, %add3A_476, %broadcast_in_dim3A_477 : vector<16xi1>, vector<16xi32>
        %min3A_479 = arith.minsi %scan3A_470, %select_n3A_478 : vector<16xi32>
        scf.yield %min3A_479 : vector<16xi32>
      }
      %scan3A_427 = arith.constant 24 : i32
      %swap3A_428 = arith.constant 0 : index
      %swap3A_429 = tpu.vector_load %arg6[%swap3A_428] {strides = array<i32>} : memref<16xi32, #tpu.memory_space<vmem>>, vector<16xi32>,
      tpu.vector_store %arg6[%swap3A_428], %scan3A_426 {strides = array<i32>} : memref<16xi32, #tpu.memory_space<vmem>>, vector<16xi32>,
      %xor3A_430 = arith.constant 1 : i32
      %xor3A_431 = vector.broadcast %xor3A_430 : i32 to vector<16xi32>
      %xor3A_432 = arith.xori %iota3A, %xor3A_431 : vector<16xi32>
      %gather3A_433 = tpu.vector_load_idx %arg6[%xor3A_432] : memref<16xi32, #tpu.memory_space<vmem>>[vector<16xi32>], vector<16xi32>,
      %min3A_434 = arith.minsi %scan3A_426, %gather3A_433 : vector<16xi32>
      %swap3A_435 = arith.constant 0 : index
      %swap3A_436 = tpu.vector_load %arg6[%swap3A_435] {strides = array<i32>} : memref<16xi32, #tpu.memory_space<vmem>>, vector<16xi32>,
      tpu.vector_store %arg6[%swap3A_435], %min3A_434 {strides = array<i32>} : memref<16xi32, #tpu.memory_space<vmem>>, vector<16xi32>,
      %xor3A_437 = arith.constant 2 : i32
      %xor3A_438 = vector.broadcast %xor3A_437 : i32 to vector<16xi32>
      %xor3A_439 = arith.xori %iota3A, %xor3A_438 : vector<16xi32>
      %gather3A_440 = tpu.vector_load_idx %arg6[%xor3A_439] : memref<16xi32, #tpu.memory_space<vmem>>[vector<16xi32>], vector<16xi32>,
      %min3A_441 = arith.minsi %min3A_434, %gather3A_440 : vector<16xi32>
      %swap3A_442 = arith.constant 0 : index
      %swap3A_443 = tpu.vector_load %arg6[%swap3A_442] {strides = array<i32>} : memref<16xi32, #tpu.memory_space<vmem>>, vector<16xi32>,
      tpu.vector_store %arg6[%swap3A_442], %min3A_441 {strides = array<i32>} : memref<16xi32, #tpu.memory_space<vmem>>, vector<16xi32>,
      %xor3A_444 = arith.constant 4 : i32
      %xor3A_445 = vector.broadcast %xor3A_444 : i32 to vector<16xi32>
      %xor3A_446 = arith.xori %iota3A, %xor3A_445 : vector<16xi32>
      %gather3A_447 = tpu.vector_load_idx %arg6[%xor3A_446] : memref<16xi32, #tpu.memory_space<vmem>>[vector<16xi32>], vector<16xi32>,
      %min3A_448 = arith.minsi %min3A_441, %gather3A_447 : vector<16xi32>
      %swap3A_449 = arith.constant 0 : index
      %swap3A_450 = tpu.vector_load %arg6[%swap3A_449] {strides = array<i32>} : memref<16xi32, #tpu.memory_space<vmem>>, vector<16xi32>,
      tpu.vector_store %arg6[%swap3A_449], %min3A_448 {strides = array<i32>} : memref<16xi32, #tpu.memory_space<vmem>>, vector<16xi32>,
      %xor3A_451 = arith.constant 8 : i32
      %xor3A_452 = vector.broadcast %xor3A_451 : i32 to vector<16xi32>
      %xor3A_453 = arith.xori %iota3A, %xor3A_452 : vector<16xi32>
      %gather3A_454 = tpu.vector_load_idx %arg6[%xor3A_453] : memref<16xi32, #tpu.memory_space<vmem>>[vector<16xi32>], vector<16xi32>,
      %min3A_455 = arith.minsi %min3A_448, %gather3A_454 : vector<16xi32>
      %scan3A_456 = arith.constant 0 : i32
      %scan3A_457 = arith.constant 0 : i32
      %scan3A_458 = arith.constant 24 : i32
      %scan3A_459 = arith.addi %scan3A_457, %scan3A_458 : i32
      %scan3A_460 = arith.constant 1 : i32
      %scan3A_461 = scf.for %scan3A_469 = %scan3A_457 to %scan3A_459 step %scan3A_460 iter_args(%scan3A_470 = %scan3A_456) -> (i32)  : i32 {
        %mul3A = arith.constant 16 : i32
        %mul3A_471 = arith.muli %scan3A_469, %mul3A : i32
        %get3A = arith.index_cast %mul3A_471 : i32 to index
        %get3A_472 = tpu.vector_load %arg5[%get3A] {strides = array<i32>} : memref<384xf32, #tpu.memory_space<vmem>>, vector<16xf32>,
        %mul3A_473 = arith.constant 16 : i32
        %mul3A_474 = arith.muli %scan3A_469, %mul3A_473 : i32
        %add3A = vector.broadcast %mul3A_474 : i32 to vector<16xi32>
        %add3A_475 = arith.addi %iota3A, %add3A : vector<16xi32>
        %eq3A_476 = arith.cmpi eq, %add3A_475, %min3A_455 : vector<16xi32>
        %jit3A = arith.constant 0x7F800000 : f32
        %broadcast_in_dim3A_477 = vector.broadcast %jit3A : f32 to vector<16xf32>
        %select_n3A_478 = arith.select %eq3A_476, %broadcast_in_dim3A_477, %get3A_472 : vector<16xi1>, vector<16xf32>
        %mul3A_479 = arith.constant 16 : i32
        %mul3A_480 = arith.muli %scan3A_469, %mul3A_479 : i32
        %swap3A_481 = arith.index_cast %mul3A_480 : i32 to index
        %swap3A_482 = tpu.vector_load %arg5[%swap3A_481] {strides = array<i32>} : memref<384xf32, #tpu.memory_space<vmem>>, vector<16xf32>,
        tpu.vector_store %arg5[%swap3A_481], %select_n3A_478 {strides = array<i32>} : memref<384xf32, #tpu.memory_space<vmem>>, vector<16xf32>,
        %scan3A_483 = arith.constant 0 : i32
        scf.yield %scan3A_483 : i32
      }
      %scan3A_462 = arith.constant 24 : i32
      %eq3A_463 = arith.constant 4 : i32
      %eq3A_464 = vector.broadcast %eq3A_463 : i32 to vector<16xi32>
      %eq3A_465 = arith.cmpi eq, %iota3A, %eq3A_464 : vector<16xi32>
      %select_n3A_466 = arith.select %eq3A_465, %min3A_455, %select_n3A_375 : vector<16xi1>, vector<16xi32>
      %swap3A_467 = arith.constant 0 : index
      %swap3A_468 = tpu.vector_load %arg7[%swap3A_467] {strides = array<i32>} : memref<16xi32, #tpu.memory_space<vmem>>, vector<16xi32>,
      tpu.vector_store %arg7[%swap3A_467], %select_n3A_466 {strides = array<i32>} : memref<16xi32, #tpu.memory_space<vmem>>, vector<16xi32>,
      "tpu.region"() ({
        %run_scoped3A = tpu.sem_alloc : memref<!tpu.dma_semaphore, #tpu.memory_space<semaphore_mem>>
        %dma_start3A = arith.constant 16 : i32
        %dma_start3A_469 = tpu.memref_slice %arg4[%dma_start3A] : memref<32xi32, #tpu.memory_space<hbm>> -> memref<16xi32, #tpu.memory_space<hbm>>
        %dma_start3A_470 = arith.constant 16 : i32
        %dma_start3A_471 = tpu.memref_slice %arg4[%dma_start3A_470] : memref<32xi32, #tpu.memory_space<hbm>> -> memref<16xi32, #tpu.memory_space<hbm>>
        tpu.enqueue_dma source(%arg7 : memref<16xi32, #tpu.memory_space<vmem>>) target(%dma_start3A_471 : memref<16xi32, #tpu.memory_space<hbm>>) target_semaphore(%run_scoped3A : memref<!tpu.dma_semaphore, #tpu.memory_space<semaphore_mem>>)
        %dma_wait3A = arith.constant 16 : i32
        %dma_wait3A_472 = tpu.memref_slice %arg4[%dma_wait3A] : memref<32xi32, #tpu.memory_space<hbm>> -> memref<16xi32, #tpu.memory_space<hbm>>
        %dma_wait3A_473 = arith.constant 16 : i32
        %dma_wait3A_474 = tpu.memref_slice %arg4[%dma_wait3A_473] : memref<32xi32, #tpu.memory_space<hbm>> -> memref<16xi32, #tpu.memory_space<hbm>>
        tpu.wait_dma2 semaphore(%run_scoped3A : memref<!tpu.dma_semaphore, #tpu.memory_space<semaphore_mem>>) src(%arg7 : memref<16xi32, #tpu.memory_space<vmem>>) dst(%dma_wait3A_474 : memref<16xi32, #tpu.memory_space<hbm>>)
        tpu.yield
      }) : () -> ()
    } else {
    }
    %ne3A = arith.constant 0 : i32
    %ne3A_4 = arith.cmpi ne, %arg0, %ne3A : i32
    %eq3A_5 = arith.constant 0 : i32
    %eq3A_6 = arith.cmpi eq, %arg1, %eq3A_5 : i32
    %and3A_7 = arith.andi %ne3A_4, %eq3A_6 : i1
    %convert_element_type3A_8 = arith.extui %and3A_7 : i1 to i32
    %cond3A_9 = arith.constant 0 : i32
    %cond3A_10 = arith.cmpi ne, %convert_element_type3A_8, %cond3A_9 : i32
    scf.if %cond3A_10 {
      "tpu.region"() ({
        %run_scoped3A = tpu.sem_alloc : memref<!tpu.dma_semaphore, #tpu.memory_space<semaphore_mem>>
        tpu.enqueue_dma source(%arg2 : memref<384xf32, #tpu.memory_space<hbm>>) target(%arg5 : memref<384xf32, #tpu.memory_space<vmem>>) target_semaphore(%run_scoped3A : memref<!tpu.dma_semaphore, #tpu.memory_space<semaphore_mem>>)
        tpu.wait_dma2 semaphore(%run_scoped3A : memref<!tpu.dma_semaphore, #tpu.memory_space<semaphore_mem>>) src(%arg2 : memref<384xf32, #tpu.memory_space<hbm>>) dst(%arg5 : memref<384xf32, #tpu.memory_space<vmem>>)
        tpu.yield
      }) : () -> ()
      %scan3A = arith.constant 0 : i32
      %scan3A_11 = arith.constant 0 : i32
      %scan3A_12 = arith.constant 24 : i32
      %scan3A_13 = arith.addi %scan3A_11, %scan3A_12 : i32
      %scan3A_14 = arith.constant 1 : i32
      %scan3A_15 = scf.for %scan3A_469 = %scan3A_11 to %scan3A_13 step %scan3A_14 iter_args(%scan3A_470 = %scan3A) -> (i32)  : i32 {
        %mul3A = arith.constant 16 : i32
        %mul3A_471 = arith.muli %scan3A_469, %mul3A : i32
        %get3A = arith.index_cast %mul3A_471 : i32 to index
        %get3A_472 = tpu.vector_load %arg5[%get3A] {strides = array<i32>} : memref<384xf32, #tpu.memory_space<vmem>>, vector<16xf32>,
        %abs3A = math.absf %get3A_472 : vector<16xf32>
        %mul3A_473 = arith.constant 16 : i32
        %mul3A_474 = arith.muli %scan3A_469, %mul3A_473 : i32
        %swap3A_475 = arith.index_cast %mul3A_474 : i32 to index
        %swap3A_476 = tpu.vector_load %arg5[%swap3A_475] {strides = array<i32>} : memref<384xf32, #tpu.memory_space<vmem>>, vector<16xf32>,
        tpu.vector_store %arg5[%swap3A_475], %abs3A {strides = array<i32>} : memref<384xf32, #tpu.memory_space<vmem>>, vector<16xf32>,
        %scan3A_477 = arith.constant 0 : i32
        scf.yield %scan3A_477 : i32
      }
      %scan3A_16 = arith.constant 24 : i32
      %broadcast_in_dim3A = arith.constant 0 : i32
      %broadcast_in_dim3A_17 = vector.broadcast %broadcast_in_dim3A : i32 to vector<16xi32>
      %broadcast_in_dim3A_18 = arith.constant 0x7F800000 : f32
      %broadcast_in_dim3A_19 = vector.broadcast %broadcast_in_dim3A_18 : f32 to vector<16xf32>
      %scan3A_20 = arith.constant 0 : i32
      %scan3A_21 = arith.constant 24 : i32
      %scan3A_22 = arith.addi %scan3A_20, %scan3A_21 : i32
      %scan3A_23 = arith.constant 1 : i32
      %scan3A_24 = scf.for %scan3A_469 = %scan3A_20 to %scan3A_22 step %scan3A_23 iter_args(%scan3A_470 = %broadcast_in_dim3A_19) -> (vector<16xf32>)  : i32 {
        %mul3A = arith.constant 16 : i32
        %mul3A_471 = arith.muli %scan3A_469, %mul3A : i32
        %get3A = arith.index_cast %mul3A_471 : i32 to index
        %get3A_472 = tpu.vector_load %arg5[%get3A] {strides = array<i32>} : memref<384xf32, #tpu.memory_space<vmem>>, vector<16xf32>,
        %min3A_473 = arith.minimumf %scan3A_470, %get3A_472 : vector<16xf32>
        scf.yield %min3A_473 : vector<16xf32>
      }
      %scan3A_25 = arith.constant 24 : i32
      %bitcast3A = vector.bitcast %scan3A_24 : vector<16xf32> to vector<16xi32>
      %swap3A = arith.constant 0 : index
      %swap3A_26 = tpu.vector_load %arg6[%swap3A] {strides = array<i32>} : memref<16xi32, #tpu.memory_space<vmem>>, vector<16xi32>,
      tpu.vector_store %arg6[%swap3A], %bitcast3A {strides = array<i32>} : memref<16xi32, #tpu.memory_space<vmem>>, vector<16xi32>,
      %xor3A = arith.constant 1 : i32
      %xor3A_27 = vector.broadcast %xor3A : i32 to vector<16xi32>
      %xor3A_28 = arith.xori %iota3A, %xor3A_27 : vector<16xi32>
      %gather3A = tpu.vector_load_idx %arg6[%xor3A_28] : memref<16xi32, #tpu.memory_space<vmem>>[vector<16xi32>], vector<16xi32>,
      %bitcast3A_29 = vector.bitcast %gather3A : vector<16xi32> to vector<16xf32>
      %min3A = arith.minimumf %scan3A_24, %bitcast3A_29 : vector<16xf32>
      %bitcast3A_30 = vector.bitcast %min3A : vector<16xf32> to vector<16xi32>
      %swap3A_31 = arith.constant 0 : index
      %swap3A_32 = tpu.vector_load %arg6[%swap3A_31] {strides = array<i32>} : memref<16xi32, #tpu.memory_space<vmem>>, vector<16xi32>,
      tpu.vector_store %arg6[%swap3A_31], %bitcast3A_30 {strides = array<i32>} : memref<16xi32, #tpu.memory_space<vmem>>, vector<16xi32>,
      %xor3A_33 = arith.constant 2 : i32
      %xor3A_34 = vector.broadcast %xor3A_33 : i32 to vector<16xi32>
      %xor3A_35 = arith.xori %iota3A, %xor3A_34 : vector<16xi32>
      %gather3A_36 = tpu.vector_load_idx %arg6[%xor3A_35] : memref<16xi32, #tpu.memory_space<vmem>>[vector<16xi32>], vector<16xi32>,
      %bitcast3A_37 = vector.bitcast %gather3A_36 : vector<16xi32> to vector<16xf32>
      %min3A_38 = arith.minimumf %min3A, %bitcast3A_37 : vector<16xf32>
      %bitcast3A_39 = vector.bitcast %min3A_38 : vector<16xf32> to vector<16xi32>
      %swap3A_40 = arith.constant 0 : index
      %swap3A_41 = tpu.vector_load %arg6[%swap3A_40] {strides = array<i32>} : memref<16xi32, #tpu.memory_space<vmem>>, vector<16xi32>,
      tpu.vector_store %arg6[%swap3A_40], %bitcast3A_39 {strides = array<i32>} : memref<16xi32, #tpu.memory_space<vmem>>, vector<16xi32>,
      %xor3A_42 = arith.constant 4 : i32
      %xor3A_43 = vector.broadcast %xor3A_42 : i32 to vector<16xi32>
      %xor3A_44 = arith.xori %iota3A, %xor3A_43 : vector<16xi32>
      %gather3A_45 = tpu.vector_load_idx %arg6[%xor3A_44] : memref<16xi32, #tpu.memory_space<vmem>>[vector<16xi32>], vector<16xi32>,
      %bitcast3A_46 = vector.bitcast %gather3A_45 : vector<16xi32> to vector<16xf32>
      %min3A_47 = arith.minimumf %min3A_38, %bitcast3A_46 : vector<16xf32>
      %bitcast3A_48 = vector.bitcast %min3A_47 : vector<16xf32> to vector<16xi32>
      %swap3A_49 = arith.constant 0 : index
      %swap3A_50 = tpu.vector_load %arg6[%swap3A_49] {strides = array<i32>} : memref<16xi32, #tpu.memory_space<vmem>>, vector<16xi32>,
      tpu.vector_store %arg6[%swap3A_49], %bitcast3A_48 {strides = array<i32>} : memref<16xi32, #tpu.memory_space<vmem>>, vector<16xi32>,
      %xor3A_51 = arith.constant 8 : i32
      %xor3A_52 = vector.broadcast %xor3A_51 : i32 to vector<16xi32>
      %xor3A_53 = arith.xori %iota3A, %xor3A_52 : vector<16xi32>
      %gather3A_54 = tpu.vector_load_idx %arg6[%xor3A_53] : memref<16xi32, #tpu.memory_space<vmem>>[vector<16xi32>], vector<16xi32>,
      %bitcast3A_55 = vector.bitcast %gather3A_54 : vector<16xi32> to vector<16xf32>
      %min3A_56 = arith.minimumf %min3A_47, %bitcast3A_55 : vector<16xf32>
      %broadcast_in_dim3A_57 = arith.constant 1073741824 : i32
      %broadcast_in_dim3A_58 = vector.broadcast %broadcast_in_dim3A_57 : i32 to vector<16xi32>
      %scan3A_59 = arith.constant 0 : i32
      %scan3A_60 = arith.constant 24 : i32
      %scan3A_61 = arith.addi %scan3A_59, %scan3A_60 : i32
      %scan3A_62 = arith.constant 1 : i32
      %scan3A_63 = scf.for %scan3A_469 = %scan3A_59 to %scan3A_61 step %scan3A_62 iter_args(%scan3A_470 = %broadcast_in_dim3A_58) -> (vector<16xi32>)  : i32 {
        %mul3A = arith.constant 16 : i32
        %mul3A_471 = arith.muli %scan3A_469, %mul3A : i32
        %get3A = arith.index_cast %mul3A_471 : i32 to index
        %get3A_472 = tpu.vector_load %arg5[%get3A] {strides = array<i32>} : memref<384xf32, #tpu.memory_space<vmem>>, vector<16xf32>,
        %eq3A_473 = arith.cmpf oeq, %get3A_472, %min3A_56 : vector<16xf32>
        %mul3A_474 = arith.constant 16 : i32
        %mul3A_475 = arith.muli %scan3A_469, %mul3A_474 : i32
        %add3A = vector.broadcast %mul3A_475 : i32 to vector<16xi32>
        %add3A_476 = arith.addi %iota3A, %add3A : vector<16xi32>
        %jit3A = arith.constant 1073741824 : i32
        %broadcast_in_dim3A_477 = vector.broadcast %jit3A : i32 to vector<16xi32>
        %select_n3A_478 = arith.select %eq3A_473, %add3A_476, %broadcast_in_dim3A_477 : vector<16xi1>, vector<16xi32>
        %min3A_479 = arith.minsi %scan3A_470, %select_n3A_478 : vector<16xi32>
        scf.yield %min3A_479 : vector<16xi32>
      }
      %scan3A_64 = arith.constant 24 : i32
      %swap3A_65 = arith.constant 0 : index
      %swap3A_66 = tpu.vector_load %arg6[%swap3A_65] {strides = array<i32>} : memref<16xi32, #tpu.memory_space<vmem>>, vector<16xi32>,
      tpu.vector_store %arg6[%swap3A_65], %scan3A_63 {strides = array<i32>} : memref<16xi32, #tpu.memory_space<vmem>>, vector<16xi32>,
      %xor3A_67 = arith.constant 1 : i32
      %xor3A_68 = vector.broadcast %xor3A_67 : i32 to vector<16xi32>
      %xor3A_69 = arith.xori %iota3A, %xor3A_68 : vector<16xi32>
      %gather3A_70 = tpu.vector_load_idx %arg6[%xor3A_69] : memref<16xi32, #tpu.memory_space<vmem>>[vector<16xi32>], vector<16xi32>,
      %min3A_71 = arith.minsi %scan3A_63, %gather3A_70 : vector<16xi32>
      %swap3A_72 = arith.constant 0 : index
      %swap3A_73 = tpu.vector_load %arg6[%swap3A_72] {strides = array<i32>} : memref<16xi32, #tpu.memory_space<vmem>>, vector<16xi32>,
      tpu.vector_store %arg6[%swap3A_72], %min3A_71 {strides = array<i32>} : memref<16xi32, #tpu.memory_space<vmem>>, vector<16xi32>,
      %xor3A_74 = arith.constant 2 : i32
      %xor3A_75 = vector.broadcast %xor3A_74 : i32 to vector<16xi32>
      %xor3A_76 = arith.xori %iota3A, %xor3A_75 : vector<16xi32>
      %gather3A_77 = tpu.vector_load_idx %arg6[%xor3A_76] : memref<16xi32, #tpu.memory_space<vmem>>[vector<16xi32>], vector<16xi32>,
      %min3A_78 = arith.minsi %min3A_71, %gather3A_77 : vector<16xi32>
      %swap3A_79 = arith.constant 0 : index
      %swap3A_80 = tpu.vector_load %arg6[%swap3A_79] {strides = array<i32>} : memref<16xi32, #tpu.memory_space<vmem>>, vector<16xi32>,
      tpu.vector_store %arg6[%swap3A_79], %min3A_78 {strides = array<i32>} : memref<16xi32, #tpu.memory_space<vmem>>, vector<16xi32>,
      %xor3A_81 = arith.constant 4 : i32
      %xor3A_82 = vector.broadcast %xor3A_81 : i32 to vector<16xi32>
      %xor3A_83 = arith.xori %iota3A, %xor3A_82 : vector<16xi32>
      %gather3A_84 = tpu.vector_load_idx %arg6[%xor3A_83] : memref<16xi32, #tpu.memory_space<vmem>>[vector<16xi32>], vector<16xi32>,
      %min3A_85 = arith.minsi %min3A_78, %gather3A_84 : vector<16xi32>
      %swap3A_86 = arith.constant 0 : index
      %swap3A_87 = tpu.vector_load %arg6[%swap3A_86] {strides = array<i32>} : memref<16xi32, #tpu.memory_space<vmem>>, vector<16xi32>,
      tpu.vector_store %arg6[%swap3A_86], %min3A_85 {strides = array<i32>} : memref<16xi32, #tpu.memory_space<vmem>>, vector<16xi32>,
      %xor3A_88 = arith.constant 8 : i32
      %xor3A_89 = vector.broadcast %xor3A_88 : i32 to vector<16xi32>
      %xor3A_90 = arith.xori %iota3A, %xor3A_89 : vector<16xi32>
      %gather3A_91 = tpu.vector_load_idx %arg6[%xor3A_90] : memref<16xi32, #tpu.memory_space<vmem>>[vector<16xi32>], vector<16xi32>,
      %min3A_92 = arith.minsi %min3A_85, %gather3A_91 : vector<16xi32>
      %scan3A_93 = arith.constant 0 : i32
      %scan3A_94 = arith.constant 0 : i32
      %scan3A_95 = arith.constant 24 : i32
      %scan3A_96 = arith.addi %scan3A_94, %scan3A_95 : i32
      %scan3A_97 = arith.constant 1 : i32
      %scan3A_98 = scf.for %scan3A_469 = %scan3A_94 to %scan3A_96 step %scan3A_97 iter_args(%scan3A_470 = %scan3A_93) -> (i32)  : i32 {
        %mul3A = arith.constant 16 : i32
        %mul3A_471 = arith.muli %scan3A_469, %mul3A : i32
        %get3A = arith.index_cast %mul3A_471 : i32 to index
        %get3A_472 = tpu.vector_load %arg5[%get3A] {strides = array<i32>} : memref<384xf32, #tpu.memory_space<vmem>>, vector<16xf32>,
        %mul3A_473 = arith.constant 16 : i32
        %mul3A_474 = arith.muli %scan3A_469, %mul3A_473 : i32
        %add3A = vector.broadcast %mul3A_474 : i32 to vector<16xi32>
        %add3A_475 = arith.addi %iota3A, %add3A : vector<16xi32>
        %eq3A_476 = arith.cmpi eq, %add3A_475, %min3A_92 : vector<16xi32>
        %jit3A = arith.constant 0x7F800000 : f32
        %broadcast_in_dim3A_477 = vector.broadcast %jit3A : f32 to vector<16xf32>
        %select_n3A_478 = arith.select %eq3A_476, %broadcast_in_dim3A_477, %get3A_472 : vector<16xi1>, vector<16xf32>
        %mul3A_479 = arith.constant 16 : i32
        %mul3A_480 = arith.muli %scan3A_469, %mul3A_479 : i32
        %swap3A_481 = arith.index_cast %mul3A_480 : i32 to index
        %swap3A_482 = tpu.vector_load %arg5[%swap3A_481] {strides = array<i32>} : memref<384xf32, #tpu.memory_space<vmem>>, vector<16xf32>,
        tpu.vector_store %arg5[%swap3A_481], %select_n3A_478 {strides = array<i32>} : memref<384xf32, #tpu.memory_space<vmem>>, vector<16xf32>,
        %scan3A_483 = arith.constant 0 : i32
        scf.yield %scan3A_483 : i32
      }
      %scan3A_99 = arith.constant 24 : i32
      %eq3A_100 = arith.constant 0 : i32
      %eq3A_101 = vector.broadcast %eq3A_100 : i32 to vector<16xi32>
      %eq3A_102 = arith.cmpi eq, %iota3A, %eq3A_101 : vector<16xi32>
      %select_n3A = arith.select %eq3A_102, %min3A_92, %broadcast_in_dim3A_17 : vector<16xi1>, vector<16xi32>
      %broadcast_in_dim3A_103 = arith.constant 0x7F800000 : f32
      %broadcast_in_dim3A_104 = vector.broadcast %broadcast_in_dim3A_103 : f32 to vector<16xf32>
      %scan3A_105 = arith.constant 0 : i32
      %scan3A_106 = arith.constant 24 : i32
      %scan3A_107 = arith.addi %scan3A_105, %scan3A_106 : i32
      %scan3A_108 = arith.constant 1 : i32
      %scan3A_109 = scf.for %scan3A_469 = %scan3A_105 to %scan3A_107 step %scan3A_108 iter_args(%scan3A_470 = %broadcast_in_dim3A_104) -> (vector<16xf32>)  : i32 {
        %mul3A = arith.constant 16 : i32
        %mul3A_471 = arith.muli %scan3A_469, %mul3A : i32
        %get3A = arith.index_cast %mul3A_471 : i32 to index
        %get3A_472 = tpu.vector_load %arg5[%get3A] {strides = array<i32>} : memref<384xf32, #tpu.memory_space<vmem>>, vector<16xf32>,
        %min3A_473 = arith.minimumf %scan3A_470, %get3A_472 : vector<16xf32>
        scf.yield %min3A_473 : vector<16xf32>
      }
      %scan3A_110 = arith.constant 24 : i32
      %bitcast3A_111 = vector.bitcast %scan3A_109 : vector<16xf32> to vector<16xi32>
      %swap3A_112 = arith.constant 0 : index
      %swap3A_113 = tpu.vector_load %arg6[%swap3A_112] {strides = array<i32>} : memref<16xi32, #tpu.memory_space<vmem>>, vector<16xi32>,
      tpu.vector_store %arg6[%swap3A_112], %bitcast3A_111 {strides = array<i32>} : memref<16xi32, #tpu.memory_space<vmem>>, vector<16xi32>,
      %xor3A_114 = arith.constant 1 : i32
      %xor3A_115 = vector.broadcast %xor3A_114 : i32 to vector<16xi32>
      %xor3A_116 = arith.xori %iota3A, %xor3A_115 : vector<16xi32>
      %gather3A_117 = tpu.vector_load_idx %arg6[%xor3A_116] : memref<16xi32, #tpu.memory_space<vmem>>[vector<16xi32>], vector<16xi32>,
      %bitcast3A_118 = vector.bitcast %gather3A_117 : vector<16xi32> to vector<16xf32>
      %min3A_119 = arith.minimumf %scan3A_109, %bitcast3A_118 : vector<16xf32>
      %bitcast3A_120 = vector.bitcast %min3A_119 : vector<16xf32> to vector<16xi32>
      %swap3A_121 = arith.constant 0 : index
      %swap3A_122 = tpu.vector_load %arg6[%swap3A_121] {strides = array<i32>} : memref<16xi32, #tpu.memory_space<vmem>>, vector<16xi32>,
      tpu.vector_store %arg6[%swap3A_121], %bitcast3A_120 {strides = array<i32>} : memref<16xi32, #tpu.memory_space<vmem>>, vector<16xi32>,
      %xor3A_123 = arith.constant 2 : i32
      %xor3A_124 = vector.broadcast %xor3A_123 : i32 to vector<16xi32>
      %xor3A_125 = arith.xori %iota3A, %xor3A_124 : vector<16xi32>
      %gather3A_126 = tpu.vector_load_idx %arg6[%xor3A_125] : memref<16xi32, #tpu.memory_space<vmem>>[vector<16xi32>], vector<16xi32>,
      %bitcast3A_127 = vector.bitcast %gather3A_126 : vector<16xi32> to vector<16xf32>
      %min3A_128 = arith.minimumf %min3A_119, %bitcast3A_127 : vector<16xf32>
      %bitcast3A_129 = vector.bitcast %min3A_128 : vector<16xf32> to vector<16xi32>
      %swap3A_130 = arith.constant 0 : index
      %swap3A_131 = tpu.vector_load %arg6[%swap3A_130] {strides = array<i32>} : memref<16xi32, #tpu.memory_space<vmem>>, vector<16xi32>,
      tpu.vector_store %arg6[%swap3A_130], %bitcast3A_129 {strides = array<i32>} : memref<16xi32, #tpu.memory_space<vmem>>, vector<16xi32>,
      %xor3A_132 = arith.constant 4 : i32
      %xor3A_133 = vector.broadcast %xor3A_132 : i32 to vector<16xi32>
      %xor3A_134 = arith.xori %iota3A, %xor3A_133 : vector<16xi32>
      %gather3A_135 = tpu.vector_load_idx %arg6[%xor3A_134] : memref<16xi32, #tpu.memory_space<vmem>>[vector<16xi32>], vector<16xi32>,
      %bitcast3A_136 = vector.bitcast %gather3A_135 : vector<16xi32> to vector<16xf32>
      %min3A_137 = arith.minimumf %min3A_128, %bitcast3A_136 : vector<16xf32>
      %bitcast3A_138 = vector.bitcast %min3A_137 : vector<16xf32> to vector<16xi32>
      %swap3A_139 = arith.constant 0 : index
      %swap3A_140 = tpu.vector_load %arg6[%swap3A_139] {strides = array<i32>} : memref<16xi32, #tpu.memory_space<vmem>>, vector<16xi32>,
      tpu.vector_store %arg6[%swap3A_139], %bitcast3A_138 {strides = array<i32>} : memref<16xi32, #tpu.memory_space<vmem>>, vector<16xi32>,
      %xor3A_141 = arith.constant 8 : i32
      %xor3A_142 = vector.broadcast %xor3A_141 : i32 to vector<16xi32>
      %xor3A_143 = arith.xori %iota3A, %xor3A_142 : vector<16xi32>
      %gather3A_144 = tpu.vector_load_idx %arg6[%xor3A_143] : memref<16xi32, #tpu.memory_space<vmem>>[vector<16xi32>], vector<16xi32>,
      %bitcast3A_145 = vector.bitcast %gather3A_144 : vector<16xi32> to vector<16xf32>
      %min3A_146 = arith.minimumf %min3A_137, %bitcast3A_145 : vector<16xf32>
      %broadcast_in_dim3A_147 = arith.constant 1073741824 : i32
      %broadcast_in_dim3A_148 = vector.broadcast %broadcast_in_dim3A_147 : i32 to vector<16xi32>
      %scan3A_149 = arith.constant 0 : i32
      %scan3A_150 = arith.constant 24 : i32
      %scan3A_151 = arith.addi %scan3A_149, %scan3A_150 : i32
      %scan3A_152 = arith.constant 1 : i32
      %scan3A_153 = scf.for %scan3A_469 = %scan3A_149 to %scan3A_151 step %scan3A_152 iter_args(%scan3A_470 = %broadcast_in_dim3A_148) -> (vector<16xi32>)  : i32 {
        %mul3A = arith.constant 16 : i32
        %mul3A_471 = arith.muli %scan3A_469, %mul3A : i32
        %get3A = arith.index_cast %mul3A_471 : i32 to index
        %get3A_472 = tpu.vector_load %arg5[%get3A] {strides = array<i32>} : memref<384xf32, #tpu.memory_space<vmem>>, vector<16xf32>,
        %eq3A_473 = arith.cmpf oeq, %get3A_472, %min3A_146 : vector<16xf32>
        %mul3A_474 = arith.constant 16 : i32
        %mul3A_475 = arith.muli %scan3A_469, %mul3A_474 : i32
        %add3A = vector.broadcast %mul3A_475 : i32 to vector<16xi32>
        %add3A_476 = arith.addi %iota3A, %add3A : vector<16xi32>
        %jit3A = arith.constant 1073741824 : i32
        %broadcast_in_dim3A_477 = vector.broadcast %jit3A : i32 to vector<16xi32>
        %select_n3A_478 = arith.select %eq3A_473, %add3A_476, %broadcast_in_dim3A_477 : vector<16xi1>, vector<16xi32>
        %min3A_479 = arith.minsi %scan3A_470, %select_n3A_478 : vector<16xi32>
        scf.yield %min3A_479 : vector<16xi32>
      }
      %scan3A_154 = arith.constant 24 : i32
      %swap3A_155 = arith.constant 0 : index
      %swap3A_156 = tpu.vector_load %arg6[%swap3A_155] {strides = array<i32>} : memref<16xi32, #tpu.memory_space<vmem>>, vector<16xi32>,
      tpu.vector_store %arg6[%swap3A_155], %scan3A_153 {strides = array<i32>} : memref<16xi32, #tpu.memory_space<vmem>>, vector<16xi32>,
      %xor3A_157 = arith.constant 1 : i32
      %xor3A_158 = vector.broadcast %xor3A_157 : i32 to vector<16xi32>
      %xor3A_159 = arith.xori %iota3A, %xor3A_158 : vector<16xi32>
      %gather3A_160 = tpu.vector_load_idx %arg6[%xor3A_159] : memref<16xi32, #tpu.memory_space<vmem>>[vector<16xi32>], vector<16xi32>,
      %min3A_161 = arith.minsi %scan3A_153, %gather3A_160 : vector<16xi32>
      %swap3A_162 = arith.constant 0 : index
      %swap3A_163 = tpu.vector_load %arg6[%swap3A_162] {strides = array<i32>} : memref<16xi32, #tpu.memory_space<vmem>>, vector<16xi32>,
      tpu.vector_store %arg6[%swap3A_162], %min3A_161 {strides = array<i32>} : memref<16xi32, #tpu.memory_space<vmem>>, vector<16xi32>,
      %xor3A_164 = arith.constant 2 : i32
      %xor3A_165 = vector.broadcast %xor3A_164 : i32 to vector<16xi32>
      %xor3A_166 = arith.xori %iota3A, %xor3A_165 : vector<16xi32>
      %gather3A_167 = tpu.vector_load_idx %arg6[%xor3A_166] : memref<16xi32, #tpu.memory_space<vmem>>[vector<16xi32>], vector<16xi32>,
      %min3A_168 = arith.minsi %min3A_161, %gather3A_167 : vector<16xi32>
      %swap3A_169 = arith.constant 0 : index
      %swap3A_170 = tpu.vector_load %arg6[%swap3A_169] {strides = array<i32>} : memref<16xi32, #tpu.memory_space<vmem>>, vector<16xi32>,
      tpu.vector_store %arg6[%swap3A_169], %min3A_168 {strides = array<i32>} : memref<16xi32, #tpu.memory_space<vmem>>, vector<16xi32>,
      %xor3A_171 = arith.constant 4 : i32
      %xor3A_172 = vector.broadcast %xor3A_171 : i32 to vector<16xi32>
      %xor3A_173 = arith.xori %iota3A, %xor3A_172 : vector<16xi32>
      %gather3A_174 = tpu.vector_load_idx %arg6[%xor3A_173] : memref<16xi32, #tpu.memory_space<vmem>>[vector<16xi32>], vector<16xi32>,
      %min3A_175 = arith.minsi %min3A_168, %gather3A_174 : vector<16xi32>
      %swap3A_176 = arith.constant 0 : index
      %swap3A_177 = tpu.vector_load %arg6[%swap3A_176] {strides = array<i32>} : memref<16xi32, #tpu.memory_space<vmem>>, vector<16xi32>,
      tpu.vector_store %arg6[%swap3A_176], %min3A_175 {strides = array<i32>} : memref<16xi32, #tpu.memory_space<vmem>>, vector<16xi32>,
      %xor3A_178 = arith.constant 8 : i32
      %xor3A_179 = vector.broadcast %xor3A_178 : i32 to vector<16xi32>
      %xor3A_180 = arith.xori %iota3A, %xor3A_179 : vector<16xi32>
      %gather3A_181 = tpu.vector_load_idx %arg6[%xor3A_180] : memref<16xi32, #tpu.memory_space<vmem>>[vector<16xi32>], vector<16xi32>,
      %min3A_182 = arith.minsi %min3A_175, %gather3A_181 : vector<16xi32>
      %scan3A_183 = arith.constant 0 : i32
      %scan3A_184 = arith.constant 0 : i32
      %scan3A_185 = arith.constant 24 : i32
      %scan3A_186 = arith.addi %scan3A_184, %scan3A_185 : i32
      %scan3A_187 = arith.constant 1 : i32
      %scan3A_188 = scf.for %scan3A_469 = %scan3A_184 to %scan3A_186 step %scan3A_187 iter_args(%scan3A_470 = %scan3A_183) -> (i32)  : i32 {
        %mul3A = arith.constant 16 : i32
        %mul3A_471 = arith.muli %scan3A_469, %mul3A : i32
        %get3A = arith.index_cast %mul3A_471 : i32 to index
        %get3A_472 = tpu.vector_load %arg5[%get3A] {strides = array<i32>} : memref<384xf32, #tpu.memory_space<vmem>>, vector<16xf32>,
        %mul3A_473 = arith.constant 16 : i32
        %mul3A_474 = arith.muli %scan3A_469, %mul3A_473 : i32
        %add3A = vector.broadcast %mul3A_474 : i32 to vector<16xi32>
        %add3A_475 = arith.addi %iota3A, %add3A : vector<16xi32>
        %eq3A_476 = arith.cmpi eq, %add3A_475, %min3A_182 : vector<16xi32>
        %jit3A = arith.constant 0x7F800000 : f32
        %broadcast_in_dim3A_477 = vector.broadcast %jit3A : f32 to vector<16xf32>
        %select_n3A_478 = arith.select %eq3A_476, %broadcast_in_dim3A_477, %get3A_472 : vector<16xi1>, vector<16xf32>
        %mul3A_479 = arith.constant 16 : i32
        %mul3A_480 = arith.muli %scan3A_469, %mul3A_479 : i32
        %swap3A_481 = arith.index_cast %mul3A_480 : i32 to index
        %swap3A_482 = tpu.vector_load %arg5[%swap3A_481] {strides = array<i32>} : memref<384xf32, #tpu.memory_space<vmem>>, vector<16xf32>,
        tpu.vector_store %arg5[%swap3A_481], %select_n3A_478 {strides = array<i32>} : memref<384xf32, #tpu.memory_space<vmem>>, vector<16xf32>,
        %scan3A_483 = arith.constant 0 : i32
        scf.yield %scan3A_483 : i32
      }
      %scan3A_189 = arith.constant 24 : i32
      %eq3A_190 = arith.constant 1 : i32
      %eq3A_191 = vector.broadcast %eq3A_190 : i32 to vector<16xi32>
      %eq3A_192 = arith.cmpi eq, %iota3A, %eq3A_191 : vector<16xi32>
      %select_n3A_193 = arith.select %eq3A_192, %min3A_182, %select_n3A : vector<16xi1>, vector<16xi32>
      %broadcast_in_dim3A_194 = arith.constant 0x7F800000 : f32
      %broadcast_in_dim3A_195 = vector.broadcast %broadcast_in_dim3A_194 : f32 to vector<16xf32>
      %scan3A_196 = arith.constant 0 : i32
      %scan3A_197 = arith.constant 24 : i32
      %scan3A_198 = arith.addi %scan3A_196, %scan3A_197 : i32
      %scan3A_199 = arith.constant 1 : i32
      %scan3A_200 = scf.for %scan3A_469 = %scan3A_196 to %scan3A_198 step %scan3A_199 iter_args(%scan3A_470 = %broadcast_in_dim3A_195) -> (vector<16xf32>)  : i32 {
        %mul3A = arith.constant 16 : i32
        %mul3A_471 = arith.muli %scan3A_469, %mul3A : i32
        %get3A = arith.index_cast %mul3A_471 : i32 to index
        %get3A_472 = tpu.vector_load %arg5[%get3A] {strides = array<i32>} : memref<384xf32, #tpu.memory_space<vmem>>, vector<16xf32>,
        %min3A_473 = arith.minimumf %scan3A_470, %get3A_472 : vector<16xf32>
        scf.yield %min3A_473 : vector<16xf32>
      }
      %scan3A_201 = arith.constant 24 : i32
      %bitcast3A_202 = vector.bitcast %scan3A_200 : vector<16xf32> to vector<16xi32>
      %swap3A_203 = arith.constant 0 : index
      %swap3A_204 = tpu.vector_load %arg6[%swap3A_203] {strides = array<i32>} : memref<16xi32, #tpu.memory_space<vmem>>, vector<16xi32>,
      tpu.vector_store %arg6[%swap3A_203], %bitcast3A_202 {strides = array<i32>} : memref<16xi32, #tpu.memory_space<vmem>>, vector<16xi32>,
      %xor3A_205 = arith.constant 1 : i32
      %xor3A_206 = vector.broadcast %xor3A_205 : i32 to vector<16xi32>
      %xor3A_207 = arith.xori %iota3A, %xor3A_206 : vector<16xi32>
      %gather3A_208 = tpu.vector_load_idx %arg6[%xor3A_207] : memref<16xi32, #tpu.memory_space<vmem>>[vector<16xi32>], vector<16xi32>,
      %bitcast3A_209 = vector.bitcast %gather3A_208 : vector<16xi32> to vector<16xf32>
      %min3A_210 = arith.minimumf %scan3A_200, %bitcast3A_209 : vector<16xf32>
      %bitcast3A_211 = vector.bitcast %min3A_210 : vector<16xf32> to vector<16xi32>
      %swap3A_212 = arith.constant 0 : index
      %swap3A_213 = tpu.vector_load %arg6[%swap3A_212] {strides = array<i32>} : memref<16xi32, #tpu.memory_space<vmem>>, vector<16xi32>,
      tpu.vector_store %arg6[%swap3A_212], %bitcast3A_211 {strides = array<i32>} : memref<16xi32, #tpu.memory_space<vmem>>, vector<16xi32>,
      %xor3A_214 = arith.constant 2 : i32
      %xor3A_215 = vector.broadcast %xor3A_214 : i32 to vector<16xi32>
      %xor3A_216 = arith.xori %iota3A, %xor3A_215 : vector<16xi32>
      %gather3A_217 = tpu.vector_load_idx %arg6[%xor3A_216] : memref<16xi32, #tpu.memory_space<vmem>>[vector<16xi32>], vector<16xi32>,
      %bitcast3A_218 = vector.bitcast %gather3A_217 : vector<16xi32> to vector<16xf32>
      %min3A_219 = arith.minimumf %min3A_210, %bitcast3A_218 : vector<16xf32>
      %bitcast3A_220 = vector.bitcast %min3A_219 : vector<16xf32> to vector<16xi32>
      %swap3A_221 = arith.constant 0 : index
      %swap3A_222 = tpu.vector_load %arg6[%swap3A_221] {strides = array<i32>} : memref<16xi32, #tpu.memory_space<vmem>>, vector<16xi32>,
      tpu.vector_store %arg6[%swap3A_221], %bitcast3A_220 {strides = array<i32>} : memref<16xi32, #tpu.memory_space<vmem>>, vector<16xi32>,
      %xor3A_223 = arith.constant 4 : i32
      %xor3A_224 = vector.broadcast %xor3A_223 : i32 to vector<16xi32>
      %xor3A_225 = arith.xori %iota3A, %xor3A_224 : vector<16xi32>
      %gather3A_226 = tpu.vector_load_idx %arg6[%xor3A_225] : memref<16xi32, #tpu.memory_space<vmem>>[vector<16xi32>], vector<16xi32>,
      %bitcast3A_227 = vector.bitcast %gather3A_226 : vector<16xi32> to vector<16xf32>
      %min3A_228 = arith.minimumf %min3A_219, %bitcast3A_227 : vector<16xf32>
      %bitcast3A_229 = vector.bitcast %min3A_228 : vector<16xf32> to vector<16xi32>
      %swap3A_230 = arith.constant 0 : index
      %swap3A_231 = tpu.vector_load %arg6[%swap3A_230] {strides = array<i32>} : memref<16xi32, #tpu.memory_space<vmem>>, vector<16xi32>,
      tpu.vector_store %arg6[%swap3A_230], %bitcast3A_229 {strides = array<i32>} : memref<16xi32, #tpu.memory_space<vmem>>, vector<16xi32>,
      %xor3A_232 = arith.constant 8 : i32
      %xor3A_233 = vector.broadcast %xor3A_232 : i32 to vector<16xi32>
      %xor3A_234 = arith.xori %iota3A, %xor3A_233 : vector<16xi32>
      %gather3A_235 = tpu.vector_load_idx %arg6[%xor3A_234] : memref<16xi32, #tpu.memory_space<vmem>>[vector<16xi32>], vector<16xi32>,
      %bitcast3A_236 = vector.bitcast %gather3A_235 : vector<16xi32> to vector<16xf32>
      %min3A_237 = arith.minimumf %min3A_228, %bitcast3A_236 : vector<16xf32>
      %broadcast_in_dim3A_238 = arith.constant 1073741824 : i32
      %broadcast_in_dim3A_239 = vector.broadcast %broadcast_in_dim3A_238 : i32 to vector<16xi32>
      %scan3A_240 = arith.constant 0 : i32
      %scan3A_241 = arith.constant 24 : i32
      %scan3A_242 = arith.addi %scan3A_240, %scan3A_241 : i32
      %scan3A_243 = arith.constant 1 : i32
      %scan3A_244 = scf.for %scan3A_469 = %scan3A_240 to %scan3A_242 step %scan3A_243 iter_args(%scan3A_470 = %broadcast_in_dim3A_239) -> (vector<16xi32>)  : i32 {
        %mul3A = arith.constant 16 : i32
        %mul3A_471 = arith.muli %scan3A_469, %mul3A : i32
        %get3A = arith.index_cast %mul3A_471 : i32 to index
        %get3A_472 = tpu.vector_load %arg5[%get3A] {strides = array<i32>} : memref<384xf32, #tpu.memory_space<vmem>>, vector<16xf32>,
        %eq3A_473 = arith.cmpf oeq, %get3A_472, %min3A_237 : vector<16xf32>
        %mul3A_474 = arith.constant 16 : i32
        %mul3A_475 = arith.muli %scan3A_469, %mul3A_474 : i32
        %add3A = vector.broadcast %mul3A_475 : i32 to vector<16xi32>
        %add3A_476 = arith.addi %iota3A, %add3A : vector<16xi32>
        %jit3A = arith.constant 1073741824 : i32
        %broadcast_in_dim3A_477 = vector.broadcast %jit3A : i32 to vector<16xi32>
        %select_n3A_478 = arith.select %eq3A_473, %add3A_476, %broadcast_in_dim3A_477 : vector<16xi1>, vector<16xi32>
        %min3A_479 = arith.minsi %scan3A_470, %select_n3A_478 : vector<16xi32>
        scf.yield %min3A_479 : vector<16xi32>
      }
      %scan3A_245 = arith.constant 24 : i32
      %swap3A_246 = arith.constant 0 : index
      %swap3A_247 = tpu.vector_load %arg6[%swap3A_246] {strides = array<i32>} : memref<16xi32, #tpu.memory_space<vmem>>, vector<16xi32>,
      tpu.vector_store %arg6[%swap3A_246], %scan3A_244 {strides = array<i32>} : memref<16xi32, #tpu.memory_space<vmem>>, vector<16xi32>,
      %xor3A_248 = arith.constant 1 : i32
      %xor3A_249 = vector.broadcast %xor3A_248 : i32 to vector<16xi32>
      %xor3A_250 = arith.xori %iota3A, %xor3A_249 : vector<16xi32>
      %gather3A_251 = tpu.vector_load_idx %arg6[%xor3A_250] : memref<16xi32, #tpu.memory_space<vmem>>[vector<16xi32>], vector<16xi32>,
      %min3A_252 = arith.minsi %scan3A_244, %gather3A_251 : vector<16xi32>
      %swap3A_253 = arith.constant 0 : index
      %swap3A_254 = tpu.vector_load %arg6[%swap3A_253] {strides = array<i32>} : memref<16xi32, #tpu.memory_space<vmem>>, vector<16xi32>,
      tpu.vector_store %arg6[%swap3A_253], %min3A_252 {strides = array<i32>} : memref<16xi32, #tpu.memory_space<vmem>>, vector<16xi32>,
      %xor3A_255 = arith.constant 2 : i32
      %xor3A_256 = vector.broadcast %xor3A_255 : i32 to vector<16xi32>
      %xor3A_257 = arith.xori %iota3A, %xor3A_256 : vector<16xi32>
      %gather3A_258 = tpu.vector_load_idx %arg6[%xor3A_257] : memref<16xi32, #tpu.memory_space<vmem>>[vector<16xi32>], vector<16xi32>,
      %min3A_259 = arith.minsi %min3A_252, %gather3A_258 : vector<16xi32>
      %swap3A_260 = arith.constant 0 : index
      %swap3A_261 = tpu.vector_load %arg6[%swap3A_260] {strides = array<i32>} : memref<16xi32, #tpu.memory_space<vmem>>, vector<16xi32>,
      tpu.vector_store %arg6[%swap3A_260], %min3A_259 {strides = array<i32>} : memref<16xi32, #tpu.memory_space<vmem>>, vector<16xi32>,
      %xor3A_262 = arith.constant 4 : i32
      %xor3A_263 = vector.broadcast %xor3A_262 : i32 to vector<16xi32>
      %xor3A_264 = arith.xori %iota3A, %xor3A_263 : vector<16xi32>
      %gather3A_265 = tpu.vector_load_idx %arg6[%xor3A_264] : memref<16xi32, #tpu.memory_space<vmem>>[vector<16xi32>], vector<16xi32>,
      %min3A_266 = arith.minsi %min3A_259, %gather3A_265 : vector<16xi32>
      %swap3A_267 = arith.constant 0 : index
      %swap3A_268 = tpu.vector_load %arg6[%swap3A_267] {strides = array<i32>} : memref<16xi32, #tpu.memory_space<vmem>>, vector<16xi32>,
      tpu.vector_store %arg6[%swap3A_267], %min3A_266 {strides = array<i32>} : memref<16xi32, #tpu.memory_space<vmem>>, vector<16xi32>,
      %xor3A_269 = arith.constant 8 : i32
      %xor3A_270 = vector.broadcast %xor3A_269 : i32 to vector<16xi32>
      %xor3A_271 = arith.xori %iota3A, %xor3A_270 : vector<16xi32>
      %gather3A_272 = tpu.vector_load_idx %arg6[%xor3A_271] : memref<16xi32, #tpu.memory_space<vmem>>[vector<16xi32>], vector<16xi32>,
      %min3A_273 = arith.minsi %min3A_266, %gather3A_272 : vector<16xi32>
      %scan3A_274 = arith.constant 0 : i32
      %scan3A_275 = arith.constant 0 : i32
      %scan3A_276 = arith.constant 24 : i32
      %scan3A_277 = arith.addi %scan3A_275, %scan3A_276 : i32
      %scan3A_278 = arith.constant 1 : i32
      %scan3A_279 = scf.for %scan3A_469 = %scan3A_275 to %scan3A_277 step %scan3A_278 iter_args(%scan3A_470 = %scan3A_274) -> (i32)  : i32 {
        %mul3A = arith.constant 16 : i32
        %mul3A_471 = arith.muli %scan3A_469, %mul3A : i32
        %get3A = arith.index_cast %mul3A_471 : i32 to index
        %get3A_472 = tpu.vector_load %arg5[%get3A] {strides = array<i32>} : memref<384xf32, #tpu.memory_space<vmem>>, vector<16xf32>,
        %mul3A_473 = arith.constant 16 : i32
        %mul3A_474 = arith.muli %scan3A_469, %mul3A_473 : i32
        %add3A = vector.broadcast %mul3A_474 : i32 to vector<16xi32>
        %add3A_475 = arith.addi %iota3A, %add3A : vector<16xi32>
        %eq3A_476 = arith.cmpi eq, %add3A_475, %min3A_273 : vector<16xi32>
        %jit3A = arith.constant 0x7F800000 : f32
        %broadcast_in_dim3A_477 = vector.broadcast %jit3A : f32 to vector<16xf32>
        %select_n3A_478 = arith.select %eq3A_476, %broadcast_in_dim3A_477, %get3A_472 : vector<16xi1>, vector<16xf32>
        %mul3A_479 = arith.constant 16 : i32
        %mul3A_480 = arith.muli %scan3A_469, %mul3A_479 : i32
        %swap3A_481 = arith.index_cast %mul3A_480 : i32 to index
        %swap3A_482 = tpu.vector_load %arg5[%swap3A_481] {strides = array<i32>} : memref<384xf32, #tpu.memory_space<vmem>>, vector<16xf32>,
        tpu.vector_store %arg5[%swap3A_481], %select_n3A_478 {strides = array<i32>} : memref<384xf32, #tpu.memory_space<vmem>>, vector<16xf32>,
        %scan3A_483 = arith.constant 0 : i32
        scf.yield %scan3A_483 : i32
      }
      %scan3A_280 = arith.constant 24 : i32
      %eq3A_281 = arith.constant 2 : i32
      %eq3A_282 = vector.broadcast %eq3A_281 : i32 to vector<16xi32>
      %eq3A_283 = arith.cmpi eq, %iota3A, %eq3A_282 : vector<16xi32>
      %select_n3A_284 = arith.select %eq3A_283, %min3A_273, %select_n3A_193 : vector<16xi1>, vector<16xi32>
      %broadcast_in_dim3A_285 = arith.constant 0x7F800000 : f32
      %broadcast_in_dim3A_286 = vector.broadcast %broadcast_in_dim3A_285 : f32 to vector<16xf32>
      %scan3A_287 = arith.constant 0 : i32
      %scan3A_288 = arith.constant 24 : i32
      %scan3A_289 = arith.addi %scan3A_287, %scan3A_288 : i32
      %scan3A_290 = arith.constant 1 : i32
      %scan3A_291 = scf.for %scan3A_469 = %scan3A_287 to %scan3A_289 step %scan3A_290 iter_args(%scan3A_470 = %broadcast_in_dim3A_286) -> (vector<16xf32>)  : i32 {
        %mul3A = arith.constant 16 : i32
        %mul3A_471 = arith.muli %scan3A_469, %mul3A : i32
        %get3A = arith.index_cast %mul3A_471 : i32 to index
        %get3A_472 = tpu.vector_load %arg5[%get3A] {strides = array<i32>} : memref<384xf32, #tpu.memory_space<vmem>>, vector<16xf32>,
        %min3A_473 = arith.minimumf %scan3A_470, %get3A_472 : vector<16xf32>
        scf.yield %min3A_473 : vector<16xf32>
      }
      %scan3A_292 = arith.constant 24 : i32
      %bitcast3A_293 = vector.bitcast %scan3A_291 : vector<16xf32> to vector<16xi32>
      %swap3A_294 = arith.constant 0 : index
      %swap3A_295 = tpu.vector_load %arg6[%swap3A_294] {strides = array<i32>} : memref<16xi32, #tpu.memory_space<vmem>>, vector<16xi32>,
      tpu.vector_store %arg6[%swap3A_294], %bitcast3A_293 {strides = array<i32>} : memref<16xi32, #tpu.memory_space<vmem>>, vector<16xi32>,
      %xor3A_296 = arith.constant 1 : i32
      %xor3A_297 = vector.broadcast %xor3A_296 : i32 to vector<16xi32>
      %xor3A_298 = arith.xori %iota3A, %xor3A_297 : vector<16xi32>
      %gather3A_299 = tpu.vector_load_idx %arg6[%xor3A_298] : memref<16xi32, #tpu.memory_space<vmem>>[vector<16xi32>], vector<16xi32>,
      %bitcast3A_300 = vector.bitcast %gather3A_299 : vector<16xi32> to vector<16xf32>
      %min3A_301 = arith.minimumf %scan3A_291, %bitcast3A_300 : vector<16xf32>
      %bitcast3A_302 = vector.bitcast %min3A_301 : vector<16xf32> to vector<16xi32>
      %swap3A_303 = arith.constant 0 : index
      %swap3A_304 = tpu.vector_load %arg6[%swap3A_303] {strides = array<i32>} : memref<16xi32, #tpu.memory_space<vmem>>, vector<16xi32>,
      tpu.vector_store %arg6[%swap3A_303], %bitcast3A_302 {strides = array<i32>} : memref<16xi32, #tpu.memory_space<vmem>>, vector<16xi32>,
      %xor3A_305 = arith.constant 2 : i32
      %xor3A_306 = vector.broadcast %xor3A_305 : i32 to vector<16xi32>
      %xor3A_307 = arith.xori %iota3A, %xor3A_306 : vector<16xi32>
      %gather3A_308 = tpu.vector_load_idx %arg6[%xor3A_307] : memref<16xi32, #tpu.memory_space<vmem>>[vector<16xi32>], vector<16xi32>,
      %bitcast3A_309 = vector.bitcast %gather3A_308 : vector<16xi32> to vector<16xf32>
      %min3A_310 = arith.minimumf %min3A_301, %bitcast3A_309 : vector<16xf32>
      %bitcast3A_311 = vector.bitcast %min3A_310 : vector<16xf32> to vector<16xi32>
      %swap3A_312 = arith.constant 0 : index
      %swap3A_313 = tpu.vector_load %arg6[%swap3A_312] {strides = array<i32>} : memref<16xi32, #tpu.memory_space<vmem>>, vector<16xi32>,
      tpu.vector_store %arg6[%swap3A_312], %bitcast3A_311 {strides = array<i32>} : memref<16xi32, #tpu.memory_space<vmem>>, vector<16xi32>,
      %xor3A_314 = arith.constant 4 : i32
      %xor3A_315 = vector.broadcast %xor3A_314 : i32 to vector<16xi32>
      %xor3A_316 = arith.xori %iota3A, %xor3A_315 : vector<16xi32>
      %gather3A_317 = tpu.vector_load_idx %arg6[%xor3A_316] : memref<16xi32, #tpu.memory_space<vmem>>[vector<16xi32>], vector<16xi32>,
      %bitcast3A_318 = vector.bitcast %gather3A_317 : vector<16xi32> to vector<16xf32>
      %min3A_319 = arith.minimumf %min3A_310, %bitcast3A_318 : vector<16xf32>
      %bitcast3A_320 = vector.bitcast %min3A_319 : vector<16xf32> to vector<16xi32>
      %swap3A_321 = arith.constant 0 : index
      %swap3A_322 = tpu.vector_load %arg6[%swap3A_321] {strides = array<i32>} : memref<16xi32, #tpu.memory_space<vmem>>, vector<16xi32>,
      tpu.vector_store %arg6[%swap3A_321], %bitcast3A_320 {strides = array<i32>} : memref<16xi32, #tpu.memory_space<vmem>>, vector<16xi32>,
      %xor3A_323 = arith.constant 8 : i32
      %xor3A_324 = vector.broadcast %xor3A_323 : i32 to vector<16xi32>
      %xor3A_325 = arith.xori %iota3A, %xor3A_324 : vector<16xi32>
      %gather3A_326 = tpu.vector_load_idx %arg6[%xor3A_325] : memref<16xi32, #tpu.memory_space<vmem>>[vector<16xi32>], vector<16xi32>,
      %bitcast3A_327 = vector.bitcast %gather3A_326 : vector<16xi32> to vector<16xf32>
      %min3A_328 = arith.minimumf %min3A_319, %bitcast3A_327 : vector<16xf32>
      %broadcast_in_dim3A_329 = arith.constant 1073741824 : i32
      %broadcast_in_dim3A_330 = vector.broadcast %broadcast_in_dim3A_329 : i32 to vector<16xi32>
      %scan3A_331 = arith.constant 0 : i32
      %scan3A_332 = arith.constant 24 : i32
      %scan3A_333 = arith.addi %scan3A_331, %scan3A_332 : i32
      %scan3A_334 = arith.constant 1 : i32
      %scan3A_335 = scf.for %scan3A_469 = %scan3A_331 to %scan3A_333 step %scan3A_334 iter_args(%scan3A_470 = %broadcast_in_dim3A_330) -> (vector<16xi32>)  : i32 {
        %mul3A = arith.constant 16 : i32
        %mul3A_471 = arith.muli %scan3A_469, %mul3A : i32
        %get3A = arith.index_cast %mul3A_471 : i32 to index
        %get3A_472 = tpu.vector_load %arg5[%get3A] {strides = array<i32>} : memref<384xf32, #tpu.memory_space<vmem>>, vector<16xf32>,
        %eq3A_473 = arith.cmpf oeq, %get3A_472, %min3A_328 : vector<16xf32>
        %mul3A_474 = arith.constant 16 : i32
        %mul3A_475 = arith.muli %scan3A_469, %mul3A_474 : i32
        %add3A = vector.broadcast %mul3A_475 : i32 to vector<16xi32>
        %add3A_476 = arith.addi %iota3A, %add3A : vector<16xi32>
        %jit3A = arith.constant 1073741824 : i32
        %broadcast_in_dim3A_477 = vector.broadcast %jit3A : i32 to vector<16xi32>
        %select_n3A_478 = arith.select %eq3A_473, %add3A_476, %broadcast_in_dim3A_477 : vector<16xi1>, vector<16xi32>
        %min3A_479 = arith.minsi %scan3A_470, %select_n3A_478 : vector<16xi32>
        scf.yield %min3A_479 : vector<16xi32>
      }
      %scan3A_336 = arith.constant 24 : i32
      %swap3A_337 = arith.constant 0 : index
      %swap3A_338 = tpu.vector_load %arg6[%swap3A_337] {strides = array<i32>} : memref<16xi32, #tpu.memory_space<vmem>>, vector<16xi32>,
      tpu.vector_store %arg6[%swap3A_337], %scan3A_335 {strides = array<i32>} : memref<16xi32, #tpu.memory_space<vmem>>, vector<16xi32>,
      %xor3A_339 = arith.constant 1 : i32
      %xor3A_340 = vector.broadcast %xor3A_339 : i32 to vector<16xi32>
      %xor3A_341 = arith.xori %iota3A, %xor3A_340 : vector<16xi32>
      %gather3A_342 = tpu.vector_load_idx %arg6[%xor3A_341] : memref<16xi32, #tpu.memory_space<vmem>>[vector<16xi32>], vector<16xi32>,
      %min3A_343 = arith.minsi %scan3A_335, %gather3A_342 : vector<16xi32>
      %swap3A_344 = arith.constant 0 : index
      %swap3A_345 = tpu.vector_load %arg6[%swap3A_344] {strides = array<i32>} : memref<16xi32, #tpu.memory_space<vmem>>, vector<16xi32>,
      tpu.vector_store %arg6[%swap3A_344], %min3A_343 {strides = array<i32>} : memref<16xi32, #tpu.memory_space<vmem>>, vector<16xi32>,
      %xor3A_346 = arith.constant 2 : i32
      %xor3A_347 = vector.broadcast %xor3A_346 : i32 to vector<16xi32>
      %xor3A_348 = arith.xori %iota3A, %xor3A_347 : vector<16xi32>
      %gather3A_349 = tpu.vector_load_idx %arg6[%xor3A_348] : memref<16xi32, #tpu.memory_space<vmem>>[vector<16xi32>], vector<16xi32>,
      %min3A_350 = arith.minsi %min3A_343, %gather3A_349 : vector<16xi32>
      %swap3A_351 = arith.constant 0 : index
      %swap3A_352 = tpu.vector_load %arg6[%swap3A_351] {strides = array<i32>} : memref<16xi32, #tpu.memory_space<vmem>>, vector<16xi32>,
      tpu.vector_store %arg6[%swap3A_351], %min3A_350 {strides = array<i32>} : memref<16xi32, #tpu.memory_space<vmem>>, vector<16xi32>,
      %xor3A_353 = arith.constant 4 : i32
      %xor3A_354 = vector.broadcast %xor3A_353 : i32 to vector<16xi32>
      %xor3A_355 = arith.xori %iota3A, %xor3A_354 : vector<16xi32>
      %gather3A_356 = tpu.vector_load_idx %arg6[%xor3A_355] : memref<16xi32, #tpu.memory_space<vmem>>[vector<16xi32>], vector<16xi32>,
      %min3A_357 = arith.minsi %min3A_350, %gather3A_356 : vector<16xi32>
      %swap3A_358 = arith.constant 0 : index
      %swap3A_359 = tpu.vector_load %arg6[%swap3A_358] {strides = array<i32>} : memref<16xi32, #tpu.memory_space<vmem>>, vector<16xi32>,
      tpu.vector_store %arg6[%swap3A_358], %min3A_357 {strides = array<i32>} : memref<16xi32, #tpu.memory_space<vmem>>, vector<16xi32>,
      %xor3A_360 = arith.constant 8 : i32
      %xor3A_361 = vector.broadcast %xor3A_360 : i32 to vector<16xi32>
      %xor3A_362 = arith.xori %iota3A, %xor3A_361 : vector<16xi32>
      %gather3A_363 = tpu.vector_load_idx %arg6[%xor3A_362] : memref<16xi32, #tpu.memory_space<vmem>>[vector<16xi32>], vector<16xi32>,
      %min3A_364 = arith.minsi %min3A_357, %gather3A_363 : vector<16xi32>
      %scan3A_365 = arith.constant 0 : i32
      %scan3A_366 = arith.constant 0 : i32
      %scan3A_367 = arith.constant 24 : i32
      %scan3A_368 = arith.addi %scan3A_366, %scan3A_367 : i32
      %scan3A_369 = arith.constant 1 : i32
      %scan3A_370 = scf.for %scan3A_469 = %scan3A_366 to %scan3A_368 step %scan3A_369 iter_args(%scan3A_470 = %scan3A_365) -> (i32)  : i32 {
        %mul3A = arith.constant 16 : i32
        %mul3A_471 = arith.muli %scan3A_469, %mul3A : i32
        %get3A = arith.index_cast %mul3A_471 : i32 to index
        %get3A_472 = tpu.vector_load %arg5[%get3A] {strides = array<i32>} : memref<384xf32, #tpu.memory_space<vmem>>, vector<16xf32>,
        %mul3A_473 = arith.constant 16 : i32
        %mul3A_474 = arith.muli %scan3A_469, %mul3A_473 : i32
        %add3A = vector.broadcast %mul3A_474 : i32 to vector<16xi32>
        %add3A_475 = arith.addi %iota3A, %add3A : vector<16xi32>
        %eq3A_476 = arith.cmpi eq, %add3A_475, %min3A_364 : vector<16xi32>
        %jit3A = arith.constant 0x7F800000 : f32
        %broadcast_in_dim3A_477 = vector.broadcast %jit3A : f32 to vector<16xf32>
        %select_n3A_478 = arith.select %eq3A_476, %broadcast_in_dim3A_477, %get3A_472 : vector<16xi1>, vector<16xf32>
        %mul3A_479 = arith.constant 16 : i32
        %mul3A_480 = arith.muli %scan3A_469, %mul3A_479 : i32
        %swap3A_481 = arith.index_cast %mul3A_480 : i32 to index
        %swap3A_482 = tpu.vector_load %arg5[%swap3A_481] {strides = array<i32>} : memref<384xf32, #tpu.memory_space<vmem>>, vector<16xf32>,
        tpu.vector_store %arg5[%swap3A_481], %select_n3A_478 {strides = array<i32>} : memref<384xf32, #tpu.memory_space<vmem>>, vector<16xf32>,
        %scan3A_483 = arith.constant 0 : i32
        scf.yield %scan3A_483 : i32
      }
      %scan3A_371 = arith.constant 24 : i32
      %eq3A_372 = arith.constant 3 : i32
      %eq3A_373 = vector.broadcast %eq3A_372 : i32 to vector<16xi32>
      %eq3A_374 = arith.cmpi eq, %iota3A, %eq3A_373 : vector<16xi32>
      %select_n3A_375 = arith.select %eq3A_374, %min3A_364, %select_n3A_284 : vector<16xi1>, vector<16xi32>
      %broadcast_in_dim3A_376 = arith.constant 0x7F800000 : f32
      %broadcast_in_dim3A_377 = vector.broadcast %broadcast_in_dim3A_376 : f32 to vector<16xf32>
      %scan3A_378 = arith.constant 0 : i32
      %scan3A_379 = arith.constant 24 : i32
      %scan3A_380 = arith.addi %scan3A_378, %scan3A_379 : i32
      %scan3A_381 = arith.constant 1 : i32
      %scan3A_382 = scf.for %scan3A_469 = %scan3A_378 to %scan3A_380 step %scan3A_381 iter_args(%scan3A_470 = %broadcast_in_dim3A_377) -> (vector<16xf32>)  : i32 {
        %mul3A = arith.constant 16 : i32
        %mul3A_471 = arith.muli %scan3A_469, %mul3A : i32
        %get3A = arith.index_cast %mul3A_471 : i32 to index
        %get3A_472 = tpu.vector_load %arg5[%get3A] {strides = array<i32>} : memref<384xf32, #tpu.memory_space<vmem>>, vector<16xf32>,
        %min3A_473 = arith.minimumf %scan3A_470, %get3A_472 : vector<16xf32>
        scf.yield %min3A_473 : vector<16xf32>
      }
      %scan3A_383 = arith.constant 24 : i32
      %bitcast3A_384 = vector.bitcast %scan3A_382 : vector<16xf32> to vector<16xi32>
      %swap3A_385 = arith.constant 0 : index
      %swap3A_386 = tpu.vector_load %arg6[%swap3A_385] {strides = array<i32>} : memref<16xi32, #tpu.memory_space<vmem>>, vector<16xi32>,
      tpu.vector_store %arg6[%swap3A_385], %bitcast3A_384 {strides = array<i32>} : memref<16xi32, #tpu.memory_space<vmem>>, vector<16xi32>,
      %xor3A_387 = arith.constant 1 : i32
      %xor3A_388 = vector.broadcast %xor3A_387 : i32 to vector<16xi32>
      %xor3A_389 = arith.xori %iota3A, %xor3A_388 : vector<16xi32>
      %gather3A_390 = tpu.vector_load_idx %arg6[%xor3A_389] : memref<16xi32, #tpu.memory_space<vmem>>[vector<16xi32>], vector<16xi32>,
      %bitcast3A_391 = vector.bitcast %gather3A_390 : vector<16xi32> to vector<16xf32>
      %min3A_392 = arith.minimumf %scan3A_382, %bitcast3A_391 : vector<16xf32>
      %bitcast3A_393 = vector.bitcast %min3A_392 : vector<16xf32> to vector<16xi32>
      %swap3A_394 = arith.constant 0 : index
      %swap3A_395 = tpu.vector_load %arg6[%swap3A_394] {strides = array<i32>} : memref<16xi32, #tpu.memory_space<vmem>>, vector<16xi32>,
      tpu.vector_store %arg6[%swap3A_394], %bitcast3A_393 {strides = array<i32>} : memref<16xi32, #tpu.memory_space<vmem>>, vector<16xi32>,
      %xor3A_396 = arith.constant 2 : i32
      %xor3A_397 = vector.broadcast %xor3A_396 : i32 to vector<16xi32>
      %xor3A_398 = arith.xori %iota3A, %xor3A_397 : vector<16xi32>
      %gather3A_399 = tpu.vector_load_idx %arg6[%xor3A_398] : memref<16xi32, #tpu.memory_space<vmem>>[vector<16xi32>], vector<16xi32>,
      %bitcast3A_400 = vector.bitcast %gather3A_399 : vector<16xi32> to vector<16xf32>
      %min3A_401 = arith.minimumf %min3A_392, %bitcast3A_400 : vector<16xf32>
      %bitcast3A_402 = vector.bitcast %min3A_401 : vector<16xf32> to vector<16xi32>
      %swap3A_403 = arith.constant 0 : index
      %swap3A_404 = tpu.vector_load %arg6[%swap3A_403] {strides = array<i32>} : memref<16xi32, #tpu.memory_space<vmem>>, vector<16xi32>,
      tpu.vector_store %arg6[%swap3A_403], %bitcast3A_402 {strides = array<i32>} : memref<16xi32, #tpu.memory_space<vmem>>, vector<16xi32>,
      %xor3A_405 = arith.constant 4 : i32
      %xor3A_406 = vector.broadcast %xor3A_405 : i32 to vector<16xi32>
      %xor3A_407 = arith.xori %iota3A, %xor3A_406 : vector<16xi32>
      %gather3A_408 = tpu.vector_load_idx %arg6[%xor3A_407] : memref<16xi32, #tpu.memory_space<vmem>>[vector<16xi32>], vector<16xi32>,
      %bitcast3A_409 = vector.bitcast %gather3A_408 : vector<16xi32> to vector<16xf32>
      %min3A_410 = arith.minimumf %min3A_401, %bitcast3A_409 : vector<16xf32>
      %bitcast3A_411 = vector.bitcast %min3A_410 : vector<16xf32> to vector<16xi32>
      %swap3A_412 = arith.constant 0 : index
      %swap3A_413 = tpu.vector_load %arg6[%swap3A_412] {strides = array<i32>} : memref<16xi32, #tpu.memory_space<vmem>>, vector<16xi32>,
      tpu.vector_store %arg6[%swap3A_412], %bitcast3A_411 {strides = array<i32>} : memref<16xi32, #tpu.memory_space<vmem>>, vector<16xi32>,
      %xor3A_414 = arith.constant 8 : i32
      %xor3A_415 = vector.broadcast %xor3A_414 : i32 to vector<16xi32>
      %xor3A_416 = arith.xori %iota3A, %xor3A_415 : vector<16xi32>
      %gather3A_417 = tpu.vector_load_idx %arg6[%xor3A_416] : memref<16xi32, #tpu.memory_space<vmem>>[vector<16xi32>], vector<16xi32>,
      %bitcast3A_418 = vector.bitcast %gather3A_417 : vector<16xi32> to vector<16xf32>
      %min3A_419 = arith.minimumf %min3A_410, %bitcast3A_418 : vector<16xf32>
      %broadcast_in_dim3A_420 = arith.constant 1073741824 : i32
      %broadcast_in_dim3A_421 = vector.broadcast %broadcast_in_dim3A_420 : i32 to vector<16xi32>
      %scan3A_422 = arith.constant 0 : i32
      %scan3A_423 = arith.constant 24 : i32
      %scan3A_424 = arith.addi %scan3A_422, %scan3A_423 : i32
      %scan3A_425 = arith.constant 1 : i32
      %scan3A_426 = scf.for %scan3A_469 = %scan3A_422 to %scan3A_424 step %scan3A_425 iter_args(%scan3A_470 = %broadcast_in_dim3A_421) -> (vector<16xi32>)  : i32 {
        %mul3A = arith.constant 16 : i32
        %mul3A_471 = arith.muli %scan3A_469, %mul3A : i32
        %get3A = arith.index_cast %mul3A_471 : i32 to index
        %get3A_472 = tpu.vector_load %arg5[%get3A] {strides = array<i32>} : memref<384xf32, #tpu.memory_space<vmem>>, vector<16xf32>,
        %eq3A_473 = arith.cmpf oeq, %get3A_472, %min3A_419 : vector<16xf32>
        %mul3A_474 = arith.constant 16 : i32
        %mul3A_475 = arith.muli %scan3A_469, %mul3A_474 : i32
        %add3A = vector.broadcast %mul3A_475 : i32 to vector<16xi32>
        %add3A_476 = arith.addi %iota3A, %add3A : vector<16xi32>
        %jit3A = arith.constant 1073741824 : i32
        %broadcast_in_dim3A_477 = vector.broadcast %jit3A : i32 to vector<16xi32>
        %select_n3A_478 = arith.select %eq3A_473, %add3A_476, %broadcast_in_dim3A_477 : vector<16xi1>, vector<16xi32>
        %min3A_479 = arith.minsi %scan3A_470, %select_n3A_478 : vector<16xi32>
        scf.yield %min3A_479 : vector<16xi32>
      }
      %scan3A_427 = arith.constant 24 : i32
      %swap3A_428 = arith.constant 0 : index
      %swap3A_429 = tpu.vector_load %arg6[%swap3A_428] {strides = array<i32>} : memref<16xi32, #tpu.memory_space<vmem>>, vector<16xi32>,
      tpu.vector_store %arg6[%swap3A_428], %scan3A_426 {strides = array<i32>} : memref<16xi32, #tpu.memory_space<vmem>>, vector<16xi32>,
      %xor3A_430 = arith.constant 1 : i32
      %xor3A_431 = vector.broadcast %xor3A_430 : i32 to vector<16xi32>
      %xor3A_432 = arith.xori %iota3A, %xor3A_431 : vector<16xi32>
      %gather3A_433 = tpu.vector_load_idx %arg6[%xor3A_432] : memref<16xi32, #tpu.memory_space<vmem>>[vector<16xi32>], vector<16xi32>,
      %min3A_434 = arith.minsi %scan3A_426, %gather3A_433 : vector<16xi32>
      %swap3A_435 = arith.constant 0 : index
      %swap3A_436 = tpu.vector_load %arg6[%swap3A_435] {strides = array<i32>} : memref<16xi32, #tpu.memory_space<vmem>>, vector<16xi32>,
      tpu.vector_store %arg6[%swap3A_435], %min3A_434 {strides = array<i32>} : memref<16xi32, #tpu.memory_space<vmem>>, vector<16xi32>,
      %xor3A_437 = arith.constant 2 : i32
      %xor3A_438 = vector.broadcast %xor3A_437 : i32 to vector<16xi32>
      %xor3A_439 = arith.xori %iota3A, %xor3A_438 : vector<16xi32>
      %gather3A_440 = tpu.vector_load_idx %arg6[%xor3A_439] : memref<16xi32, #tpu.memory_space<vmem>>[vector<16xi32>], vector<16xi32>,
      %min3A_441 = arith.minsi %min3A_434, %gather3A_440 : vector<16xi32>
      %swap3A_442 = arith.constant 0 : index
      %swap3A_443 = tpu.vector_load %arg6[%swap3A_442] {strides = array<i32>} : memref<16xi32, #tpu.memory_space<vmem>>, vector<16xi32>,
      tpu.vector_store %arg6[%swap3A_442], %min3A_441 {strides = array<i32>} : memref<16xi32, #tpu.memory_space<vmem>>, vector<16xi32>,
      %xor3A_444 = arith.constant 4 : i32
      %xor3A_445 = vector.broadcast %xor3A_444 : i32 to vector<16xi32>
      %xor3A_446 = arith.xori %iota3A, %xor3A_445 : vector<16xi32>
      %gather3A_447 = tpu.vector_load_idx %arg6[%xor3A_446] : memref<16xi32, #tpu.memory_space<vmem>>[vector<16xi32>], vector<16xi32>,
      %min3A_448 = arith.minsi %min3A_441, %gather3A_447 : vector<16xi32>
      %swap3A_449 = arith.constant 0 : index
      %swap3A_450 = tpu.vector_load %arg6[%swap3A_449] {strides = array<i32>} : memref<16xi32, #tpu.memory_space<vmem>>, vector<16xi32>,
      tpu.vector_store %arg6[%swap3A_449], %min3A_448 {strides = array<i32>} : memref<16xi32, #tpu.memory_space<vmem>>, vector<16xi32>,
      %xor3A_451 = arith.constant 8 : i32
      %xor3A_452 = vector.broadcast %xor3A_451 : i32 to vector<16xi32>
      %xor3A_453 = arith.xori %iota3A, %xor3A_452 : vector<16xi32>
      %gather3A_454 = tpu.vector_load_idx %arg6[%xor3A_453] : memref<16xi32, #tpu.memory_space<vmem>>[vector<16xi32>], vector<16xi32>,
      %min3A_455 = arith.minsi %min3A_448, %gather3A_454 : vector<16xi32>
      %scan3A_456 = arith.constant 0 : i32
      %scan3A_457 = arith.constant 0 : i32
      %scan3A_458 = arith.constant 24 : i32
      %scan3A_459 = arith.addi %scan3A_457, %scan3A_458 : i32
      %scan3A_460 = arith.constant 1 : i32
      %scan3A_461 = scf.for %scan3A_469 = %scan3A_457 to %scan3A_459 step %scan3A_460 iter_args(%scan3A_470 = %scan3A_456) -> (i32)  : i32 {
        %mul3A = arith.constant 16 : i32
        %mul3A_471 = arith.muli %scan3A_469, %mul3A : i32
        %get3A = arith.index_cast %mul3A_471 : i32 to index
        %get3A_472 = tpu.vector_load %arg5[%get3A] {strides = array<i32>} : memref<384xf32, #tpu.memory_space<vmem>>, vector<16xf32>,
        %mul3A_473 = arith.constant 16 : i32
        %mul3A_474 = arith.muli %scan3A_469, %mul3A_473 : i32
        %add3A = vector.broadcast %mul3A_474 : i32 to vector<16xi32>
        %add3A_475 = arith.addi %iota3A, %add3A : vector<16xi32>
        %eq3A_476 = arith.cmpi eq, %add3A_475, %min3A_455 : vector<16xi32>
        %jit3A = arith.constant 0x7F800000 : f32
        %broadcast_in_dim3A_477 = vector.broadcast %jit3A : f32 to vector<16xf32>
        %select_n3A_478 = arith.select %eq3A_476, %broadcast_in_dim3A_477, %get3A_472 : vector<16xi1>, vector<16xf32>
        %mul3A_479 = arith.constant 16 : i32
        %mul3A_480 = arith.muli %scan3A_469, %mul3A_479 : i32
        %swap3A_481 = arith.index_cast %mul3A_480 : i32 to index
        %swap3A_482 = tpu.vector_load %arg5[%swap3A_481] {strides = array<i32>} : memref<384xf32, #tpu.memory_space<vmem>>, vector<16xf32>,
        tpu.vector_store %arg5[%swap3A_481], %select_n3A_478 {strides = array<i32>} : memref<384xf32, #tpu.memory_space<vmem>>, vector<16xf32>,
        %scan3A_483 = arith.constant 0 : i32
        scf.yield %scan3A_483 : i32
      }
      %scan3A_462 = arith.constant 24 : i32
      %eq3A_463 = arith.constant 4 : i32
      %eq3A_464 = vector.broadcast %eq3A_463 : i32 to vector<16xi32>
      %eq3A_465 = arith.cmpi eq, %iota3A, %eq3A_464 : vector<16xi32>
      %select_n3A_466 = arith.select %eq3A_465, %min3A_455, %select_n3A_375 : vector<16xi1>, vector<16xi32>
      %swap3A_467 = arith.constant 0 : index
      %swap3A_468 = tpu.vector_load %arg7[%swap3A_467] {strides = array<i32>} : memref<16xi32, #tpu.memory_space<vmem>>, vector<16xi32>,
      tpu.vector_store %arg7[%swap3A_467], %select_n3A_466 {strides = array<i32>} : memref<16xi32, #tpu.memory_space<vmem>>, vector<16xi32>,
      "tpu.region"() ({
        %run_scoped3A = tpu.sem_alloc : memref<!tpu.dma_semaphore, #tpu.memory_space<semaphore_mem>>
        %dma_start3A = arith.constant 0 : i32
        %dma_start3A_469 = tpu.memref_slice %arg4[%dma_start3A] : memref<32xi32, #tpu.memory_space<hbm>> -> memref<16xi32, #tpu.memory_space<hbm>>
        %dma_start3A_470 = arith.constant 0 : i32
        %dma_start3A_471 = tpu.memref_slice %arg4[%dma_start3A_470] : memref<32xi32, #tpu.memory_space<hbm>> -> memref<16xi32, #tpu.memory_space<hbm>>
        tpu.enqueue_dma source(%arg7 : memref<16xi32, #tpu.memory_space<vmem>>) target(%dma_start3A_471 : memref<16xi32, #tpu.memory_space<hbm>>) target_semaphore(%run_scoped3A : memref<!tpu.dma_semaphore, #tpu.memory_space<semaphore_mem>>)
        %dma_wait3A = arith.constant 0 : i32
        %dma_wait3A_472 = tpu.memref_slice %arg4[%dma_wait3A] : memref<32xi32, #tpu.memory_space<hbm>> -> memref<16xi32, #tpu.memory_space<hbm>>
        %dma_wait3A_473 = arith.constant 0 : i32
        %dma_wait3A_474 = tpu.memref_slice %arg4[%dma_wait3A_473] : memref<32xi32, #tpu.memory_space<hbm>> -> memref<16xi32, #tpu.memory_space<hbm>>
        tpu.wait_dma2 semaphore(%run_scoped3A : memref<!tpu.dma_semaphore, #tpu.memory_space<semaphore_mem>>) src(%arg7 : memref<16xi32, #tpu.memory_space<vmem>>) dst(%dma_wait3A_474 : memref<16xi32, #tpu.memory_space<hbm>>)
        tpu.yield
      }) : () -> ()
    } else {
    }
    return
  }
}

module attributes {stable_mosaic.version = 14 : i64} {
  func.func @_tc_main_body(%arg0: i32, %arg1: i32, %arg2: memref<32xi32, #tpu.memory_space<smem>>, %arg3: memref<1x96x3136xf32, #tpu.memory_space<vmem>>, %arg4: memref<1x96x3136xf32, #tpu.memory_space<vmem>>, %arg5: memref<1x10x1x3136xf32, #tpu.memory_space<vmem>>, %arg6: memref<1x96x3136xf32, #tpu.memory_space<vmem>>, %arg7: memref<1x96x3136xf32, #tpu.memory_space<vmem>>) attributes {dimension_semantics = [#tpu.dimension_semantics<arbitrary>, #tpu.dimension_semantics<arbitrary>], iteration_bounds = array<i64: 16, 4>, scalar_prefetch = 1 : i64, scratch_operands = 0 : i64, tpu.core_type = #tpu.core_type<tc>, window_params = [{transform_indices = @transform_0, window_bounds = array<i64: 1, 96, 3136>}, {transform_indices = @transform_1, window_bounds = array<i64: 1, 96, 3136>}, {transform_indices = @transform_2, window_bounds = array<i64: 1, 10, 1, 3136>}, {transform_indices = @transform_3, window_bounds = array<i64: 1, 96, 3136>}, {transform_indices = @transform_4, window_bounds = array<i64: 1, 96, 3136>}]} {
    %mul3A = arith.constant 96 : i32
    %mul3A_0 = arith.muli %arg1, %mul3A : i32
    %get3A = arith.constant 0 : index
    %get3A_1 = arith.constant 0 : index
    %get3A_2 = arith.constant 0 : index
    %get3A_3 = vector.load %arg3[%get3A, %get3A_1, %get3A_2] : memref<1x96x3136xf32, #tpu.memory_space<vmem>>, vector<1x96x3136xf32>
    %swap3A = arith.constant 0 : index
    %swap3A_4 = arith.constant 0 : index
    %swap3A_5 = arith.constant 0 : index
    %swap3A_6 = vector.load %arg6[%swap3A, %swap3A_4, %swap3A_5] : memref<1x96x3136xf32, #tpu.memory_space<vmem>>, vector<1x96x3136xf32>
    tpu.vector_store %arg6[%swap3A, %swap3A_4, %swap3A_5], %get3A_3 {strides = array<i32>} : memref<1x96x3136xf32, #tpu.memory_space<vmem>>, vector<1x96x3136xf32>,
    %get3A_7 = arith.constant 0 : index
    %get3A_8 = arith.constant 0 : index
    %get3A_9 = arith.constant 0 : index
    %get3A_10 = vector.load %arg4[%get3A_7, %get3A_8, %get3A_9] : memref<1x96x3136xf32, #tpu.memory_space<vmem>>, vector<1x96x3136xf32>
    %swap3A_11 = arith.constant 0 : index
    %swap3A_12 = arith.constant 0 : index
    %swap3A_13 = arith.constant 0 : index
    %swap3A_14 = vector.load %arg7[%swap3A_11, %swap3A_12, %swap3A_13] : memref<1x96x3136xf32, #tpu.memory_space<vmem>>, vector<1x96x3136xf32>
    tpu.vector_store %arg7[%swap3A_11, %swap3A_12, %swap3A_13], %get3A_10 {strides = array<i32>} : memref<1x96x3136xf32, #tpu.memory_space<vmem>>, vector<1x96x3136xf32>,
    %get3A_15 = arith.constant 0 : index
    %get3A_16 = memref.load %arg2[%get3A_15] : memref<32xi32, #tpu.memory_space<smem>>
    %get3A_17 = arith.constant 16 : index
    %get3A_18 = memref.load %arg2[%get3A_17] : memref<32xi32, #tpu.memory_space<smem>>
    %ge3A = arith.cmpi sge, %get3A_16, %mul3A_0 : i32
    %add3A = arith.constant 96 : i32
    %add3A_19 = arith.addi %mul3A_0, %add3A : i32
    %lt3A = arith.cmpi slt, %get3A_16, %add3A_19 : i32
    %and3A = arith.andi %ge3A, %lt3A : i1
    %convert_element_type3A = arith.extui %and3A : i1 to i32
    %cond3A = arith.constant 0 : i32
    %cond3A_20 = arith.cmpi ne, %convert_element_type3A, %cond3A : i32
    scf.if %cond3A_20 {
      %get3A_109 = arith.constant 0 : index
      %get3A_110 = arith.constant 0 : index
      %get3A_111 = arith.constant 0 : index
      %get3A_112 = arith.constant 0 : index
      %get3A_113 = vector.load %arg5[%get3A_109, %get3A_110, %get3A_111, %get3A_112] : memref<1x10x1x3136xf32, #tpu.memory_space<vmem>>, vector<1x1x1x3136xf32>
      %reshape3A = vector.shape_cast %get3A_113 : vector<1x1x1x3136xf32> to vector<1x1x3136xf32>
      %sub3A = arith.subi %get3A_16, %mul3A_0 : i32
      %swap3A_114 = arith.constant 0 : index
      %swap3A_115 = arith.index_cast %sub3A : i32 to index
      %swap3A_116 = arith.constant 0 : index
      %swap3A_117 = vector.load %arg6[%swap3A_114, %swap3A_115, %swap3A_116] : memref<1x96x3136xf32, #tpu.memory_space<vmem>>, vector<1x1x3136xf32>
      tpu.vector_store %arg6[%swap3A_114, %swap3A_115, %swap3A_116], %reshape3A {strides = array<i32>} : memref<1x96x3136xf32, #tpu.memory_space<vmem>>, vector<1x1x3136xf32>,
    } else {
    }
    %ge3A_21 = arith.cmpi sge, %get3A_18, %mul3A_0 : i32
    %add3A_22 = arith.constant 96 : i32
    %add3A_23 = arith.addi %mul3A_0, %add3A_22 : i32
    %lt3A_24 = arith.cmpi slt, %get3A_18, %add3A_23 : i32
    %and3A_25 = arith.andi %ge3A_21, %lt3A_24 : i1
    %convert_element_type3A_26 = arith.extui %and3A_25 : i1 to i32
    %cond3A_27 = arith.constant 0 : i32
    %cond3A_28 = arith.cmpi ne, %convert_element_type3A_26, %cond3A_27 : i32
    scf.if %cond3A_28 {
      %get3A_109 = arith.constant 0 : index
      %get3A_110 = arith.constant 5 : index
      %get3A_111 = arith.constant 0 : index
      %get3A_112 = arith.constant 0 : index
      %get3A_113 = vector.load %arg5[%get3A_109, %get3A_110, %get3A_111, %get3A_112] : memref<1x10x1x3136xf32, #tpu.memory_space<vmem>>, vector<1x1x1x3136xf32>
      %reshape3A = vector.shape_cast %get3A_113 : vector<1x1x1x3136xf32> to vector<1x1x3136xf32>
      %sub3A = arith.subi %get3A_18, %mul3A_0 : i32
      %swap3A_114 = arith.constant 0 : index
      %swap3A_115 = arith.index_cast %sub3A : i32 to index
      %swap3A_116 = arith.constant 0 : index
      %swap3A_117 = vector.load %arg7[%swap3A_114, %swap3A_115, %swap3A_116] : memref<1x96x3136xf32, #tpu.memory_space<vmem>>, vector<1x1x3136xf32>
      tpu.vector_store %arg7[%swap3A_114, %swap3A_115, %swap3A_116], %reshape3A {strides = array<i32>} : memref<1x96x3136xf32, #tpu.memory_space<vmem>>, vector<1x1x3136xf32>,
    } else {
    }
    %get3A_29 = arith.constant 1 : index
    %get3A_30 = memref.load %arg2[%get3A_29] : memref<32xi32, #tpu.memory_space<smem>>
    %get3A_31 = arith.constant 17 : index
    %get3A_32 = memref.load %arg2[%get3A_31] : memref<32xi32, #tpu.memory_space<smem>>
    %ge3A_33 = arith.cmpi sge, %get3A_30, %mul3A_0 : i32
    %add3A_34 = arith.constant 96 : i32
    %add3A_35 = arith.addi %mul3A_0, %add3A_34 : i32
    %lt3A_36 = arith.cmpi slt, %get3A_30, %add3A_35 : i32
    %and3A_37 = arith.andi %ge3A_33, %lt3A_36 : i1
    %convert_element_type3A_38 = arith.extui %and3A_37 : i1 to i32
    %cond3A_39 = arith.constant 0 : i32
    %cond3A_40 = arith.cmpi ne, %convert_element_type3A_38, %cond3A_39 : i32
    scf.if %cond3A_40 {
      %get3A_109 = arith.constant 0 : index
      %get3A_110 = arith.constant 1 : index
      %get3A_111 = arith.constant 0 : index
      %get3A_112 = arith.constant 0 : index
      %get3A_113 = vector.load %arg5[%get3A_109, %get3A_110, %get3A_111, %get3A_112] : memref<1x10x1x3136xf32, #tpu.memory_space<vmem>>, vector<1x1x1x3136xf32>
      %reshape3A = vector.shape_cast %get3A_113 : vector<1x1x1x3136xf32> to vector<1x1x3136xf32>
      %sub3A = arith.subi %get3A_30, %mul3A_0 : i32
      %swap3A_114 = arith.constant 0 : index
      %swap3A_115 = arith.index_cast %sub3A : i32 to index
      %swap3A_116 = arith.constant 0 : index
      %swap3A_117 = vector.load %arg6[%swap3A_114, %swap3A_115, %swap3A_116] : memref<1x96x3136xf32, #tpu.memory_space<vmem>>, vector<1x1x3136xf32>
      tpu.vector_store %arg6[%swap3A_114, %swap3A_115, %swap3A_116], %reshape3A {strides = array<i32>} : memref<1x96x3136xf32, #tpu.memory_space<vmem>>, vector<1x1x3136xf32>,
    } else {
    }
    %ge3A_41 = arith.cmpi sge, %get3A_32, %mul3A_0 : i32
    %add3A_42 = arith.constant 96 : i32
    %add3A_43 = arith.addi %mul3A_0, %add3A_42 : i32
    %lt3A_44 = arith.cmpi slt, %get3A_32, %add3A_43 : i32
    %and3A_45 = arith.andi %ge3A_41, %lt3A_44 : i1
    %convert_element_type3A_46 = arith.extui %and3A_45 : i1 to i32
    %cond3A_47 = arith.constant 0 : i32
    %cond3A_48 = arith.cmpi ne, %convert_element_type3A_46, %cond3A_47 : i32
    scf.if %cond3A_48 {
      %get3A_109 = arith.constant 0 : index
      %get3A_110 = arith.constant 6 : index
      %get3A_111 = arith.constant 0 : index
      %get3A_112 = arith.constant 0 : index
      %get3A_113 = vector.load %arg5[%get3A_109, %get3A_110, %get3A_111, %get3A_112] : memref<1x10x1x3136xf32, #tpu.memory_space<vmem>>, vector<1x1x1x3136xf32>
      %reshape3A = vector.shape_cast %get3A_113 : vector<1x1x1x3136xf32> to vector<1x1x3136xf32>
      %sub3A = arith.subi %get3A_32, %mul3A_0 : i32
      %swap3A_114 = arith.constant 0 : index
      %swap3A_115 = arith.index_cast %sub3A : i32 to index
      %swap3A_116 = arith.constant 0 : index
      %swap3A_117 = vector.load %arg7[%swap3A_114, %swap3A_115, %swap3A_116] : memref<1x96x3136xf32, #tpu.memory_space<vmem>>, vector<1x1x3136xf32>
      tpu.vector_store %arg7[%swap3A_114, %swap3A_115, %swap3A_116], %reshape3A {strides = array<i32>} : memref<1x96x3136xf32, #tpu.memory_space<vmem>>, vector<1x1x3136xf32>,
    } else {
    }
    %get3A_49 = arith.constant 2 : index
    %get3A_50 = memref.load %arg2[%get3A_49] : memref<32xi32, #tpu.memory_space<smem>>
    %get3A_51 = arith.constant 18 : index
    %get3A_52 = memref.load %arg2[%get3A_51] : memref<32xi32, #tpu.memory_space<smem>>
    %ge3A_53 = arith.cmpi sge, %get3A_50, %mul3A_0 : i32
    %add3A_54 = arith.constant 96 : i32
    %add3A_55 = arith.addi %mul3A_0, %add3A_54 : i32
    %lt3A_56 = arith.cmpi slt, %get3A_50, %add3A_55 : i32
    %and3A_57 = arith.andi %ge3A_53, %lt3A_56 : i1
    %convert_element_type3A_58 = arith.extui %and3A_57 : i1 to i32
    %cond3A_59 = arith.constant 0 : i32
    %cond3A_60 = arith.cmpi ne, %convert_element_type3A_58, %cond3A_59 : i32
    scf.if %cond3A_60 {
      %get3A_109 = arith.constant 0 : index
      %get3A_110 = arith.constant 2 : index
      %get3A_111 = arith.constant 0 : index
      %get3A_112 = arith.constant 0 : index
      %get3A_113 = vector.load %arg5[%get3A_109, %get3A_110, %get3A_111, %get3A_112] : memref<1x10x1x3136xf32, #tpu.memory_space<vmem>>, vector<1x1x1x3136xf32>
      %reshape3A = vector.shape_cast %get3A_113 : vector<1x1x1x3136xf32> to vector<1x1x3136xf32>
      %sub3A = arith.subi %get3A_50, %mul3A_0 : i32
      %swap3A_114 = arith.constant 0 : index
      %swap3A_115 = arith.index_cast %sub3A : i32 to index
      %swap3A_116 = arith.constant 0 : index
      %swap3A_117 = vector.load %arg6[%swap3A_114, %swap3A_115, %swap3A_116] : memref<1x96x3136xf32, #tpu.memory_space<vmem>>, vector<1x1x3136xf32>
      tpu.vector_store %arg6[%swap3A_114, %swap3A_115, %swap3A_116], %reshape3A {strides = array<i32>} : memref<1x96x3136xf32, #tpu.memory_space<vmem>>, vector<1x1x3136xf32>,
    } else {
    }
    %ge3A_61 = arith.cmpi sge, %get3A_52, %mul3A_0 : i32
    %add3A_62 = arith.constant 96 : i32
    %add3A_63 = arith.addi %mul3A_0, %add3A_62 : i32
    %lt3A_64 = arith.cmpi slt, %get3A_52, %add3A_63 : i32
    %and3A_65 = arith.andi %ge3A_61, %lt3A_64 : i1
    %convert_element_type3A_66 = arith.extui %and3A_65 : i1 to i32
    %cond3A_67 = arith.constant 0 : i32
    %cond3A_68 = arith.cmpi ne, %convert_element_type3A_66, %cond3A_67 : i32
    scf.if %cond3A_68 {
      %get3A_109 = arith.constant 0 : index
      %get3A_110 = arith.constant 7 : index
      %get3A_111 = arith.constant 0 : index
      %get3A_112 = arith.constant 0 : index
      %get3A_113 = vector.load %arg5[%get3A_109, %get3A_110, %get3A_111, %get3A_112] : memref<1x10x1x3136xf32, #tpu.memory_space<vmem>>, vector<1x1x1x3136xf32>
      %reshape3A = vector.shape_cast %get3A_113 : vector<1x1x1x3136xf32> to vector<1x1x3136xf32>
      %sub3A = arith.subi %get3A_52, %mul3A_0 : i32
      %swap3A_114 = arith.constant 0 : index
      %swap3A_115 = arith.index_cast %sub3A : i32 to index
      %swap3A_116 = arith.constant 0 : index
      %swap3A_117 = vector.load %arg7[%swap3A_114, %swap3A_115, %swap3A_116] : memref<1x96x3136xf32, #tpu.memory_space<vmem>>, vector<1x1x3136xf32>
      tpu.vector_store %arg7[%swap3A_114, %swap3A_115, %swap3A_116], %reshape3A {strides = array<i32>} : memref<1x96x3136xf32, #tpu.memory_space<vmem>>, vector<1x1x3136xf32>,
    } else {
    }
    %get3A_69 = arith.constant 3 : index
    %get3A_70 = memref.load %arg2[%get3A_69] : memref<32xi32, #tpu.memory_space<smem>>
    %get3A_71 = arith.constant 19 : index
    %get3A_72 = memref.load %arg2[%get3A_71] : memref<32xi32, #tpu.memory_space<smem>>
    %ge3A_73 = arith.cmpi sge, %get3A_70, %mul3A_0 : i32
    %add3A_74 = arith.constant 96 : i32
    %add3A_75 = arith.addi %mul3A_0, %add3A_74 : i32
    %lt3A_76 = arith.cmpi slt, %get3A_70, %add3A_75 : i32
    %and3A_77 = arith.andi %ge3A_73, %lt3A_76 : i1
    %convert_element_type3A_78 = arith.extui %and3A_77 : i1 to i32
    %cond3A_79 = arith.constant 0 : i32
    %cond3A_80 = arith.cmpi ne, %convert_element_type3A_78, %cond3A_79 : i32
    scf.if %cond3A_80 {
      %get3A_109 = arith.constant 0 : index
      %get3A_110 = arith.constant 3 : index
      %get3A_111 = arith.constant 0 : index
      %get3A_112 = arith.constant 0 : index
      %get3A_113 = vector.load %arg5[%get3A_109, %get3A_110, %get3A_111, %get3A_112] : memref<1x10x1x3136xf32, #tpu.memory_space<vmem>>, vector<1x1x1x3136xf32>
      %reshape3A = vector.shape_cast %get3A_113 : vector<1x1x1x3136xf32> to vector<1x1x3136xf32>
      %sub3A = arith.subi %get3A_70, %mul3A_0 : i32
      %swap3A_114 = arith.constant 0 : index
      %swap3A_115 = arith.index_cast %sub3A : i32 to index
      %swap3A_116 = arith.constant 0 : index
      %swap3A_117 = vector.load %arg6[%swap3A_114, %swap3A_115, %swap3A_116] : memref<1x96x3136xf32, #tpu.memory_space<vmem>>, vector<1x1x3136xf32>
      tpu.vector_store %arg6[%swap3A_114, %swap3A_115, %swap3A_116], %reshape3A {strides = array<i32>} : memref<1x96x3136xf32, #tpu.memory_space<vmem>>, vector<1x1x3136xf32>,
    } else {
    }
    %ge3A_81 = arith.cmpi sge, %get3A_72, %mul3A_0 : i32
    %add3A_82 = arith.constant 96 : i32
    %add3A_83 = arith.addi %mul3A_0, %add3A_82 : i32
    %lt3A_84 = arith.cmpi slt, %get3A_72, %add3A_83 : i32
    %and3A_85 = arith.andi %ge3A_81, %lt3A_84 : i1
    %convert_element_type3A_86 = arith.extui %and3A_85 : i1 to i32
    %cond3A_87 = arith.constant 0 : i32
    %cond3A_88 = arith.cmpi ne, %convert_element_type3A_86, %cond3A_87 : i32
    scf.if %cond3A_88 {
      %get3A_109 = arith.constant 0 : index
      %get3A_110 = arith.constant 8 : index
      %get3A_111 = arith.constant 0 : index
      %get3A_112 = arith.constant 0 : index
      %get3A_113 = vector.load %arg5[%get3A_109, %get3A_110, %get3A_111, %get3A_112] : memref<1x10x1x3136xf32, #tpu.memory_space<vmem>>, vector<1x1x1x3136xf32>
      %reshape3A = vector.shape_cast %get3A_113 : vector<1x1x1x3136xf32> to vector<1x1x3136xf32>
      %sub3A = arith.subi %get3A_72, %mul3A_0 : i32
      %swap3A_114 = arith.constant 0 : index
      %swap3A_115 = arith.index_cast %sub3A : i32 to index
      %swap3A_116 = arith.constant 0 : index
      %swap3A_117 = vector.load %arg7[%swap3A_114, %swap3A_115, %swap3A_116] : memref<1x96x3136xf32, #tpu.memory_space<vmem>>, vector<1x1x3136xf32>
      tpu.vector_store %arg7[%swap3A_114, %swap3A_115, %swap3A_116], %reshape3A {strides = array<i32>} : memref<1x96x3136xf32, #tpu.memory_space<vmem>>, vector<1x1x3136xf32>,
    } else {
    }
    %get3A_89 = arith.constant 4 : index
    %get3A_90 = memref.load %arg2[%get3A_89] : memref<32xi32, #tpu.memory_space<smem>>
    %get3A_91 = arith.constant 20 : index
    %get3A_92 = memref.load %arg2[%get3A_91] : memref<32xi32, #tpu.memory_space<smem>>
    %ge3A_93 = arith.cmpi sge, %get3A_90, %mul3A_0 : i32
    %add3A_94 = arith.constant 96 : i32
    %add3A_95 = arith.addi %mul3A_0, %add3A_94 : i32
    %lt3A_96 = arith.cmpi slt, %get3A_90, %add3A_95 : i32
    %and3A_97 = arith.andi %ge3A_93, %lt3A_96 : i1
    %convert_element_type3A_98 = arith.extui %and3A_97 : i1 to i32
    %cond3A_99 = arith.constant 0 : i32
    %cond3A_100 = arith.cmpi ne, %convert_element_type3A_98, %cond3A_99 : i32
    scf.if %cond3A_100 {
      %get3A_109 = arith.constant 0 : index
      %get3A_110 = arith.constant 4 : index
      %get3A_111 = arith.constant 0 : index
      %get3A_112 = arith.constant 0 : index
      %get3A_113 = vector.load %arg5[%get3A_109, %get3A_110, %get3A_111, %get3A_112] : memref<1x10x1x3136xf32, #tpu.memory_space<vmem>>, vector<1x1x1x3136xf32>
      %reshape3A = vector.shape_cast %get3A_113 : vector<1x1x1x3136xf32> to vector<1x1x3136xf32>
      %sub3A = arith.subi %get3A_90, %mul3A_0 : i32
      %swap3A_114 = arith.constant 0 : index
      %swap3A_115 = arith.index_cast %sub3A : i32 to index
      %swap3A_116 = arith.constant 0 : index
      %swap3A_117 = vector.load %arg6[%swap3A_114, %swap3A_115, %swap3A_116] : memref<1x96x3136xf32, #tpu.memory_space<vmem>>, vector<1x1x3136xf32>
      tpu.vector_store %arg6[%swap3A_114, %swap3A_115, %swap3A_116], %reshape3A {strides = array<i32>} : memref<1x96x3136xf32, #tpu.memory_space<vmem>>, vector<1x1x3136xf32>,
    } else {
    }
    %ge3A_101 = arith.cmpi sge, %get3A_92, %mul3A_0 : i32
    %add3A_102 = arith.constant 96 : i32
    %add3A_103 = arith.addi %mul3A_0, %add3A_102 : i32
    %lt3A_104 = arith.cmpi slt, %get3A_92, %add3A_103 : i32
    %and3A_105 = arith.andi %ge3A_101, %lt3A_104 : i1
    %convert_element_type3A_106 = arith.extui %and3A_105 : i1 to i32
    %cond3A_107 = arith.constant 0 : i32
    %cond3A_108 = arith.cmpi ne, %convert_element_type3A_106, %cond3A_107 : i32
    scf.if %cond3A_108 {
      %get3A_109 = arith.constant 0 : index
      %get3A_110 = arith.constant 9 : index
      %get3A_111 = arith.constant 0 : index
      %get3A_112 = arith.constant 0 : index
      %get3A_113 = vector.load %arg5[%get3A_109, %get3A_110, %get3A_111, %get3A_112] : memref<1x10x1x3136xf32, #tpu.memory_space<vmem>>, vector<1x1x1x3136xf32>
      %reshape3A = vector.shape_cast %get3A_113 : vector<1x1x1x3136xf32> to vector<1x1x3136xf32>
      %sub3A = arith.subi %get3A_92, %mul3A_0 : i32
      %swap3A_114 = arith.constant 0 : index
      %swap3A_115 = arith.index_cast %sub3A : i32 to index
      %swap3A_116 = arith.constant 0 : index
      %swap3A_117 = vector.load %arg7[%swap3A_114, %swap3A_115, %swap3A_116] : memref<1x96x3136xf32, #tpu.memory_space<vmem>>, vector<1x1x3136xf32>
      tpu.vector_store %arg7[%swap3A_114, %swap3A_115, %swap3A_116], %reshape3A {strides = array<i32>} : memref<1x96x3136xf32, #tpu.memory_space<vmem>>, vector<1x1x3136xf32>,
    } else {
    }
    return
  }
  func.func @transform_0(%arg0: i32, %arg1: i32, %arg2: memref<32xi32, #tpu.memory_space<smem>>) -> (i32, i32, i32) {
    %c0_i32 = arith.constant 0 : i32
    %c0_i32_0 = arith.constant 0 : i32
    return %arg0, %arg1, %c0_i32 : i32, i32, i32
  }
  func.func @transform_1(%arg0: i32, %arg1: i32, %arg2: memref<32xi32, #tpu.memory_space<smem>>) -> (i32, i32, i32) {
    %c0_i32 = arith.constant 0 : i32
    %c0_i32_0 = arith.constant 0 : i32
    return %arg0, %arg1, %c0_i32 : i32, i32, i32
  }
  func.func @transform_2(%arg0: i32, %arg1: i32, %arg2: memref<32xi32, #tpu.memory_space<smem>>) -> (i32, i32, i32, i32) {
    %c0_i32 = arith.constant 0 : i32
    %c0_i32_0 = arith.constant 0 : i32
    %c0_i32_1 = arith.constant 0 : i32
    %c0_i32_2 = arith.constant 0 : i32
    return %arg0, %c0_i32, %c0_i32_0, %c0_i32_1 : i32, i32, i32, i32
  }
  func.func @transform_3(%arg0: i32, %arg1: i32, %arg2: memref<32xi32, #tpu.memory_space<smem>>) -> (i32, i32, i32) {
    %c0_i32 = arith.constant 0 : i32
    %c0_i32_0 = arith.constant 0 : i32
    return %arg0, %arg1, %c0_i32 : i32, i32, i32
  }
  func.func @transform_4(%arg0: i32, %arg1: i32, %arg2: memref<32xi32, #tpu.memory_space<smem>>) -> (i32, i32, i32) {
    %c0_i32 = arith.constant 0 : i32
    %c0_i32_0 = arith.constant 0 : i32
    return %arg0, %arg1, %c0_i32 : i32, i32, i32
  }
}

module attributes {stable_mosaic.version = 14 : i64} {
  func.func @_tc_paybuild_body(%arg0: i32, %arg1: memref<32xi32, #tpu.memory_space<smem>>, %arg2: memref<16x8x3136xf32, #tpu.memory_space<vmem>>, %arg3: memref<16x8x3136xf32, #tpu.memory_space<vmem>>, %arg4: memref<16x1x1x3136xf32, #tpu.memory_space<vmem>>) attributes {dimension_semantics = [#tpu.dimension_semantics<arbitrary>], iteration_bounds = array<i64: 10>, scalar_prefetch = 1 : i64, scratch_operands = 0 : i64, tpu.core_type = #tpu.core_type<tc>, window_params = [{transform_indices = @transform_0, window_bounds = array<i64: 16, 8, 3136>}, {transform_indices = @transform_1, window_bounds = array<i64: 16, 8, 3136>}, {transform_indices = @transform_2, window_bounds = array<i64: 16, 1, 1, 3136>}]} {
    %lt3A = arith.constant 5 : i32
    %lt3A_0 = arith.cmpi slt, %arg0, %lt3A : i32
    %convert_element_type3A = arith.extui %lt3A_0 : i1 to i32
    %cond3A = arith.constant 0 : i32
    %cond3A_1 = arith.cmpi ne, %convert_element_type3A, %cond3A : i32
    scf.if %cond3A_1 {
      %add3A = arith.constant 16 : i32
      %add3A_6 = arith.addi %add3A, %arg0 : i32
      %get3A = arith.index_cast %add3A_6 : i32 to index
      %get3A_7 = memref.load %arg1[%get3A] : memref<32xi32, #tpu.memory_space<smem>>
      %jit3A = arith.constant 8 : i32
      %eq3A = arith.constant 0 : i32
      %eq3A_8 = arith.cmpi eq, %jit3A, %eq3A : i32
      %jit3A_9 = arith.constant 1 : i32
      %select_n3A = arith.select %eq3A_8, %jit3A_9, %jit3A : i32
      %rem3A = arith.remsi %get3A_7, %select_n3A : i32
      %ne3A = arith.constant 0 : i32
      %ne3A_10 = arith.cmpi ne, %rem3A, %ne3A : i32
      %lt3A_11 = arith.constant 0 : i32
      %lt3A_12 = arith.cmpi slt, %rem3A, %lt3A_11 : i32
      %lt3A_13 = arith.constant 0 : i32
      %lt3A_14 = arith.cmpi slt, %select_n3A, %lt3A_13 : i32
      %ne3A_15 = arith.xori %lt3A_12, %lt3A_14 : i1
      %and3A = arith.andi %ne3A_15, %ne3A_10 : i1
      %add3A_16 = arith.addi %rem3A, %select_n3A : i32
      %select_n3A_17 = arith.select %and3A, %add3A_16, %rem3A : i32
      %get3A_18 = arith.constant 0 : index
      %get3A_19 = arith.index_cast %select_n3A_17 : i32 to index
      %get3A_20 = arith.constant 0 : index
      %get3A_21 = vector.load %arg2[%get3A_18, %get3A_19, %get3A_20] : memref<16x8x3136xf32, #tpu.memory_space<vmem>>, vector<16x1x3136xf32>
      %reshape3A = vector.shape_cast %get3A_21 : vector<16x1x3136xf32> to vector<16x1x1x3136xf32>
      %swap3A = arith.constant 0 : index
      %swap3A_22 = arith.constant 0 : index
      %swap3A_23 = arith.constant 0 : index
      %swap3A_24 = arith.constant 0 : index
      %swap3A_25 = vector.load %arg4[%swap3A, %swap3A_22, %swap3A_23, %swap3A_24] : memref<16x1x1x3136xf32, #tpu.memory_space<vmem>>, vector<16x1x1x3136xf32>
      tpu.vector_store %arg4[%swap3A, %swap3A_22, %swap3A_23, %swap3A_24], %reshape3A {strides = array<i32>} : memref<16x1x1x3136xf32, #tpu.memory_space<vmem>>, vector<16x1x1x3136xf32>,
    } else {
    }
    %ge3A = arith.constant 5 : i32
    %ge3A_2 = arith.cmpi sge, %arg0, %ge3A : i32
    %convert_element_type3A_3 = arith.extui %ge3A_2 : i1 to i32
    %cond3A_4 = arith.constant 0 : i32
    %cond3A_5 = arith.cmpi ne, %convert_element_type3A_3, %cond3A_4 : i32
    scf.if %cond3A_5 {
      %sub3A = arith.constant 5 : i32
      %sub3A_6 = arith.subi %arg0, %sub3A : i32
      %get3A = arith.index_cast %sub3A_6 : i32 to index
      %get3A_7 = memref.load %arg1[%get3A] : memref<32xi32, #tpu.memory_space<smem>>
      %jit3A = arith.constant 8 : i32
      %eq3A = arith.constant 0 : i32
      %eq3A_8 = arith.cmpi eq, %jit3A, %eq3A : i32
      %jit3A_9 = arith.constant 1 : i32
      %select_n3A = arith.select %eq3A_8, %jit3A_9, %jit3A : i32
      %rem3A = arith.remsi %get3A_7, %select_n3A : i32
      %ne3A = arith.constant 0 : i32
      %ne3A_10 = arith.cmpi ne, %rem3A, %ne3A : i32
      %lt3A_11 = arith.constant 0 : i32
      %lt3A_12 = arith.cmpi slt, %rem3A, %lt3A_11 : i32
      %lt3A_13 = arith.constant 0 : i32
      %lt3A_14 = arith.cmpi slt, %select_n3A, %lt3A_13 : i32
      %ne3A_15 = arith.xori %lt3A_12, %lt3A_14 : i1
      %and3A = arith.andi %ne3A_15, %ne3A_10 : i1
      %add3A = arith.addi %rem3A, %select_n3A : i32
      %select_n3A_16 = arith.select %and3A, %add3A, %rem3A : i32
      %get3A_17 = arith.constant 0 : index
      %get3A_18 = arith.index_cast %select_n3A_16 : i32 to index
      %get3A_19 = arith.constant 0 : index
      %get3A_20 = vector.load %arg3[%get3A_17, %get3A_18, %get3A_19] : memref<16x8x3136xf32, #tpu.memory_space<vmem>>, vector<16x1x3136xf32>
      %reshape3A = vector.shape_cast %get3A_20 : vector<16x1x3136xf32> to vector<16x1x1x3136xf32>
      %swap3A = arith.constant 0 : index
      %swap3A_21 = arith.constant 0 : index
      %swap3A_22 = arith.constant 0 : index
      %swap3A_23 = arith.constant 0 : index
      %swap3A_24 = vector.load %arg4[%swap3A, %swap3A_21, %swap3A_22, %swap3A_23] : memref<16x1x1x3136xf32, #tpu.memory_space<vmem>>, vector<16x1x1x3136xf32>
      tpu.vector_store %arg4[%swap3A, %swap3A_21, %swap3A_22, %swap3A_23], %reshape3A {strides = array<i32>} : memref<16x1x1x3136xf32, #tpu.memory_space<vmem>>, vector<16x1x1x3136xf32>,
    } else {
    }
    return
  }
  func.func @transform_0(%arg0: i32, %arg1: memref<32xi32, #tpu.memory_space<smem>>) -> (i32, i32, i32) {
    %min3A = arith.constant 4 : i32
    %min3A_0 = arith.minsi %arg0, %min3A : i32
    %add3A = arith.constant 16 : i32
    %add3A_1 = arith.addi %add3A, %min3A_0 : i32
    %get3A = arith.index_cast %add3A_1 : i32 to index
    %get3A_2 = memref.load %arg1[%get3A] : memref<32xi32, #tpu.memory_space<smem>>
    %jit3A = arith.constant 8 : i32
    %div3A = arith.divsi %get3A_2, %jit3A : i32
    %sign3A = arith.constant 0 : i32
    %sign3A_3 = arith.cmpi sgt, %get3A_2, %sign3A : i32
    %sign3A_4 = arith.extui %sign3A_3 : i1 to i32
    %sign3A_5 = arith.constant 0 : i32
    %sign3A_6 = arith.cmpi slt, %get3A_2, %sign3A_5 : i32
    %sign3A_7 = arith.extui %sign3A_6 : i1 to i32
    %sign3A_8 = arith.subi %sign3A_4, %sign3A_7 : i32
    %sign3A_9 = arith.constant 0 : i32
    %sign3A_10 = arith.cmpi sgt, %jit3A, %sign3A_9 : i32
    %sign3A_11 = arith.extui %sign3A_10 : i1 to i32
    %sign3A_12 = arith.constant 0 : i32
    %sign3A_13 = arith.cmpi slt, %jit3A, %sign3A_12 : i32
    %sign3A_14 = arith.extui %sign3A_13 : i1 to i32
    %sign3A_15 = arith.subi %sign3A_11, %sign3A_14 : i32
    %ne3A = arith.cmpi ne, %sign3A_8, %sign3A_15 : i32
    %rem3A = arith.remsi %get3A_2, %jit3A : i32
    %ne3A_16 = arith.constant 0 : i32
    %ne3A_17 = arith.cmpi ne, %rem3A, %ne3A_16 : i32
    %and3A = arith.andi %ne3A, %ne3A_17 : i1
    %sub3A = arith.constant 1 : i32
    %sub3A_18 = arith.subi %div3A, %sub3A : i32
    %select_n3A = arith.select %and3A, %sub3A_18, %div3A : i32
    %c0_i32 = arith.constant 0 : i32
    %c0_i32_19 = arith.constant 0 : i32
    %c0_i32_20 = arith.constant 0 : i32
    return %c0_i32, %select_n3A, %c0_i32_19 : i32, i32, i32
  }
  func.func @transform_1(%arg0: i32, %arg1: memref<32xi32, #tpu.memory_space<smem>>) -> (i32, i32, i32) {
    %max3A = arith.constant 5 : i32
    %max3A_0 = arith.maxsi %arg0, %max3A : i32
    %sub3A = arith.constant 5 : i32
    %sub3A_1 = arith.subi %max3A_0, %sub3A : i32
    %get3A = arith.index_cast %sub3A_1 : i32 to index
    %get3A_2 = memref.load %arg1[%get3A] : memref<32xi32, #tpu.memory_space<smem>>
    %jit3A = arith.constant 8 : i32
    %div3A = arith.divsi %get3A_2, %jit3A : i32
    %sign3A = arith.constant 0 : i32
    %sign3A_3 = arith.cmpi sgt, %get3A_2, %sign3A : i32
    %sign3A_4 = arith.extui %sign3A_3 : i1 to i32
    %sign3A_5 = arith.constant 0 : i32
    %sign3A_6 = arith.cmpi slt, %get3A_2, %sign3A_5 : i32
    %sign3A_7 = arith.extui %sign3A_6 : i1 to i32
    %sign3A_8 = arith.subi %sign3A_4, %sign3A_7 : i32
    %sign3A_9 = arith.constant 0 : i32
    %sign3A_10 = arith.cmpi sgt, %jit3A, %sign3A_9 : i32
    %sign3A_11 = arith.extui %sign3A_10 : i1 to i32
    %sign3A_12 = arith.constant 0 : i32
    %sign3A_13 = arith.cmpi slt, %jit3A, %sign3A_12 : i32
    %sign3A_14 = arith.extui %sign3A_13 : i1 to i32
    %sign3A_15 = arith.subi %sign3A_11, %sign3A_14 : i32
    %ne3A = arith.cmpi ne, %sign3A_8, %sign3A_15 : i32
    %rem3A = arith.remsi %get3A_2, %jit3A : i32
    %ne3A_16 = arith.constant 0 : i32
    %ne3A_17 = arith.cmpi ne, %rem3A, %ne3A_16 : i32
    %and3A = arith.andi %ne3A, %ne3A_17 : i1
    %sub3A_18 = arith.constant 1 : i32
    %sub3A_19 = arith.subi %div3A, %sub3A_18 : i32
    %select_n3A = arith.select %and3A, %sub3A_19, %div3A : i32
    %c0_i32 = arith.constant 0 : i32
    %c0_i32_20 = arith.constant 0 : i32
    %c0_i32_21 = arith.constant 0 : i32
    return %c0_i32, %select_n3A, %c0_i32_20 : i32, i32, i32
  }
  func.func @transform_2(%arg0: i32, %arg1: memref<32xi32, #tpu.memory_space<smem>>) -> (i32, i32, i32, i32) {
    %c0_i32 = arith.constant 0 : i32
    %c0_i32_0 = arith.constant 0 : i32
    %c0_i32_1 = arith.constant 0 : i32
    %c0_i32_2 = arith.constant 0 : i32
    return %c0_i32, %arg0, %c0_i32_0, %c0_i32_1 : i32, i32, i32, i32
  }
}

</mosaic_0001>

<sc_bundles>
// kernel: kernel.5.cloned.1.call-start
scs
__scs_entry_jumppad:
0x0: {  	(pc) =	sbr.rel $0x88, $3  }
0x1: {  	(tag) =	ssettag $0x0;
	lr =	simm.s32 $0x1  }
0x2: {  	[smem:$0x3F9D] =	sst lr;
	_ =	strace $0xD0000000  }
0x3: {  	_ = 	snop  }
0x4: {  	_ = 	snop  }
0x5: {  	_ = 	snop  }
0x6: {  	_ = 	snop  }
0x7: {  	_ = 	snop  }
__scs_overlays_trampoline_lowered:
0x8: {  	[smem:$0x3FAC] =	sst s0  }
0x9: {  	[smem:$0x3FAD] =	sst s1  }
0xa: {  	[smem:$0x3FAE] =	sst s2  }
0xb: {  	[smem:$0x3FAF] =	sst s3  }
0xc: {  	[smem:$0x3FB0] =	sst s4  }
0xd: {  	[smem:$0x3FB1] =	sst s5  }
0xe: {  	[smem:$0x3FB2] =	sst s6  }
0xf: {  	[smem:$0x3FB3] =	sst s7  }
0x10: {  	[smem:$0x3FB4] =	sst s8  }
0x11: {  	[smem:$0x3FB5] =	sst s9;
	s0 =	simm.s32 @!p0 $0x0  }
0x12: {  	s1 =	sld [smem:$0x3F9B];
	s0 =	simm.s32 @p0 $0x1  }
0x13: {  	[smem:$0x3FB6] =	sst s0;
	s0 =	simm.s32 @!p1 $0x0  }
0x14: {  	s2 =	sld [smem:$0x3F9A];
	s0 =	simm.s32 @p1 $0x1  }
0x15: {  	[smem:$0x3FB7] =	sst s0;
	s0 =	simm.s32 @!p2 $0x0  }
0x16: {  	s3 =	sld [smem:$0x3FDB];
	s0 =	simm.s32 @p2 $0x1  }
0x17: {  	s4 =	simm.s32 $0x1BF5;
	[smem:$0x3FB9] =	sst s0  }
0x18: {  	s0 =	sld [smem:$0x3F9C];
	_ =	swait.ge [sflag:s4], $0x0  }
0x19: {  	s7 =	sld [smem:$0x3F9D]  }
0x1a: {  	s8 =	sadd.s32 $0xFFFFE003, lr  }
0x1b: {  	s9 =	sadd.s32 $0xFFFFFEF7, lr;
	s5 =	simm.s32 $0xFFFFFFFF;
	p2 =	slt.u32 s8, $0xFFFFF086  }
0x1c: {  	p1 =	slt.u32 s9, $0xF7A;
	s5 =	simm.s32 @!p2 $0x0  }
0x1d: {  	s5 =	simm.s32 @p1 $0x1;
	p0 =	seq.s32 s7, s2  }
0x1e: {  	s7 =	smul.u32 @!p0 $0xF7A, s2;
	p2 =	seq.s32 @!p0 s5, $0x0  }
0x1f: {  	s9 =	smul.u32 $0xF7A, s1;
	s8 =	simm.s32 @!p0 $0x1BF5;
	p2 =	por !p2, p0  }
0x20: {  	[sflag:s8] =	ssyncset.s32 @!p0 $0xFFFFF086;
	s6 =	sadd.s32 @!p0 s3, s7;
	s7 =	simm.s32 @!p0 $0x108  }
0x21: {  	s3 =	sadd.s32 s3, s9;
	s6 =	sadd.s32 @!p0 $0x88, s6;
	s7 =	simm.s32 @p2 $0x1082  }
0x22: {  	[simem:s7], [sflag:s8] =	dma.local @!p0 [hbm:s6], $0xF7A  }
0x23: {  	s9 =	sor.u32 $0xD0000000, s2;
	s6 =	simm.s32 $0x108;
	_ =	swait.ge @!p0 [sflag:s8], $0x0  }
0x24: {  	s3 =	sadd.s32 $0x88, s3;
	s6 =	simm.s32 @!p1 $0x1082;
	[sflag:s4] =	ssyncset.s32 $0xFFFFF086  }
0x25: {  	[simem:s6], [sflag:s4] =	dma.local [hbm:s3], $0xF7A  }
0x26: {  	[smem:$0x3F9D] =	sst s1;
	(tag) =	ssettag s2;
	_ =	strace s9  }
0x27: {  	s1 =	sld [smem:$0x3FAD]  }
0x28: {  	s2 =	sld [smem:$0x3FAE]  }
0x29: {  	s4 =	sld [smem:$0x3FB0]  }
0x2a: {  	p0 =	seq.s32 s5, $0x0;
	s5 =	sld [smem:$0x3FB1]  }
0x2b: {  	s6 =	sld [smem:$0x3FB2]  }
0x2c: {  	s7 =	sld [smem:$0x3FB3]  }
0x2d: {  	s3 =	simm.s32 $0x108;
	s8 =	sld [smem:$0x3FB4]  }
0x2e: {  	s3 =	simm.s32 @!p0 $0x1082;
	s9 =	sld [smem:$0x3FB5]  }
0x2f: {  	lr =	sadd.s32 s0, s3;
	s0 =	sld [smem:$0x3FAC]  }
0x30: {  	s3 =	sld [smem:$0x3FAF]  }
0x31: {  	[smem:$0x3FB8] =	sst s10  }
0x32: {  	s10 =	sld [smem:$0x3FB6];
	_ =	sdelay $0x3  }
0x33: {  	p0 =	seq.s32 s10, $0x1;
	s10 =	sld [smem:$0x3FB8];
	_ =	sdelay $0x3  }
0x34: {  	[smem:$0x3FB8] =	sst s10  }
0x35: {  	s10 =	sld [smem:$0x3FB7];
	_ =	sdelay $0x3  }
0x36: {  	p1 =	seq.s32 s10, $0x1;
	s10 =	sld [smem:$0x3FB8];
	_ =	sdelay $0x3  }
0x37: {  	[smem:$0x3FB8] =	sst s10  }
0x38: {  	s10 =	sld [smem:$0x3FB9]  }
0x39: {  	_ = 	snop;
	(pc) =	sbr.ind lr, $3  }
0x3a: {  	_ = 	snop  }
0x3b: {  	_ = 	snop  }
0x3c: {  	p2 =	seq.s32 s10, $0x1;
	s10 =	sld [smem:$0x3FB8]  }
0x3d: {  	_ =	shalt  }
0x3e: {  	_ =	shalt  }
0x3f: {  	_ =	shalt  }
0x40: {  	_ =	shalt  }
0x41: {  	_ =	shalt  }
0x42: {  	_ =	shalt  }
0x43: {  	_ =	shalt  }
0x44: {  	_ =	shalt  }
0x45: {  	_ =	shalt  }
0x46: {  	_ =	shalt  }
0x47: {  	_ =	shalt  }
0x48: {  	_ =	shalt  }
0x49: {  	_ =	shalt  }
0x4a: {  	_ =	shalt  }
0x4b: {  	_ =	shalt  }
0x4c: {  	_ =	shalt  }
0x4d: {  	_ =	shalt  }
0x4e: {  	_ =	shalt  }
0x4f: {  	_ =	shalt  }
0x50: {  	_ =	shalt  }
0x51: {  	_ =	shalt  }
0x52: {  	_ =	shalt  }
0x53: {  	_ =	shalt  }
0x54: {  	_ =	shalt  }
0x55: {  	_ =	shalt  }
0x56: {  	_ =	shalt  }
0x57: {  	_ =	shalt  }
0x58: {  	_ =	shalt  }
0x59: {  	_ =	shalt  }
0x5a: {  	_ =	shalt  }
0x5b: {  	_ =	shalt  }
0x5c: {  	_ =	shalt  }
0x5d: {  	_ =	shalt  }
0x5e: {  	_ =	shalt  }
0x5f: {  	_ =	shalt  }
0x60: {  	_ =	shalt  }
0x61: {  	_ =	shalt  }
0x62: {  	_ =	shalt  }
0x63: {  	_ =	shalt  }
0x64: {  	_ =	shalt  }
0x65: {  	_ =	shalt  }
0x66: {  	_ =	shalt  }
0x67: {  	_ =	shalt  }
0x68: {  	_ =	shalt  }
0x69: {  	_ =	shalt  }
0x6a: {  	_ =	shalt  }
0x6b: {  	_ =	shalt  }
0x6c: {  	_ =	shalt  }
0x6d: {  	_ =	shalt  }
0x6e: {  	_ =	shalt  }
0x6f: {  	_ =	shalt  }
0x70: {  	_ =	shalt  }
0x71: {  	_ =	shalt  }
0x72: {  	_ =	shalt  }
0x73: {  	_ =	shalt  }
0x74: {  	_ =	shalt  }
0x75: {  	_ =	shalt  }
0x76: {  	_ =	shalt  }
0x77: {  	_ =	shalt  }
0x78: {  	_ =	shalt  }
0x79: {  	_ =	shalt  }
0x7a: {  	_ =	shalt  }
0x7b: {  	_ =	shalt  }
0x7c: {  	_ =	shalt  }
0x7d: {  	_ =	shalt  }
0x7e: {  	_ =	shalt  }
0x7f: {  	_ =	shalt  }
0x80: {  	_ =	shalt  }
0x81: {  	_ =	shalt  }
0x82: {  	_ =	shalt  }
0x83: {  	_ =	shalt  }
0x84: {  	_ =	shalt  }
0x85: {  	_ =	shalt  }
0x86: {  	_ =	shalt  }
0x87: {  	_ =	shalt  }
.Lfunc_end0:
.L_simem_size_0:
called_computation_lowered:
.L_overlay_start_0:
0x88: {  	s2 =	sld [smem:$0x3FD9]  }
0x89: {  	s3 =	sld [smem:$0x3FFE];
	_ =	sdelay $0x1  }
0x8a: {  	s1 =	srdreg.scid  }
0x8b: {  	s0 =	sand.u32 $0x1, s1  }
0x8c: {  	s15 =	sshll.u32 s0, $0xA;
	s2 =	sadd.s32 s3, s2  }
0x8d: {  	s2 =	sadd.s32 s2, s15  }
0x8e: {  	[smem:$0x3FC4] =	sst s2  }
0x8f: {  	_ = 	snop  }
0x90: {  	s2 =	sld [smem:$0x3FD0];
	_ =	sdelay $0x1  }
0x91: {  	s16 =	sld [smem:$0x3FC7]  }
0x92: {  	s5 =	simm.s32 $0xA;
	s6 =	simm.s32 $0x10;
	s4 =	sld [smem:$0x3FC6]  }
0x93: {  	[smem:s6], [sflag:s5] =	dma.local [hbm:s2], $0x1  }
0x94: {  	_ =	swait.eq [sflag:s5], $0x1  }
0x95: {  	[sflag:s5] =	ssyncset.done $0x0  }
0x96: {  	[sflag:s5] =	ssyncadd.s32 $0xFFFFFFFF  }
0x97: {  	s17 =	sld [smem:$0x11];
	(tm) =	ssettm $0x1  }
0x98: {  	s18 =	sld [smem:$0x3FFB];
	_ =	sdelay $0x3  }
0x99: {  	_ =	strace s18  }
0x9a: {  	s5 =	sld [smem:$0x3FFC];
	_ =	sdelay $0x3  }
0x9b: {  	_ =	strace s5  }
0x9c: {  	s5 =	sld [smem:$0x3FFD];
	_ =	sdelay $0x3  }
0x9d: {  	_ =	strace s5  }
0x9e: {  	_ =	strace $0x8FFFFFFF  }
0x9f: {  	s19 =	sld [smem:$0x3FDB];
	_ =	sdelay $0x1  }
0xa0: {  	s20 =	simm.s32 $_scs_section_size  }
0xa1: {  	s7 =	simm.s32 $_size__tile_overlayer_lowered;
	s8 =	simm.s32 $_tile_overlayer_lowered  }
0xa2: {  	s23 =	simm.s32 $0x1BFF;
	s22 =	sshll.u32 s8, $0x1;
	s5 =	sadd.s32 s20, s19  }
0xa3: {  	s9 =	simm.s32 $0x0;
	s21 =	sshll.u32 s7, $0x1;
	s7 =	sadd.s32 s22, s5  }
0xa4: {  	[timem:s9], [sflag:s23] =	dma.local [hbm:s7], s21  }
0xa5: {  	_ =	swait.ge [sflag:s23], s21  }
0xa6: {  	s6 =	ssub.s32 $0x0, s21;
	[sflag:s23] =	ssyncset.done $0x0  }
0xa7: {  	[sflag:s23] =	ssyncadd.s32 s6;
	_ =	sdelay $0x1  }
0xa8: {  	s24 =	simm.s32 $0x1B8B  }
0xa9: {  	_ =	swait.ge [sflag:s24], $0x1  }
0xaa: {  	[sflag:s24] =	ssyncset.done $0x0  }
0xab: {  	s25 =	simm.s32 $0x1B8E;
	[sflag:s24] =	ssyncadd.s32 $0xFFFFFFFF  }
0xac: {  	s26 =	simm.s32 $execute0_lowered;
	[smem:$0x3FD2] =	sst s25  }
0xad: {  	s6 =	sshll.u32 s26, $0x1;
	_ =	strace $0x80000046;
	[dreg:$0x1] =	wrdreg $0xFFFFFFFF  }
0xae: {  	s28 =	simm.s32 $_size_execute0_lowered;
	s5 =	sadd.s32 s5, s6;
	[dreg:$0x0] =	wrdreg $0x0  }
0xaf: {  	s6 =	sshll.u32 s28, $0x1;
	[dreg:$0x2] =	wrdreg s5  }
0xb0: {  	[dreg:$0x3] =	wrdreg s6  }
0xb1: {  	[dreg:$0x4] =	wrdreg $0xC0  }
0xb2: {  	_ =	task [dreg:s9], $0x5FFFF  }
0xb3: {  	[dreg:$0x1] =	wrdreg $0xFFFFFFFF  }
0xb4: {  	[dreg:$0x0] =	wrdreg $0x60  }
0xb5: {  	[dreg:$0x2] =	wrdreg s16  }
0xb6: {  	[dreg:$0x3] =	wrdreg s4  }
0xb7: {  	[dreg:$0x4] =	wrdreg s17  }
0xb8: {  	[dreg:$0x5] =	wrdreg $0x9  }
0xb9: {  	_ =	task.clear_ibuf [dreg:s9], $0x6FFFF;
	_ =	strace $0x90000046  }
0xba: {  	s29 =	simm.s32 $0x9;
	_ =	strace $0x80000048  }
0xbb: {  	_ =	swait.ge [sflag:s29], $0x1  }
0xbc: {  	[sflag:s29] =	ssyncadd.s32 $0xFFFFFFFF  }
0xbd: {  	_ =	strace $0x90000048  }
0xbe: {  	_ =	sfence  }
0xbf: {  	s30 =	sld [smem:$0x0];
	_ =	sdelay $0x2  }
0xc0: {  	s31 =	sshll.u32 s1, $0xD;
	s1 =	sshrl.u32 s1, $0x2  }
0xc1: {  	s3 =	sand.u32 $0x4000, s31;
	s1 =	sadd.s32 s1, s30  }
0xc2: {  	s0 =	sor.u32 s3, s0;
	s1 =	sshll.u32 s1, $0x11  }
0xc3: {  	s0 =	sor.u32 s1, s0  }
0xc4: {  	s0 =	sadd.s32 $0x8F2B, s0  }
0xc5: {  	[sflag:s0] =	ssyncadd.remote.s32 $0x1  }
0xc6: {  	_ =	sfence.sel $0xFFFF  }
0xc7: {  	[dreg:$0x0] =	wrdreg $0xFFFFFFFF;
	(pc) =	sbr.abs _section_cstart, $3  }
0xc8: {  	[dreg:$0x1] =	wrdreg $0xFFFFFFFF  }
0xc9: {  	_ =	task.clear_ibuf [dreg:s9], $0x2FFFF;
	_ =	strace $0x9FFFFFFF  }
0xca: {  	(tm) =	ssettm $0x7FFFFFFF  }
0xcb: {  	_ =	shalt  }
tec
execute0_lowered:
.L_overlay_start_1:
0x0: {  	(tag) =	ssettag $0x1  }
0x1: {  	v0 =	vimm.s32 $0xEFCDAB89  }
0x2: {  	v1 =	vimm.s32 $0x67452301;
	v2 =	vimm.s32 $0xDCFE98BA;
	v3 =	vimm.s32 $0x54761032  }
0x3: {  	v4 =	vimm.s32 $0xBA98FEDC;
	s0 =	rddreg [dreg:$0x0];
	v5 =	vimm.s32 $0x32107654;
	v6 =	vimm.s32 $0xFEDCBA98  }
0x4: {  	s1 =	rddreg [dreg:$0x1];
	v7 =	vimm.s32 $0x76543210;
	vm0 =	vcmask $0x314;
	v0 =	vunpack.c.l.s4.s8 v0  }
0x5: {  	s3 =	rddreg [dreg:$0x2];
	v1 =	vunpack.c.l.s4.s8 v1;
	v2 =	vunpack.c.l.s4.s8 v2;
	v3 =	vunpack.c.l.s4.s8 v3  }
0x6: {  	s5 =	srdreg.scid;
	s2 =	rddreg [dreg:$0x3];
	v4 =	vunpack.c.l.s4.s8 v4;
	v5 =	vunpack.c.l.s4.s8 v5;
	v6 =	vunpack.c.l.s4.s8 v6  }
0x7: {  	s4 =	simm.s32 $0x0;
	s9 =	simm.s32 $0x180;
	s10 =	simm.s32 $0x200;
	v0 =	vunpack.c.0.s8.s32 v0;
	v1 =	vunpack.c.0.s8.s32 v1;
	v2 =	vunpack.c.0.s8.s32 v2  }
0x8: {  	s11 =	simm.s32 $0x0;
	s6 =	sand.u32 $0x1, s5;
	[smem:$0x7FF] =	sst s4;
	v3 =	vunpack.c.0.s8.s32 v3;
	v4 =	vunpack.c.0.s8.s32 v4;
	v5 =	vunpack.c.0.s8.s32 v5  }
.Ltmp0:
0x9: {  	vm1 =	vcmask $0x714;
	s5 =	stileid.u32;
	s7 =	ssub.s32 $0x2, s6;
	v0 =	vcombine.low v1, v0;
	v1 =	vunpack.c.l.s4.s8 v7;
	(pc) =	sbr.rel .LBB2_1-.Ltmp0, $4  }
0xa: {  	p0 =	seq.s32 s5, $0x0;
	p1 =	seq.s32 s6, $0x1;
	_ =	strace $0x80000047;
	v2 =	vcombine.low v3, v2;
	v3 =	vcombine.low v5, v4;
	v4 =	vunpack.c.0.s8.s32 v6  }
0xb: {  	vm2 =	vcmask $0xB14;
	vm3 =	vcmask $0xF14;
	s31 =	sor.u32 s5, s6;
	s6 =	sadd.s32 $0x2, s3;
	s8 =	sshrl.u32 s7, $0x1;
	v5 =	vunpack.c.0.s8.s32 v1  }
0xc: {  	p0 =	por !p0, !p1;
	p1 =	sne.s32 s31, $0x0;
	s7 =	ssub.s32 s7, s8;
	v1 =	vand.u32 $0xF, v2;
	v2 =	vand.u32 $0xF, v3;
	v3 =	vand.u32 $0xF, v4  }
0xd: {  	p0 =	por !p0, !p0;
	s8 =	simm.s32 $0x1;
	s7 =	smax.u32 s7, $0x1;
	v0 =	vand.u32 $0xF, v0;
	v4 =	vlaneseq.u32;
	v3 =	vcombine.low v3, v5  }
.LBB2_44:
0xe: {  	vm4 =	vmmov $0x1  }
0xf: {  	v5 =	vnsel vm4, $0x0, v5  }
0x10: {  	v11 =	vor.u32 s13, v4;
	v5 =	vsel vm0, v5, v6  }
0x11: {  	vm4 =	veq.s32 v11, v9;
	v5 =	vsel vm1, v5, v7  }
0x12: {  	v6 =	vsel vm4, $0x7F800000, v10;
	v5 =	vsel vm2, v5, v8  }
0x13: {  	[tilespmem:s12+$0x0] =	vst v6;
	v5 =	vsel vm3, v5, v9  }
0x14: {  	[tilespmem:$0x200] =	vst v5  }
0x15: {  	[hbm4b:s3+s4] =	stream.linear.scatter [tilespmem:s10], [sflag:$0x1], $0x10, $0x38;
	[tilespmem:$0x280] =	vst v63  }
0x16: {  	_ =	swait.ge [sflag:s8], $0x10  }
0x17: {  	[sflag:s8] =	ssyncset.done $0x0  }
0x18: {  	[sflag:s8] =	ssyncadd.s32 $0xFFFFFFF0  }
.LBB2_45:
0x19: {  	s11 =	sadd.s32 $0x1, s11  }
0x1a: {  	p2 =	sne.s32 s11, s7  }
.Ltmp1:
0x1b: {  	_ = 	snop;
	(pc) =	sbr.rel @!p2 .LBB2_46-.Ltmp1, $1  }
0x1c: {  	_ =	sdelay $0x3  }
.LBB2_1:
.Ltmp2:
0x1d: {  	(pc) =	sbr.rel @p1 .LBB2_23-.Ltmp2, $1  }
0x1e: {  	_ =	sdelay $0x3  }
0x1f: {  	s12 =	simm.s32 $0x0  }
0x20: {  	[tilespmem:s12], [sflag:$0x1] =	stream.linear.gather [hbm4b:s1+s12], $0x180, $0x38;
	[tilespmem:$0x280] =	vst v63  }
0x21: {  	_ =	swait.ge [sflag:s8], $0x180  }
0x22: {  	[sflag:s8] =	ssyncset.done $0x0  }
0x23: {  	[sflag:s8] =	ssyncadd.s32 $0xFFFFFE80  }
0x24: {  	v5 =	vld [tilespmem:$0x0]  }
0x25: {  	v6 =	vld [tilespmem:$0x10]  }
0x26: {  	v7 =	vld [tilespmem:$0x20]  }
0x27: {  	v8 =	vld [tilespmem:$0x30]  }
0x28: {  	v9 =	vld [tilespmem:$0x40]  }
0x29: {  	v10 =	vld [tilespmem:$0x50];
	v5 =	vand.u32 $0x7FFFFFFF, v5  }
0x2a: {  	v11 =	vld [tilespmem:$0x60];
	v6 =	vand.u32 $0x7FFFFFFF, v6;
	[tilespmem:$0x0] =	vst v5  }
0x2b: {  	v12 =	vld [tilespmem:$0x70];
	v7 =	vand.u32 $0x7FFFFFFF, v7;
	[tilespmem:$0x10] =	vst v6;
	v5 =	vmin.f32 v5, v6  }
0x2c: {  	[tilespmem:$0x20] =	vst v7;
	v6 =	vand.u32 $0x7FFFFFFF, v8;
	v8 =	vld [tilespmem:$0x80];
	v5 =	vmin.f32 v5, v7  }
0x2d: {  	v52 =	vld [tilespmem:$0x90];
	[tilespmem:$0x30] =	vst v6;
	v7 =	vand.u32 $0x7FFFFFFF, v9;
	v5 =	vmin.f32 v5, v6  }
0x2e: {  	v53 =	vld [tilespmem:$0xA0];
	[tilespmem:$0x40] =	vst v7;
	v6 =	vand.u32 $0x7FFFFFFF, v10;
	v5 =	vmin.f32 v5, v7  }
0x2f: {  	v54 =	vld [tilespmem:$0xB0];
	[tilespmem:$0x50] =	vst v6;
	v7 =	vand.u32 $0x7FFFFFFF, v11;
	v5 =	vmin.f32 v5, v6  }
0x30: {  	v55 =	vld [tilespmem:$0xC0];
	[tilespmem:$0x60] =	vst v7;
	v6 =	vand.u32 $0x7FFFFFFF, v12;
	v5 =	vmin.f32 v5, v7  }
0x31: {  	[tilespmem:$0x70] =	vst v6;
	v7 =	vand.u32 $0x7FFFFFFF, v8;
	v8 =	vld [tilespmem:$0xD0];
	v5 =	vmin.f32 v5, v6  }
0x32: {  	v56 =	vld [tilespmem:$0xE0];
	[tilespmem:$0x80] =	vst v7;
	v6 =	vand.u32 $0x7FFFFFFF, v52;
	v5 =	vmin.f32 v5, v7  }
0x33: {  	v57 =	vld [tilespmem:$0xF0];
	[tilespmem:$0x90] =	vst v6;
	v7 =	vand.u32 $0x7FFFFFFF, v53;
	v5 =	vmin.f32 v5, v6  }
0x34: {  	v58 =	vld [tilespmem:$0x100];
	[tilespmem:$0xA0] =	vst v7;
	v6 =	vand.u32 $0x7FFFFFFF, v54;
	v5 =	vmin.f32 v5, v7  }
0x35: {  	v59 =	vld [tilespmem:$0x110];
	[tilespmem:$0xB0] =	vst v6;
	v7 =	vand.u32 $0x7FFFFFFF, v55;
	v5 =	vmin.f32 v5, v6  }
0x36: {  	[tilespmem:$0xC0] =	vst v7;
	v6 =	vand.u32 $0x7FFFFFFF, v8;
	v8 =	vld [tilespmem:$0x120];
	v5 =	vmin.f32 v5, v7  }
0x37: {  	v60 =	vld [tilespmem:$0x130];
	[tilespmem:$0xD0] =	vst v6;
	v7 =	vand.u32 $0x7FFFFFFF, v56;
	v5 =	vmin.f32 v5, v6  }
0x38: {  	v61 =	vld [tilespmem:$0x140];
	[tilespmem:$0xE0] =	vst v7;
	v6 =	vand.u32 $0x7FFFFFFF, v57;
	v5 =	vmin.f32 v5, v7  }
0x39: {  	v62 =	vld [tilespmem:$0x150];
	[tilespmem:$0xF0] =	vst v6;
	v7 =	vand.u32 $0x7FFFFFFF, v58;
	v5 =	vmin.f32 v5, v6  }
0x3a: {  	v63 =	vld [tilespmem:$0x160];
	[tilespmem:$0x100] =	vst v7;
	v6 =	vand.u32 $0x7FFFFFFF, v59;
	v5 =	vmin.f32 v5, v7  }
0x3b: {  	[tilespmem:$0x110] =	vst v6;
	v7 =	vand.u32 $0x7FFFFFFF, v8;
	v8 =	vld [tilespmem:$0x170];
	v5 =	vmin.f32 v5, v6  }
0x3c: {  	[tilespmem:$0x120] =	vst v7;
	v6 =	vand.u32 $0x7FFFFFFF, v60;
	v5 =	vmin.f32 v5, v7  }
0x3d: {  	[tilespmem:$0x130] =	vst v6;
	v7 =	vand.u32 $0x7FFFFFFF, v61;
	v5 =	vmin.f32 v5, v6  }
0x3e: {  	[tilespmem:$0x140] =	vst v7;
	v6 =	vand.u32 $0x7FFFFFFF, v62;
	v5 =	vmin.f32 v5, v7  }
0x3f: {  	[tilespmem:$0x150] =	vst v6;
	v7 =	vand.u32 $0x7FFFFFFF, v63;
	v5 =	vmin.f32 v5, v6  }
0x40: {  	[tilespmem:$0x160] =	vst v7;
	v6 =	vand.u32 $0x7FFFFFFF, v8;
	v5 =	vmin.f32 v5, v7  }
0x41: {  	[tilespmem:$0x170] =	vst v6;
	v5 =	vmin.f32 v5, v6  }
0x42: {  	[tilespmem:$0x180] =	vst v5  }
0x43: {  	v6 =	vld.idx.msk [tilespmem:v0+s9+$0x0], $0xffff;
	_ =	sdelay $0x4  }
0x44: {  	v5 =	vmin.f32 v5, v6  }
0x45: {  	[tilespmem:$0x180] =	vst v5  }
0x46: {  	v6 =	vld.idx.msk [tilespmem:v1+s9+$0x0], $0xffff;
	_ =	sdelay $0x4  }
0x47: {  	v5 =	vmin.f32 v5, v6  }
0x48: {  	[tilespmem:$0x180] =	vst v5  }
0x49: {  	v6 =	vld.idx.msk [tilespmem:v2+s9+$0x0], $0xffff;
	_ =	sdelay $0x4  }
0x4a: {  	v5 =	vmin.f32 v5, v6  }
0x4b: {  	[tilespmem:$0x180] =	vst v5  }
0x4c: {  	v6 =	vld.idx.msk [tilespmem:v3+s9+$0x0], $0xffff  }
0x4d: {  	v7 =	vld [tilespmem:s12+$0x0];
	_ =	sdelay $0x3  }
0x4e: {  	v6 =	vmin.f32 v5, v6  }
0x4f: {  	s13 =	simm.s32 $0x10;
	v5 =	vimm.s32 $0x40000000;
	vm4 =	veq.f32 v7, v6;
	v7 =	vor.u32 s12, v4;
	s12 =	simm.s32 $0x10  }
.LBB2_3:
0x50: {  	v8 =	vld [tilespmem:s12+$0x0];
	p2 =	sne.s32 s13, $0x170;
	v7 =	vnsel vm4, $0x40000000, v7;
	s14 =	smov.u32 s13;
	s13 =	sadd.s32 $0x10, s13  }
.Ltmp3:
0x51: {  	vm4 =	vlt.s32 v5, v7;
	(pc) =	sbr.rel @p2 .LBB2_3-.Ltmp3, $2  }
0x52: {  	v5 =	vsel vm4, v5, v7;
	_ =	sdelay $0x2  }
0x53: {  	s12 =	sadd.s32 $0x10, s12;
	v7 =	vor.u32 s14, v4;
	vm4 =	veq.f32 v8, v6  }
0x54: {  	v6 =	vnsel vm4, $0x40000000, v7  }
0x55: {  	vm4 =	vlt.s32 v5, v6  }
0x56: {  	v5 =	vsel vm4, v5, v6  }
0x57: {  	[tilespmem:$0x180] =	vst v5  }
0x58: {  	v6 =	vld.idx.msk [tilespmem:v0+s9+$0x0], $0xffff;
	_ =	sdelay $0x4  }
0x59: {  	vm4 =	vlt.s32 v5, v6  }
0x5a: {  	v5 =	vsel vm4, v5, v6  }
0x5b: {  	[tilespmem:$0x180] =	vst v5  }
0x5c: {  	v6 =	vld.idx.msk [tilespmem:v1+s9+$0x0], $0xffff;
	_ =	sdelay $0x4  }
0x5d: {  	vm4 =	vlt.s32 v5, v6  }
0x5e: {  	v5 =	vsel vm4, v5, v6  }
0x5f: {  	[tilespmem:$0x180] =	vst v5  }
0x60: {  	v6 =	vld.idx.msk [tilespmem:v2+s9+$0x0], $0xffff;
	_ =	sdelay $0x4  }
0x61: {  	vm4 =	vlt.s32 v5, v6  }
0x62: {  	v5 =	vsel vm4, v5, v6  }
0x63: {  	[tilespmem:$0x180] =	vst v5  }
0x64: {  	v6 =	vld.idx.msk [tilespmem:v3+s9+$0x0], $0xffff;
	_ =	sdelay $0x4  }
0x65: {  	s12 =	simm.s32 $0x0;
	vm4 =	vlt.s32 v5, v6  }
0x66: {  	s14 =	simm.s32 $0x10;
	s13 =	simm.s32 $0x0;
	v5 =	vsel vm4, v5, v6;
	v6 =	vld [tilespmem:s12+$0x0]  }
.LBB2_5:
0x67: {  	p2 =	sne.s32 s14, $0x170;
	_ =	sdelay $0x1  }
.Ltmp4:
0x68: {  	v7 =	vor.u32 s12, v4;
	s12 =	smov.u32 s14;
	(pc) =	sbr.rel @p2 .LBB2_5-.Ltmp4, $4  }
0x69: {  	vm4 =	veq.s32 v7, v5  }
0x6a: {  	v6 =	vsel vm4, $0x7F800000, v6  }
0x6b: {  	[tilespmem:s13+$0x0] =	vst v6;
	s13 =	sadd.s32 $0x10, s13  }
0x6c: {  	s14 =	sadd.s32 $0x10, s14;
	v6 =	vld [tilespmem:s13+$0x0]  }
0x6d: {  	_ =	sdelay $0x1  }
0x6e: {  	v7 =	vor.u32 s12, v4  }
0x6f: {  	vm4 =	veq.s32 v7, v5  }
0x70: {  	v6 =	vsel vm4, $0x7F800000, v6  }
0x71: {  	[tilespmem:s13+$0x0] =	vst v6  }
0x72: {  	v6 =	vld [tilespmem:$0x0]  }
0x73: {  	v7 =	vld [tilespmem:$0x10]  }
0x74: {  	v8 =	vld [tilespmem:$0x20]  }
0x75: {  	v9 =	vld [tilespmem:$0x30]  }
0x76: {  	v10 =	vld [tilespmem:$0x40]  }
0x77: {  	v11 =	vld [tilespmem:$0x50]  }
0x78: {  	v6 =	vmin.f32 v6, v7;
	v7 =	vld [tilespmem:$0x60]  }
0x79: {  	v6 =	vmin.f32 v6, v8;
	v8 =	vld [tilespmem:$0x70]  }
0x7a: {  	v6 =	vmin.f32 v6, v9;
	v9 =	vld [tilespmem:$0x80]  }
0x7b: {  	v6 =	vmin.f32 v6, v10;
	v10 =	vld [tilespmem:$0x90]  }
0x7c: {  	v6 =	vmin.f32 v6, v11;
	v11 =	vld [tilespmem:$0xA0]  }
0x7d: {  	v6 =	vmin.f32 v6, v7;
	v7 =	vld [tilespmem:$0xB0]  }
0x7e: {  	v6 =	vmin.f32 v6, v8;
	v8 =	vld [tilespmem:$0xC0]  }
0x7f: {  	v6 =	vmin.f32 v6, v9;
	v9 =	vld [tilespmem:$0xD0]  }
0x80: {  	v6 =	vmin.f32 v6, v10;
	v10 =	vld [tilespmem:$0xE0]  }
0x81: {  	v6 =	vmin.f32 v6, v11;
	v11 =	vld [tilespmem:$0xF0]  }
0x82: {  	v6 =	vmin.f32 v6, v7;
	v7 =	vld [tilespmem:$0x100]  }
0x83: {  	v6 =	vmin.f32 v6, v8;
	v8 =	vld [tilespmem:$0x110]  }
0x84: {  	v6 =	vmin.f32 v6, v9;
	v9 =	vld [tilespmem:$0x120]  }
0x85: {  	v6 =	vmin.f32 v6, v10;
	v10 =	vld [tilespmem:$0x130]  }
0x86: {  	v6 =	vmin.f32 v6, v11;
	v11 =	vld [tilespmem:$0x140]  }
0x87: {  	v6 =	vmin.f32 v6, v7;
	v7 =	vld [tilespmem:$0x150]  }
0x88: {  	v6 =	vmin.f32 v6, v8;
	v8 =	vld [tilespmem:$0x160]  }
0x89: {  	v6 =	vmin.f32 v6, v9;
	v9 =	vld [tilespmem:$0x170]  }
0x8a: {  	v6 =	vmin.f32 v6, v10  }
0x8b: {  	v6 =	vmin.f32 v6, v11  }
0x8c: {  	v6 =	vmin.f32 v6, v7  }
0x8d: {  	v6 =	vmin.f32 v6, v8  }
0x8e: {  	v6 =	vmin.f32 v6, v9  }
0x8f: {  	[tilespmem:$0x180] =	vst v6  }
0x90: {  	v7 =	vld.idx.msk [tilespmem:v0+s9+$0x0], $0xffff;
	_ =	sdelay $0x4  }
0x91: {  	v6 =	vmin.f32 v6, v7  }
0x92: {  	[tilespmem:$0x180] =	vst v6  }
0x93: {  	v7 =	vld.idx.msk [tilespmem:v1+s9+$0x0], $0xffff;
	_ =	sdelay $0x4  }
0x94: {  	v6 =	vmin.f32 v6, v7  }
0x95: {  	[tilespmem:$0x180] =	vst v6  }
0x96: {  	v7 =	vld.idx.msk [tilespmem:v2+s9+$0x0], $0xffff;
	_ =	sdelay $0x4  }
0x97: {  	v6 =	vmin.f32 v6, v7  }
0x98: {  	[tilespmem:$0x180] =	vst v6  }
0x99: {  	s31 =	simm.s32 $0x0;
	v7 =	vld.idx.msk [tilespmem:v3+s9+$0x0], $0xffff  }
0x9a: {  	v8 =	vld [tilespmem:s31+$0x0];
	_ =	sdelay $0x3  }
0x9b: {  	v7 =	vmin.f32 v6, v7  }
0x9c: {  	s12 =	simm.s32 $0x10;
	s13 =	simm.s32 $0x10;
	v6 =	vimm.s32 $0x40000000;
	vm4 =	veq.f32 v8, v7;
	v8 =	vor.u32 s31, v4  }
.LBB2_7:
0x9d: {  	v9 =	vld [tilespmem:s13+$0x0];
	p2 =	sne.s32 s12, $0x170;
	v8 =	vnsel vm4, $0x40000000, v8;
	s14 =	smov.u32 s12;
	s12 =	sadd.s32 $0x10, s12  }
.Ltmp5:
0x9e: {  	vm4 =	vlt.s32 v6, v8;
	(pc) =	sbr.rel @p2 .LBB2_7-.Ltmp5, $2  }
0x9f: {  	v6 =	vsel vm4, v6, v8;
	_ =	sdelay $0x2  }
0xa0: {  	s13 =	sadd.s32 $0x10, s13;
	v8 =	vor.u32 s14, v4;
	vm4 =	veq.f32 v9, v7  }
0xa1: {  	v7 =	vnsel vm4, $0x40000000, v8  }
0xa2: {  	vm4 =	vlt.s32 v6, v7  }
0xa3: {  	v6 =	vsel vm4, v6, v7  }
0xa4: {  	[tilespmem:$0x180] =	vst v6  }
0xa5: {  	v7 =	vld.idx.msk [tilespmem:v0+s9+$0x0], $0xffff;
	_ =	sdelay $0x4  }
0xa6: {  	vm4 =	vlt.s32 v6, v7  }
0xa7: {  	v6 =	vsel vm4, v6, v7  }
0xa8: {  	[tilespmem:$0x180] =	vst v6  }
0xa9: {  	v7 =	vld.idx.msk [tilespmem:v1+s9+$0x0], $0xffff;
	_ =	sdelay $0x4  }
0xaa: {  	vm4 =	vlt.s32 v6, v7  }
0xab: {  	v6 =	vsel vm4, v6, v7  }
0xac: {  	[tilespmem:$0x180] =	vst v6  }
0xad: {  	v7 =	vld.idx.msk [tilespmem:v2+s9+$0x0], $0xffff;
	_ =	sdelay $0x4  }
0xae: {  	vm4 =	vlt.s32 v6, v7  }
0xaf: {  	v6 =	vsel vm4, v6, v7  }
0xb0: {  	[tilespmem:$0x180] =	vst v6  }
0xb1: {  	v7 =	vld.idx.msk [tilespmem:v3+s9+$0x0], $0xffff;
	_ =	sdelay $0x4  }
0xb2: {  	s12 =	simm.s32 $0x0;
	vm4 =	vlt.s32 v6, v7  }
0xb3: {  	s14 =	simm.s32 $0x10;
	s13 =	simm.s32 $0x0;
	v6 =	vsel vm4, v6, v7;
	v7 =	vld [tilespmem:s12+$0x0]  }
.LBB2_9:
0xb4: {  	p2 =	sne.s32 s14, $0x170;
	_ =	sdelay $0x1  }
.Ltmp6:
0xb5: {  	v8 =	vor.u32 s12, v4;
	s12 =	smov.u32 s14;
	(pc) =	sbr.rel @p2 .LBB2_9-.Ltmp6, $4  }
0xb6: {  	vm4 =	veq.s32 v8, v6  }
0xb7: {  	v7 =	vsel vm4, $0x7F800000, v7  }
0xb8: {  	[tilespmem:s13+$0x0] =	vst v7;
	s13 =	sadd.s32 $0x10, s13  }
0xb9: {  	s14 =	sadd.s32 $0x10, s14;
	v7 =	vld [tilespmem:s13+$0x0]  }
0xba: {  	_ =	sdelay $0x1  }
0xbb: {  	v8 =	vor.u32 s12, v4  }
0xbc: {  	vm4 =	veq.s32 v8, v6  }
0xbd: {  	v7 =	vsel vm4, $0x7F800000, v7  }
0xbe: {  	[tilespmem:s13+$0x0] =	vst v7  }
0xbf: {  	v7 =	vld [tilespmem:$0x0]  }
0xc0: {  	v8 =	vld [tilespmem:$0x10]  }
0xc1: {  	v9 =	vld [tilespmem:$0x20]  }
0xc2: {  	v10 =	vld [tilespmem:$0x30]  }
0xc3: {  	v11 =	vld [tilespmem:$0x40]  }
0xc4: {  	v12 =	vld [tilespmem:$0x50]  }
0xc5: {  	v7 =	vmin.f32 v7, v8;
	v8 =	vld [tilespmem:$0x60]  }
0xc6: {  	v7 =	vmin.f32 v7, v9;
	v9 =	vld [tilespmem:$0x70]  }
0xc7: {  	v7 =	vmin.f32 v7, v10;
	v10 =	vld [tilespmem:$0x80]  }
0xc8: {  	v7 =	vmin.f32 v7, v11;
	v11 =	vld [tilespmem:$0x90]  }
0xc9: {  	v61 =	vld [tilespmem:$0xA0];
	v7 =	vmin.f32 v7, v12  }
0xca: {  	v7 =	vmin.f32 v7, v8;
	v8 =	vld [tilespmem:$0xB0]  }
0xcb: {  	v7 =	vmin.f32 v7, v9;
	v9 =	vld [tilespmem:$0xC0]  }
0xcc: {  	v7 =	vmin.f32 v7, v10;
	v10 =	vld [tilespmem:$0xD0]  }
0xcd: {  	v7 =	vmin.f32 v7, v11;
	v11 =	vld [tilespmem:$0xE0]  }
0xce: {  	v62 =	vld [tilespmem:$0xF0];
	v7 =	vmin.f32 v7, v61  }
0xcf: {  	v7 =	vmin.f32 v7, v8;
	v8 =	vld [tilespmem:$0x100]  }
0xd0: {  	v7 =	vmin.f32 v7, v9;
	v9 =	vld [tilespmem:$0x110]  }
0xd1: {  	v7 =	vmin.f32 v7, v10;
	v10 =	vld [tilespmem:$0x120]  }
0xd2: {  	v7 =	vmin.f32 v7, v11;
	v11 =	vld [tilespmem:$0x130]  }
0xd3: {  	v63 =	vld [tilespmem:$0x140];
	v7 =	vmin.f32 v7, v62  }
0xd4: {  	v7 =	vmin.f32 v7, v8;
	v8 =	vld [tilespmem:$0x150]  }
0xd5: {  	v7 =	vmin.f32 v7, v9;
	v9 =	vld [tilespmem:$0x160]  }
0xd6: {  	v7 =	vmin.f32 v7, v10;
	v10 =	vld [tilespmem:$0x170]  }
0xd7: {  	v7 =	vmin.f32 v7, v11  }
0xd8: {  	v7 =	vmin.f32 v7, v63  }
0xd9: {  	v7 =	vmin.f32 v7, v8  }
0xda: {  	v7 =	vmin.f32 v7, v9  }
0xdb: {  	v7 =	vmin.f32 v7, v10  }
0xdc: {  	[tilespmem:$0x180] =	vst v7  }
0xdd: {  	v8 =	vld.idx.msk [tilespmem:v0+s9+$0x0], $0xffff;
	_ =	sdelay $0x4  }
0xde: {  	v7 =	vmin.f32 v7, v8  }
0xdf: {  	[tilespmem:$0x180] =	vst v7  }
0xe0: {  	v8 =	vld.idx.msk [tilespmem:v1+s9+$0x0], $0xffff;
	_ =	sdelay $0x4  }
0xe1: {  	v7 =	vmin.f32 v7, v8  }
0xe2: {  	[tilespmem:$0x180] =	vst v7  }
0xe3: {  	v8 =	vld.idx.msk [tilespmem:v2+s9+$0x0], $0xffff;
	_ =	sdelay $0x4  }
0xe4: {  	v7 =	vmin.f32 v7, v8  }
0xe5: {  	[tilespmem:$0x180] =	vst v7  }
0xe6: {  	s31 =	simm.s32 $0x0;
	v8 =	vld.idx.msk [tilespmem:v3+s9+$0x0], $0xffff  }
0xe7: {  	v9 =	vld [tilespmem:s31+$0x0];
	_ =	sdelay $0x3  }
0xe8: {  	v8 =	vmin.f32 v7, v8  }
0xe9: {  	s12 =	simm.s32 $0x10;
	s13 =	simm.s32 $0x10;
	v7 =	vimm.s32 $0x40000000;
	vm4 =	veq.f32 v9, v8;
	v9 =	vor.u32 s31, v4  }
.LBB2_11:
0xea: {  	v10 =	vld [tilespmem:s13+$0x0];
	p2 =	sne.s32 s12, $0x170;
	v9 =	vnsel vm4, $0x40000000, v9;
	s14 =	smov.u32 s12;
	s12 =	sadd.s32 $0x10, s12  }
.Ltmp7:
0xeb: {  	vm4 =	vlt.s32 v7, v9;
	(pc) =	sbr.rel @p2 .LBB2_11-.Ltmp7, $2  }
0xec: {  	v7 =	vsel vm4, v7, v9;
	_ =	sdelay $0x2  }
0xed: {  	s13 =	sadd.s32 $0x10, s13;
	v9 =	vor.u32 s14, v4;
	vm4 =	veq.f32 v10, v8  }
0xee: {  	v8 =	vnsel vm4, $0x40000000, v9  }
0xef: {  	vm4 =	vlt.s32 v7, v8  }
0xf0: {  	v7 =	vsel vm4, v7, v8  }
0xf1: {  	[tilespmem:$0x180] =	vst v7  }
0xf2: {  	v8 =	vld.idx.msk [tilespmem:v0+s9+$0x0], $0xffff;
	_ =	sdelay $0x4  }
0xf3: {  	vm4 =	vlt.s32 v7, v8  }
0xf4: {  	v7 =	vsel vm4, v7, v8  }
0xf5: {  	[tilespmem:$0x180] =	vst v7  }
0xf6: {  	v8 =	vld.idx.msk [tilespmem:v1+s9+$0x0], $0xffff;
	_ =	sdelay $0x4  }
0xf7: {  	vm4 =	vlt.s32 v7, v8  }
0xf8: {  	v7 =	vsel vm4, v7, v8  }
0xf9: {  	[tilespmem:$0x180] =	vst v7  }
0xfa: {  	v8 =	vld.idx.msk [tilespmem:v2+s9+$0x0], $0xffff;
	_ =	sdelay $0x4  }
0xfb: {  	vm4 =	vlt.s32 v7, v8  }
0xfc: {  	v7 =	vsel vm4, v7, v8  }
0xfd: {  	[tilespmem:$0x180] =	vst v7  }
0xfe: {  	v8 =	vld.idx.msk [tilespmem:v3+s9+$0x0], $0xffff;
	_ =	sdelay $0x4  }
0xff: {  	s12 =	simm.s32 $0x0;
	vm4 =	vlt.s32 v7, v8  }
0x100: {  	s14 =	simm.s32 $0x10;
	s13 =	simm.s32 $0x0;
	v7 =	vsel vm4, v7, v8;
	v8 =	vld [tilespmem:s12+$0x0]  }
.LBB2_13:
0x101: {  	p2 =	sne.s32 s14, $0x170;
	_ =	sdelay $0x1  }
.Ltmp8:
0x102: {  	v9 =	vor.u32 s12, v4;
	s12 =	smov.u32 s14;
	(pc) =	sbr.rel @p2 .LBB2_13-.Ltmp8, $4  }
0x103: {  	vm4 =	veq.s32 v9, v7  }
0x104: {  	v8 =	vsel vm4, $0x7F800000, v8  }
0x105: {  	[tilespmem:s13+$0x0] =	vst v8;
	s13 =	sadd.s32 $0x10, s13  }
0x106: {  	s14 =	sadd.s32 $0x10, s14;
	v8 =	vld [tilespmem:s13+$0x0]  }
0x107: {  	_ =	sdelay $0x1  }
0x108: {  	v9 =	vor.u32 s12, v4  }
0x109: {  	vm4 =	veq.s32 v9, v7  }
0x10a: {  	v8 =	vsel vm4, $0x7F800000, v8  }
0x10b: {  	[tilespmem:s13+$0x0] =	vst v8  }
0x10c: {  	v8 =	vld [tilespmem:$0x0]  }
0x10d: {  	v9 =	vld [tilespmem:$0x10]  }
0x10e: {  	v10 =	vld [tilespmem:$0x20]  }
0x10f: {  	v11 =	vld [tilespmem:$0x30]  }
0x110: {  	v12 =	vld [tilespmem:$0x40]  }
0x111: {  	v13 =	vld [tilespmem:$0x50]  }
0x112: {  	v8 =	vmin.f32 v8, v9;
	v9 =	vld [tilespmem:$0x60]  }
0x113: {  	v8 =	vmin.f32 v8, v10;
	v10 =	vld [tilespmem:$0x70]  }
0x114: {  	v8 =	vmin.f32 v8, v11;
	v11 =	vld [tilespmem:$0x80]  }
0x115: {  	v58 =	vld [tilespmem:$0x90];
	v8 =	vmin.f32 v8, v12  }
0x116: {  	v59 =	vld [tilespmem:$0xA0];
	v8 =	vmin.f32 v8, v13  }
0x117: {  	v8 =	vmin.f32 v8, v9;
	v9 =	vld [tilespmem:$0xB0]  }
0x118: {  	v8 =	vmin.f32 v8, v10;
	v10 =	vld [tilespmem:$0xC0]  }
0x119: {  	v8 =	vmin.f32 v8, v11;
	v11 =	vld [tilespmem:$0xD0]  }
0x11a: {  	v60 =	vld [tilespmem:$0xE0];
	v8 =	vmin.f32 v8, v58  }
0x11b: {  	v61 =	vld [tilespmem:$0xF0];
	v8 =	vmin.f32 v8, v59  }
0x11c: {  	v8 =	vmin.f32 v8, v9;
	v9 =	vld [tilespmem:$0x100]  }
0x11d: {  	v8 =	vmin.f32 v8, v10;
	v10 =	vld [tilespmem:$0x110]  }
0x11e: {  	v8 =	vmin.f32 v8, v11;
	v11 =	vld [tilespmem:$0x120]  }
0x11f: {  	v62 =	vld [tilespmem:$0x130];
	v8 =	vmin.f32 v8, v60  }
0x120: {  	v63 =	vld [tilespmem:$0x140];
	v8 =	vmin.f32 v8, v61  }
0x121: {  	v8 =	vmin.f32 v8, v9;
	v9 =	vld [tilespmem:$0x150]  }
0x122: {  	v8 =	vmin.f32 v8, v10;
	v10 =	vld [tilespmem:$0x160]  }
0x123: {  	v8 =	vmin.f32 v8, v11;
	v11 =	vld [tilespmem:$0x170]  }
0x124: {  	v8 =	vmin.f32 v8, v62  }
0x125: {  	v8 =	vmin.f32 v8, v63  }
0x126: {  	v8 =	vmin.f32 v8, v9  }
0x127: {  	v8 =	vmin.f32 v8, v10  }
0x128: {  	v8 =	vmin.f32 v8, v11  }
0x129: {  	[tilespmem:$0x180] =	vst v8  }
0x12a: {  	v9 =	vld.idx.msk [tilespmem:v0+s9+$0x0], $0xffff;
	_ =	sdelay $0x4  }
0x12b: {  	v8 =	vmin.f32 v8, v9  }
0x12c: {  	[tilespmem:$0x180] =	vst v8  }
0x12d: {  	v9 =	vld.idx.msk [tilespmem:v1+s9+$0x0], $0xffff;
	_ =	sdelay $0x4  }
0x12e: {  	v8 =	vmin.f32 v8, v9  }
0x12f: {  	[tilespmem:$0x180] =	vst v8  }
0x130: {  	v9 =	vld.idx.msk [tilespmem:v2+s9+$0x0], $0xffff;
	_ =	sdelay $0x4  }
0x131: {  	v8 =	vmin.f32 v8, v9  }
0x132: {  	[tilespmem:$0x180] =	vst v8  }
0x133: {  	s31 =	simm.s32 $0x0;
	v9 =	vld.idx.msk [tilespmem:v3+s9+$0x0], $0xffff  }
0x134: {  	v10 =	vld [tilespmem:s31+$0x0];
	_ =	sdelay $0x3  }
0x135: {  	v9 =	vmin.f32 v8, v9  }
0x136: {  	s12 =	simm.s32 $0x10;
	s13 =	simm.s32 $0x10;
	v8 =	vimm.s32 $0x40000000;
	vm4 =	veq.f32 v10, v9;
	v10 =	vor.u32 s31, v4  }
.LBB2_15:
0x137: {  	v11 =	vld [tilespmem:s13+$0x0];
	p2 =	sne.s32 s12, $0x170;
	v10 =	vnsel vm4, $0x40000000, v10;
	s14 =	smov.u32 s12;
	s12 =	sadd.s32 $0x10, s12  }
.Ltmp9:
0x138: {  	vm4 =	vlt.s32 v8, v10;
	(pc) =	sbr.rel @p2 .LBB2_15-.Ltmp9, $2  }
0x139: {  	v8 =	vsel vm4, v8, v10;
	_ =	sdelay $0x2  }
0x13a: {  	s13 =	sadd.s32 $0x10, s13;
	v10 =	vor.u32 s14, v4;
	vm4 =	veq.f32 v11, v9  }
0x13b: {  	v9 =	vnsel vm4, $0x40000000, v10  }
0x13c: {  	vm4 =	vlt.s32 v8, v9  }
0x13d: {  	v8 =	vsel vm4, v8, v9  }
0x13e: {  	[tilespmem:$0x180] =	vst v8  }
0x13f: {  	v9 =	vld.idx.msk [tilespmem:v0+s9+$0x0], $0xffff;
	_ =	sdelay $0x4  }
0x140: {  	vm4 =	vlt.s32 v8, v9  }
0x141: {  	v8 =	vsel vm4, v8, v9  }
0x142: {  	[tilespmem:$0x180] =	vst v8  }
0x143: {  	v9 =	vld.idx.msk [tilespmem:v1+s9+$0x0], $0xffff;
	_ =	sdelay $0x4  }
0x144: {  	vm4 =	vlt.s32 v8, v9  }
0x145: {  	v8 =	vsel vm4, v8, v9  }
0x146: {  	[tilespmem:$0x180] =	vst v8  }
0x147: {  	v9 =	vld.idx.msk [tilespmem:v2+s9+$0x0], $0xffff;
	_ =	sdelay $0x4  }
0x148: {  	vm4 =	vlt.s32 v8, v9  }
0x149: {  	v8 =	vsel vm4, v8, v9  }
0x14a: {  	[tilespmem:$0x180] =	vst v8  }
0x14b: {  	v9 =	vld.idx.msk [tilespmem:v3+s9+$0x0], $0xffff;
	_ =	sdelay $0x4  }
0x14c: {  	s12 =	simm.s32 $0x0;
	vm4 =	vlt.s32 v8, v9  }
0x14d: {  	s14 =	simm.s32 $0x10;
	s13 =	simm.s32 $0x0;
	v8 =	vsel vm4, v8, v9;
	v9 =	vld [tilespmem:s12+$0x0]  }
.LBB2_17:
0x14e: {  	p2 =	sne.s32 s14, $0x170;
	_ =	sdelay $0x1  }
.Ltmp10:
0x14f: {  	v10 =	vor.u32 s12, v4;
	s12 =	smov.u32 s14;
	(pc) =	sbr.rel @p2 .LBB2_17-.Ltmp10, $4  }
0x150: {  	vm4 =	veq.s32 v10, v8  }
0x151: {  	v9 =	vsel vm4, $0x7F800000, v9  }
0x152: {  	[tilespmem:s13+$0x0] =	vst v9;
	s13 =	sadd.s32 $0x10, s13  }
0x153: {  	s14 =	sadd.s32 $0x10, s14;
	v9 =	vld [tilespmem:s13+$0x0]  }
0x154: {  	_ =	sdelay $0x1  }
0x155: {  	v10 =	vor.u32 s12, v4  }
0x156: {  	vm4 =	veq.s32 v10, v8  }
0x157: {  	v9 =	vsel vm4, $0x7F800000, v9  }
0x158: {  	[tilespmem:s13+$0x0] =	vst v9  }
0x159: {  	v9 =	vld [tilespmem:$0x0]  }
0x15a: {  	v10 =	vld [tilespmem:$0x10]  }
0x15b: {  	v11 =	vld [tilespmem:$0x20]  }
0x15c: {  	v12 =	vld [tilespmem:$0x30]  }
0x15d: {  	v13 =	vld [tilespmem:$0x40]  }
0x15e: {  	v14 =	vld [tilespmem:$0x50]  }
0x15f: {  	v9 =	vmin.f32 v9, v10;
	v10 =	vld [tilespmem:$0x60]  }
0x160: {  	v9 =	vmin.f32 v9, v11;
	v11 =	vld [tilespmem:$0x70]  }
0x161: {  	v54 =	vld [tilespmem:$0x80];
	v9 =	vmin.f32 v9, v12  }
0x162: {  	v55 =	vld [tilespmem:$0x90];
	v9 =	vmin.f32 v9, v13  }
0x163: {  	v56 =	vld [tilespmem:$0xA0];
	v9 =	vmin.f32 v9, v14  }
0x164: {  	v9 =	vmin.f32 v9, v10;
	v10 =	vld [tilespmem:$0xB0]  }
0x165: {  	v9 =	vmin.f32 v9, v11;
	v11 =	vld [tilespmem:$0xC0]  }
0x166: {  	v57 =	vld [tilespmem:$0xD0];
	v9 =	vmin.f32 v9, v54  }
0x167: {  	v58 =	vld [tilespmem:$0xE0];
	v9 =	vmin.f32 v9, v55  }
0x168: {  	v59 =	vld [tilespmem:$0xF0];
	v9 =	vmin.f32 v9, v56  }
0x169: {  	v9 =	vmin.f32 v9, v10;
	v10 =	vld [tilespmem:$0x100]  }
0x16a: {  	v9 =	vmin.f32 v9, v11;
	v11 =	vld [tilespmem:$0x110]  }
0x16b: {  	v60 =	vld [tilespmem:$0x120];
	v9 =	vmin.f32 v9, v57  }
0x16c: {  	v61 =	vld [tilespmem:$0x130];
	v9 =	vmin.f32 v9, v58  }
0x16d: {  	v62 =	vld [tilespmem:$0x140];
	v9 =	vmin.f32 v9, v59  }
0x16e: {  	v9 =	vmin.f32 v9, v10;
	v10 =	vld [tilespmem:$0x150]  }
0x16f: {  	v9 =	vmin.f32 v9, v11;
	v11 =	vld [tilespmem:$0x160]  }
0x170: {  	v63 =	vld [tilespmem:$0x170];
	v9 =	vmin.f32 v9, v60  }
0x171: {  	v9 =	vmin.f32 v9, v61  }
0x172: {  	v9 =	vmin.f32 v9, v62  }
0x173: {  	v9 =	vmin.f32 v9, v10  }
0x174: {  	v9 =	vmin.f32 v9, v11  }
0x175: {  	v9 =	vmin.f32 v9, v63  }
0x176: {  	[tilespmem:$0x180] =	vst v9  }
0x177: {  	v10 =	vld.idx.msk [tilespmem:v0+s9+$0x0], $0xffff;
	_ =	sdelay $0x4  }
0x178: {  	v9 =	vmin.f32 v9, v10  }
0x179: {  	[tilespmem:$0x180] =	vst v9  }
0x17a: {  	v10 =	vld.idx.msk [tilespmem:v1+s9+$0x0], $0xffff;
	_ =	sdelay $0x4  }
0x17b: {  	v9 =	vmin.f32 v9, v10  }
0x17c: {  	[tilespmem:$0x180] =	vst v9  }
0x17d: {  	v10 =	vld.idx.msk [tilespmem:v2+s9+$0x0], $0xffff;
	_ =	sdelay $0x4  }
0x17e: {  	v9 =	vmin.f32 v9, v10  }
0x17f: {  	[tilespmem:$0x180] =	vst v9  }
0x180: {  	s31 =	simm.s32 $0x0;
	v10 =	vld.idx.msk [tilespmem:v3+s9+$0x0], $0xffff  }
0x181: {  	v11 =	vld [tilespmem:s31+$0x0];
	_ =	sdelay $0x3  }
0x182: {  	v10 =	vmin.f32 v9, v10  }
0x183: {  	s12 =	simm.s32 $0x10;
	s13 =	simm.s32 $0x10;
	v9 =	vimm.s32 $0x40000000;
	vm4 =	veq.f32 v11, v10;
	v11 =	vor.u32 s31, v4  }
.LBB2_19:
0x184: {  	v12 =	vld [tilespmem:s13+$0x0];
	p2 =	sne.s32 s12, $0x170;
	v11 =	vnsel vm4, $0x40000000, v11;
	s14 =	smov.u32 s12;
	s12 =	sadd.s32 $0x10, s12  }
.Ltmp11:
0x185: {  	vm4 =	vlt.s32 v9, v11;
	(pc) =	sbr.rel @p2 .LBB2_19-.Ltmp11, $2  }
0x186: {  	v9 =	vsel vm4, v9, v11;
	_ =	sdelay $0x2  }
0x187: {  	s13 =	sadd.s32 $0x10, s13;
	v11 =	vor.u32 s14, v4;
	vm4 =	veq.f32 v12, v10  }
0x188: {  	v10 =	vnsel vm4, $0x40000000, v11  }
0x189: {  	vm4 =	vlt.s32 v9, v10  }
0x18a: {  	v9 =	vsel vm4, v9, v10  }
0x18b: {  	[tilespmem:$0x180] =	vst v9  }
0x18c: {  	v10 =	vld.idx.msk [tilespmem:v0+s9+$0x0], $0xffff;
	_ =	sdelay $0x4  }
0x18d: {  	vm4 =	vlt.s32 v9, v10  }
0x18e: {  	v9 =	vsel vm4, v9, v10  }
0x18f: {  	[tilespmem:$0x180] =	vst v9  }
0x190: {  	v10 =	vld.idx.msk [tilespmem:v1+s9+$0x0], $0xffff;
	_ =	sdelay $0x4  }
0x191: {  	vm4 =	vlt.s32 v9, v10  }
0x192: {  	v9 =	vsel vm4, v9, v10  }
0x193: {  	[tilespmem:$0x180] =	vst v9  }
0x194: {  	v10 =	vld.idx.msk [tilespmem:v2+s9+$0x0], $0xffff;
	_ =	sdelay $0x4  }
0x195: {  	vm4 =	vlt.s32 v9, v10  }
0x196: {  	v9 =	vsel vm4, v9, v10  }
0x197: {  	[tilespmem:$0x180] =	vst v9  }
0x198: {  	v10 =	vld.idx.msk [tilespmem:v3+s9+$0x0], $0xffff;
	_ =	sdelay $0x4  }
0x199: {  	s13 =	simm.s32 $0x0;
	vm4 =	vlt.s32 v9, v10  }
0x19a: {  	s14 =	simm.s32 $0x10;
	s12 =	simm.s32 $0x0;
	v9 =	vsel vm4, v9, v10;
	v10 =	vld [tilespmem:s13+$0x0]  }
.LBB2_21:
0x19b: {  	p2 =	sne.s32 s14, $0x170;
	_ =	sdelay $0x1  }
.Ltmp12:
0x19c: {  	v11 =	vor.u32 s13, v4;
	s13 =	smov.u32 s14;
	(pc) =	sbr.rel @p2 .LBB2_21-.Ltmp12, $4  }
0x19d: {  	vm4 =	veq.s32 v11, v9  }
0x19e: {  	v10 =	vsel vm4, $0x7F800000, v10  }
0x19f: {  	[tilespmem:s12+$0x0] =	vst v10;
	s12 =	sadd.s32 $0x10, s12  }
0x1a0: {  	s14 =	sadd.s32 $0x10, s14;
	v10 =	vld [tilespmem:s12+$0x0]  }
0x1a1: {  	vm4 =	vmmov $0x1  }
0x1a2: {  	v5 =	vnsel vm4, $0x0, v5  }
0x1a3: {  	v11 =	vor.u32 s13, v4;
	v5 =	vsel vm0, v5, v6  }
0x1a4: {  	vm4 =	veq.s32 v11, v9;
	v5 =	vsel vm1, v5, v7  }
0x1a5: {  	v6 =	vsel vm4, $0x7F800000, v10;
	v5 =	vsel vm2, v5, v8  }
0x1a6: {  	[tilespmem:s12+$0x0] =	vst v6;
	v5 =	vsel vm3, v5, v9  }
0x1a7: {  	[tilespmem:$0x200] =	vst v5  }
0x1a8: {  	[hbm4b:s6+s4] =	stream.linear.scatter [tilespmem:s10], [sflag:$0x1], $0x10, $0x38;
	[tilespmem:$0x280] =	vst v63  }
0x1a9: {  	_ =	swait.ge [sflag:s8], $0x10  }
0x1aa: {  	[sflag:s8] =	ssyncset.done $0x0  }
0x1ab: {  	[sflag:s8] =	ssyncadd.s32 $0xFFFFFFF0  }
.LBB2_23:
.Ltmp13:
0x1ac: {  	(pc) =	sbr.rel @!p0 .LBB2_45-.Ltmp13, $1  }
0x1ad: {  	_ =	sdelay $0x3  }
0x1ae: {  	s12 =	simm.s32 $0x0  }
0x1af: {  	[tilespmem:s12], [sflag:$0x1] =	stream.linear.gather [hbm4b:s0+s12], $0x180, $0x38;
	[tilespmem:$0x280] =	vst v63  }
0x1b0: {  	_ =	swait.ge [sflag:s8], $0x180  }
0x1b1: {  	[sflag:s8] =	ssyncset.done $0x0  }
0x1b2: {  	[sflag:s8] =	ssyncadd.s32 $0xFFFFFE80  }
0x1b3: {  	v5 =	vld [tilespmem:$0x0]  }
0x1b4: {  	v6 =	vld [tilespmem:$0x10]  }
0x1b5: {  	v7 =	vld [tilespmem:$0x20]  }
0x1b6: {  	v8 =	vld [tilespmem:$0x30]  }
0x1b7: {  	v9 =	vld [tilespmem:$0x40]  }
0x1b8: {  	v10 =	vld [tilespmem:$0x50];
	v5 =	vand.u32 $0x7FFFFFFF, v5  }
0x1b9: {  	v11 =	vld [tilespmem:$0x60];
	v6 =	vand.u32 $0x7FFFFFFF, v6;
	[tilespmem:$0x0] =	vst v5  }
0x1ba: {  	v12 =	vld [tilespmem:$0x70];
	v7 =	vand.u32 $0x7FFFFFFF, v7;
	[tilespmem:$0x10] =	vst v6;
	v5 =	vmin.f32 v5, v6  }
0x1bb: {  	[tilespmem:$0x20] =	vst v7;
	v6 =	vand.u32 $0x7FFFFFFF, v8;
	v8 =	vld [tilespmem:$0x80];
	v5 =	vmin.f32 v5, v7  }
0x1bc: {  	v52 =	vld [tilespmem:$0x90];
	[tilespmem:$0x30] =	vst v6;
	v7 =	vand.u32 $0x7FFFFFFF, v9;
	v5 =	vmin.f32 v5, v6  }
0x1bd: {  	v53 =	vld [tilespmem:$0xA0];
	[tilespmem:$0x40] =	vst v7;
	v6 =	vand.u32 $0x7FFFFFFF, v10;
	v5 =	vmin.f32 v5, v7  }
0x1be: {  	v54 =	vld [tilespmem:$0xB0];
	[tilespmem:$0x50] =	vst v6;
	v7 =	vand.u32 $0x7FFFFFFF, v11;
	v5 =	vmin.f32 v5, v6  }
0x1bf: {  	v55 =	vld [tilespmem:$0xC0];
	[tilespmem:$0x60] =	vst v7;
	v6 =	vand.u32 $0x7FFFFFFF, v12;
	v5 =	vmin.f32 v5, v7  }
0x1c0: {  	[tilespmem:$0x70] =	vst v6;
	v7 =	vand.u32 $0x7FFFFFFF, v8;
	v8 =	vld [tilespmem:$0xD0];
	v5 =	vmin.f32 v5, v6  }
0x1c1: {  	v56 =	vld [tilespmem:$0xE0];
	[tilespmem:$0x80] =	vst v7;
	v6 =	vand.u32 $0x7FFFFFFF, v52;
	v5 =	vmin.f32 v5, v7  }
0x1c2: {  	v57 =	vld [tilespmem:$0xF0];
	[tilespmem:$0x90] =	vst v6;
	v7 =	vand.u32 $0x7FFFFFFF, v53;
	v5 =	vmin.f32 v5, v6  }
0x1c3: {  	v58 =	vld [tilespmem:$0x100];
	[tilespmem:$0xA0] =	vst v7;
	v6 =	vand.u32 $0x7FFFFFFF, v54;
	v5 =	vmin.f32 v5, v7  }
0x1c4: {  	v59 =	vld [tilespmem:$0x110];
	[tilespmem:$0xB0] =	vst v6;
	v7 =	vand.u32 $0x7FFFFFFF, v55;
	v5 =	vmin.f32 v5, v6  }
0x1c5: {  	[tilespmem:$0xC0] =	vst v7;
	v6 =	vand.u32 $0x7FFFFFFF, v8;
	v8 =	vld [tilespmem:$0x120];
	v5 =	vmin.f32 v5, v7  }
0x1c6: {  	v60 =	vld [tilespmem:$0x130];
	[tilespmem:$0xD0] =	vst v6;
	v7 =	vand.u32 $0x7FFFFFFF, v56;
	v5 =	vmin.f32 v5, v6  }
0x1c7: {  	v61 =	vld [tilespmem:$0x140];
	[tilespmem:$0xE0] =	vst v7;
	v6 =	vand.u32 $0x7FFFFFFF, v57;
	v5 =	vmin.f32 v5, v7  }
0x1c8: {  	v62 =	vld [tilespmem:$0x150];
	[tilespmem:$0xF0] =	vst v6;
	v7 =	vand.u32 $0x7FFFFFFF, v58;
	v5 =	vmin.f32 v5, v6  }
0x1c9: {  	v63 =	vld [tilespmem:$0x160];
	[tilespmem:$0x100] =	vst v7;
	v6 =	vand.u32 $0x7FFFFFFF, v59;
	v5 =	vmin.f32 v5, v7  }
0x1ca: {  	[tilespmem:$0x110] =	vst v6;
	v7 =	vand.u32 $0x7FFFFFFF, v8;
	v8 =	vld [tilespmem:$0x170];
	v5 =	vmin.f32 v5, v6  }
0x1cb: {  	[tilespmem:$0x120] =	vst v7;
	v6 =	vand.u32 $0x7FFFFFFF, v60;
	v5 =	vmin.f32 v5, v7  }
0x1cc: {  	[tilespmem:$0x130] =	vst v6;
	v7 =	vand.u32 $0x7FFFFFFF, v61;
	v5 =	vmin.f32 v5, v6  }
0x1cd: {  	[tilespmem:$0x140] =	vst v7;
	v6 =	vand.u32 $0x7FFFFFFF, v62;
	v5 =	vmin.f32 v5, v7  }
0x1ce: {  	[tilespmem:$0x150] =	vst v6;
	v7 =	vand.u32 $0x7FFFFFFF, v63;
	v5 =	vmin.f32 v5, v6  }
0x1cf: {  	[tilespmem:$0x160] =	vst v7;
	v6 =	vand.u32 $0x7FFFFFFF, v8;
	v5 =	vmin.f32 v5, v7  }
0x1d0: {  	[tilespmem:$0x170] =	vst v6;
	v5 =	vmin.f32 v5, v6  }
0x1d1: {  	[tilespmem:$0x180] =	vst v5  }
0x1d2: {  	v6 =	vld.idx.msk [tilespmem:v0+s9+$0x0], $0xffff;
	_ =	sdelay $0x4  }
0x1d3: {  	v5 =	vmin.f32 v5, v6  }
0x1d4: {  	[tilespmem:$0x180] =	vst v5  }
0x1d5: {  	v6 =	vld.idx.msk [tilespmem:v1+s9+$0x0], $0xffff;
	_ =	sdelay $0x4  }
0x1d6: {  	v5 =	vmin.f32 v5, v6  }
0x1d7: {  	[tilespmem:$0x180] =	vst v5  }
0x1d8: {  	v6 =	vld.idx.msk [tilespmem:v2+s9+$0x0], $0xffff;
	_ =	sdelay $0x4  }
0x1d9: {  	v5 =	vmin.f32 v5, v6  }
0x1da: {  	[tilespmem:$0x180] =	vst v5  }
0x1db: {  	v6 =	vld.idx.msk [tilespmem:v3+s9+$0x0], $0xffff  }
0x1dc: {  	v7 =	vld [tilespmem:s12+$0x0];
	_ =	sdelay $0x3  }
0x1dd: {  	v6 =	vmin.f32 v5, v6  }
0x1de: {  	s13 =	simm.s32 $0x10;
	v5 =	vimm.s32 $0x40000000;
	vm4 =	veq.f32 v7, v6;
	v7 =	vor.u32 s12, v4;
	s12 =	simm.s32 $0x10  }
.LBB2_25:
0x1df: {  	v8 =	vld [tilespmem:s12+$0x0];
	p2 =	sne.s32 s13, $0x170;
	v7 =	vnsel vm4, $0x40000000, v7;
	s14 =	smov.u32 s13;
	s13 =	sadd.s32 $0x10, s13  }
.Ltmp14:
0x1e0: {  	vm4 =	vlt.s32 v5, v7;
	(pc) =	sbr.rel @p2 .LBB2_25-.Ltmp14, $2  }
0x1e1: {  	v5 =	vsel vm4, v5, v7;
	_ =	sdelay $0x2  }
0x1e2: {  	s12 =	sadd.s32 $0x10, s12;
	v7 =	vor.u32 s14, v4;
	vm4 =	veq.f32 v8, v6  }
0x1e3: {  	v6 =	vnsel vm4, $0x40000000, v7  }
0x1e4: {  	vm4 =	vlt.s32 v5, v6  }
0x1e5: {  	v5 =	vsel vm4, v5, v6  }
0x1e6: {  	[tilespmem:$0x180] =	vst v5  }
0x1e7: {  	v6 =	vld.idx.msk [tilespmem:v0+s9+$0x0], $0xffff;
	_ =	sdelay $0x4  }
0x1e8: {  	vm4 =	vlt.s32 v5, v6  }
0x1e9: {  	v5 =	vsel vm4, v5, v6  }
0x1ea: {  	[tilespmem:$0x180] =	vst v5  }
0x1eb: {  	v6 =	vld.idx.msk [tilespmem:v1+s9+$0x0], $0xffff;
	_ =	sdelay $0x4  }
0x1ec: {  	vm4 =	vlt.s32 v5, v6  }
0x1ed: {  	v5 =	vsel vm4, v5, v6  }
0x1ee: {  	[tilespmem:$0x180] =	vst v5  }
0x1ef: {  	v6 =	vld.idx.msk [tilespmem:v2+s9+$0x0], $0xffff;
	_ =	sdelay $0x4  }
0x1f0: {  	vm4 =	vlt.s32 v5, v6  }
0x1f1: {  	v5 =	vsel vm4, v5, v6  }
0x1f2: {  	[tilespmem:$0x180] =	vst v5  }
0x1f3: {  	v6 =	vld.idx.msk [tilespmem:v3+s9+$0x0], $0xffff;
	_ =	sdelay $0x4  }
0x1f4: {  	s12 =	simm.s32 $0x0;
	vm4 =	vlt.s32 v5, v6  }
0x1f5: {  	s14 =	simm.s32 $0x10;
	s13 =	simm.s32 $0x0;
	v5 =	vsel vm4, v5, v6;
	v6 =	vld [tilespmem:s12+$0x0]  }
.LBB2_27:
0x1f6: {  	p2 =	sne.s32 s14, $0x170;
	_ =	sdelay $0x1  }
.Ltmp15:
0x1f7: {  	v7 =	vor.u32 s12, v4;
	s12 =	smov.u32 s14;
	(pc) =	sbr.rel @p2 .LBB2_27-.Ltmp15, $4  }
0x1f8: {  	vm4 =	veq.s32 v7, v5  }
0x1f9: {  	v6 =	vsel vm4, $0x7F800000, v6  }
0x1fa: {  	[tilespmem:s13+$0x0] =	vst v6;
	s13 =	sadd.s32 $0x10, s13  }
0x1fb: {  	s14 =	sadd.s32 $0x10, s14;
	v6 =	vld [tilespmem:s13+$0x0]  }
0x1fc: {  	_ =	sdelay $0x1  }
0x1fd: {  	v7 =	vor.u32 s12, v4  }
0x1fe: {  	vm4 =	veq.s32 v7, v5  }
0x1ff: {  	v6 =	vsel vm4, $0x7F800000, v6  }
0x200: {  	[tilespmem:s13+$0x0] =	vst v6  }
0x201: {  	v6 =	vld [tilespmem:$0x0]  }
0x202: {  	v7 =	vld [tilespmem:$0x10]  }
0x203: {  	v8 =	vld [tilespmem:$0x20]  }
0x204: {  	v9 =	vld [tilespmem:$0x30]  }
0x205: {  	v10 =	vld [tilespmem:$0x40]  }
0x206: {  	v11 =	vld [tilespmem:$0x50]  }
0x207: {  	v6 =	vmin.f32 v6, v7;
	v7 =	vld [tilespmem:$0x60]  }
0x208: {  	v6 =	vmin.f32 v6, v8;
	v8 =	vld [tilespmem:$0x70]  }
0x209: {  	v6 =	vmin.f32 v6, v9;
	v9 =	vld [tilespmem:$0x80]  }
0x20a: {  	v6 =	vmin.f32 v6, v10;
	v10 =	vld [tilespmem:$0x90]  }
0x20b: {  	v6 =	vmin.f32 v6, v11;
	v11 =	vld [tilespmem:$0xA0]  }
0x20c: {  	v6 =	vmin.f32 v6, v7;
	v7 =	vld [tilespmem:$0xB0]  }
0x20d: {  	v6 =	vmin.f32 v6, v8;
	v8 =	vld [tilespmem:$0xC0]  }
0x20e: {  	v6 =	vmin.f32 v6, v9;
	v9 =	vld [tilespmem:$0xD0]  }
0x20f: {  	v6 =	vmin.f32 v6, v10;
	v10 =	vld [tilespmem:$0xE0]  }
0x210: {  	v6 =	vmin.f32 v6, v11;
	v11 =	vld [tilespmem:$0xF0]  }
0x211: {  	v6 =	vmin.f32 v6, v7;
	v7 =	vld [tilespmem:$0x100]  }
0x212: {  	v6 =	vmin.f32 v6, v8;
	v8 =	vld [tilespmem:$0x110]  }
0x213: {  	v6 =	vmin.f32 v6, v9;
	v9 =	vld [tilespmem:$0x120]  }
0x214: {  	v6 =	vmin.f32 v6, v10;
	v10 =	vld [tilespmem:$0x130]  }
0x215: {  	v6 =	vmin.f32 v6, v11;
	v11 =	vld [tilespmem:$0x140]  }
0x216: {  	v6 =	vmin.f32 v6, v7;
	v7 =	vld [tilespmem:$0x150]  }
0x217: {  	v6 =	vmin.f32 v6, v8;
	v8 =	vld [tilespmem:$0x160]  }
0x218: {  	v6 =	vmin.f32 v6, v9;
	v9 =	vld [tilespmem:$0x170]  }
0x219: {  	v6 =	vmin.f32 v6, v10  }
0x21a: {  	v6 =	vmin.f32 v6, v11  }
0x21b: {  	v6 =	vmin.f32 v6, v7  }
0x21c: {  	v6 =	vmin.f32 v6, v8  }
0x21d: {  	v6 =	vmin.f32 v6, v9  }
0x21e: {  	[tilespmem:$0x180] =	vst v6  }
0x21f: {  	v7 =	vld.idx.msk [tilespmem:v0+s9+$0x0], $0xffff;
	_ =	sdelay $0x4  }
0x220: {  	v6 =	vmin.f32 v6, v7  }
0x221: {  	[tilespmem:$0x180] =	vst v6  }
0x222: {  	v7 =	vld.idx.msk [tilespmem:v1+s9+$0x0], $0xffff;
	_ =	sdelay $0x4  }
0x223: {  	v6 =	vmin.f32 v6, v7  }
0x224: {  	[tilespmem:$0x180] =	vst v6  }
0x225: {  	v7 =	vld.idx.msk [tilespmem:v2+s9+$0x0], $0xffff;
	_ =	sdelay $0x4  }
0x226: {  	v6 =	vmin.f32 v6, v7  }
0x227: {  	[tilespmem:$0x180] =	vst v6  }
0x228: {  	s31 =	simm.s32 $0x0;
	v7 =	vld.idx.msk [tilespmem:v3+s9+$0x0], $0xffff  }
0x229: {  	v8 =	vld [tilespmem:s31+$0x0];
	_ =	sdelay $0x3  }
0x22a: {  	v7 =	vmin.f32 v6, v7  }
0x22b: {  	s12 =	simm.s32 $0x10;
	s13 =	simm.s32 $0x10;
	v6 =	vimm.s32 $0x40000000;
	vm4 =	veq.f32 v8, v7;
	v8 =	vor.u32 s31, v4  }
.LBB2_29:
0x22c: {  	v9 =	vld [tilespmem:s13+$0x0];
	p2 =	sne.s32 s12, $0x170;
	v8 =	vnsel vm4, $0x40000000, v8;
	s14 =	smov.u32 s12;
	s12 =	sadd.s32 $0x10, s12  }
.Ltmp16:
0x22d: {  	vm4 =	vlt.s32 v6, v8;
	(pc) =	sbr.rel @p2 .LBB2_29-.Ltmp16, $2  }
0x22e: {  	v6 =	vsel vm4, v6, v8;
	_ =	sdelay $0x2  }
0x22f: {  	s13 =	sadd.s32 $0x10, s13;
	v8 =	vor.u32 s14, v4;
	vm4 =	veq.f32 v9, v7  }
0x230: {  	v7 =	vnsel vm4, $0x40000000, v8  }
0x231: {  	vm4 =	vlt.s32 v6, v7  }
0x232: {  	v6 =	vsel vm4, v6, v7  }
0x233: {  	[tilespmem:$0x180] =	vst v6  }
0x234: {  	v7 =	vld.idx.msk [tilespmem:v0+s9+$0x0], $0xffff;
	_ =	sdelay $0x4  }
0x235: {  	vm4 =	vlt.s32 v6, v7  }
0x236: {  	v6 =	vsel vm4, v6, v7  }
0x237: {  	[tilespmem:$0x180] =	vst v6  }
0x238: {  	v7 =	vld.idx.msk [tilespmem:v1+s9+$0x0], $0xffff;
	_ =	sdelay $0x4  }
0x239: {  	vm4 =	vlt.s32 v6, v7  }
0x23a: {  	v6 =	vsel vm4, v6, v7  }
0x23b: {  	[tilespmem:$0x180] =	vst v6  }
0x23c: {  	v7 =	vld.idx.msk [tilespmem:v2+s9+$0x0], $0xffff;
	_ =	sdelay $0x4  }
0x23d: {  	vm4 =	vlt.s32 v6, v7  }
0x23e: {  	v6 =	vsel vm4, v6, v7  }
0x23f: {  	[tilespmem:$0x180] =	vst v6  }
0x240: {  	v7 =	vld.idx.msk [tilespmem:v3+s9+$0x0], $0xffff;
	_ =	sdelay $0x4  }
0x241: {  	s12 =	simm.s32 $0x0;
	vm4 =	vlt.s32 v6, v7  }
0x242: {  	s14 =	simm.s32 $0x10;
	s13 =	simm.s32 $0x0;
	v6 =	vsel vm4, v6, v7;
	v7 =	vld [tilespmem:s12+$0x0]  }
.LBB2_31:
0x243: {  	p2 =	sne.s32 s14, $0x170;
	_ =	sdelay $0x1  }
.Ltmp17:
0x244: {  	v8 =	vor.u32 s12, v4;
	s12 =	smov.u32 s14;
	(pc) =	sbr.rel @p2 .LBB2_31-.Ltmp17, $4  }
0x245: {  	vm4 =	veq.s32 v8, v6  }
0x246: {  	v7 =	vsel vm4, $0x7F800000, v7  }
0x247: {  	[tilespmem:s13+$0x0] =	vst v7;
	s13 =	sadd.s32 $0x10, s13  }
0x248: {  	s14 =	sadd.s32 $0x10, s14;
	v7 =	vld [tilespmem:s13+$0x0]  }
0x249: {  	_ =	sdelay $0x1  }
0x24a: {  	v8 =	vor.u32 s12, v4  }
0x24b: {  	vm4 =	veq.s32 v8, v6  }
0x24c: {  	v7 =	vsel vm4, $0x7F800000, v7  }
0x24d: {  	[tilespmem:s13+$0x0] =	vst v7  }
0x24e: {  	v7 =	vld [tilespmem:$0x0]  }
0x24f: {  	v8 =	vld [tilespmem:$0x10]  }
0x250: {  	v9 =	vld [tilespmem:$0x20]  }
0x251: {  	v10 =	vld [tilespmem:$0x30]  }
0x252: {  	v11 =	vld [tilespmem:$0x40]  }
0x253: {  	v12 =	vld [tilespmem:$0x50]  }
0x254: {  	v7 =	vmin.f32 v7, v8;
	v8 =	vld [tilespmem:$0x60]  }
0x255: {  	v7 =	vmin.f32 v7, v9;
	v9 =	vld [tilespmem:$0x70]  }
0x256: {  	v7 =	vmin.f32 v7, v10;
	v10 =	vld [tilespmem:$0x80]  }
0x257: {  	v7 =	vmin.f32 v7, v11;
	v11 =	vld [tilespmem:$0x90]  }
0x258: {  	v61 =	vld [tilespmem:$0xA0];
	v7 =	vmin.f32 v7, v12  }
0x259: {  	v7 =	vmin.f32 v7, v8;
	v8 =	vld [tilespmem:$0xB0]  }
0x25a: {  	v7 =	vmin.f32 v7, v9;
	v9 =	vld [tilespmem:$0xC0]  }
0x25b: {  	v7 =	vmin.f32 v7, v10;
	v10 =	vld [tilespmem:$0xD0]  }
0x25c: {  	v7 =	vmin.f32 v7, v11;
	v11 =	vld [tilespmem:$0xE0]  }
0x25d: {  	v62 =	vld [tilespmem:$0xF0];
	v7 =	vmin.f32 v7, v61  }
0x25e: {  	v7 =	vmin.f32 v7, v8;
	v8 =	vld [tilespmem:$0x100]  }
0x25f: {  	v7 =	vmin.f32 v7, v9;
	v9 =	vld [tilespmem:$0x110]  }
0x260: {  	v7 =	vmin.f32 v7, v10;
	v10 =	vld [tilespmem:$0x120]  }
0x261: {  	v7 =	vmin.f32 v7, v11;
	v11 =	vld [tilespmem:$0x130]  }
0x262: {  	v63 =	vld [tilespmem:$0x140];
	v7 =	vmin.f32 v7, v62  }
0x263: {  	v7 =	vmin.f32 v7, v8;
	v8 =	vld [tilespmem:$0x150]  }
0x264: {  	v7 =	vmin.f32 v7, v9;
	v9 =	vld [tilespmem:$0x160]  }
0x265: {  	v7 =	vmin.f32 v7, v10;
	v10 =	vld [tilespmem:$0x170]  }
0x266: {  	v7 =	vmin.f32 v7, v11  }
0x267: {  	v7 =	vmin.f32 v7, v63  }
0x268: {  	v7 =	vmin.f32 v7, v8  }
0x269: {  	v7 =	vmin.f32 v7, v9  }
0x26a: {  	v7 =	vmin.f32 v7, v10  }
0x26b: {  	[tilespmem:$0x180] =	vst v7  }
0x26c: {  	v8 =	vld.idx.msk [tilespmem:v0+s9+$0x0], $0xffff;
	_ =	sdelay $0x4  }
0x26d: {  	v7 =	vmin.f32 v7, v8  }
0x26e: {  	[tilespmem:$0x180] =	vst v7  }
0x26f: {  	v8 =	vld.idx.msk [tilespmem:v1+s9+$0x0], $0xffff;
	_ =	sdelay $0x4  }
0x270: {  	v7 =	vmin.f32 v7, v8  }
0x271: {  	[tilespmem:$0x180] =	vst v7  }
0x272: {  	v8 =	vld.idx.msk [tilespmem:v2+s9+$0x0], $0xffff;
	_ =	sdelay $0x4  }
0x273: {  	v7 =	vmin.f32 v7, v8  }
0x274: {  	[tilespmem:$0x180] =	vst v7  }
0x275: {  	s31 =	simm.s32 $0x0;
	v8 =	vld.idx.msk [tilespmem:v3+s9+$0x0], $0xffff  }
0x276: {  	v9 =	vld [tilespmem:s31+$0x0];
	_ =	sdelay $0x3  }
0x277: {  	v8 =	vmin.f32 v7, v8  }
0x278: {  	s12 =	simm.s32 $0x10;
	s13 =	simm.s32 $0x10;
	v7 =	vimm.s32 $0x40000000;
	vm4 =	veq.f32 v9, v8;
	v9 =	vor.u32 s31, v4  }
.LBB2_33:
0x279: {  	v10 =	vld [tilespmem:s13+$0x0];
	p2 =	sne.s32 s12, $0x170;
	v9 =	vnsel vm4, $0x40000000, v9;
	s14 =	smov.u32 s12;
	s12 =	sadd.s32 $0x10, s12  }
.Ltmp18:
0x27a: {  	vm4 =	vlt.s32 v7, v9;
	(pc) =	sbr.rel @p2 .LBB2_33-.Ltmp18, $2  }
0x27b: {  	v7 =	vsel vm4, v7, v9;
	_ =	sdelay $0x2  }
0x27c: {  	s13 =	sadd.s32 $0x10, s13;
	v9 =	vor.u32 s14, v4;
	vm4 =	veq.f32 v10, v8  }
0x27d: {  	v8 =	vnsel vm4, $0x40000000, v9  }
0x27e: {  	vm4 =	vlt.s32 v7, v8  }
0x27f: {  	v7 =	vsel vm4, v7, v8  }
0x280: {  	[tilespmem:$0x180] =	vst v7  }
0x281: {  	v8 =	vld.idx.msk [tilespmem:v0+s9+$0x0], $0xffff;
	_ =	sdelay $0x4  }
0x282: {  	vm4 =	vlt.s32 v7, v8  }
0x283: {  	v7 =	vsel vm4, v7, v8  }
0x284: {  	[tilespmem:$0x180] =	vst v7  }
0x285: {  	v8 =	vld.idx.msk [tilespmem:v1+s9+$0x0], $0xffff;
	_ =	sdelay $0x4  }
0x286: {  	vm4 =	vlt.s32 v7, v8  }
0x287: {  	v7 =	vsel vm4, v7, v8  }
0x288: {  	[tilespmem:$0x180] =	vst v7  }
0x289: {  	v8 =	vld.idx.msk [tilespmem:v2+s9+$0x0], $0xffff;
	_ =	sdelay $0x4  }
0x28a: {  	vm4 =	vlt.s32 v7, v8  }
0x28b: {  	v7 =	vsel vm4, v7, v8  }
0x28c: {  	[tilespmem:$0x180] =	vst v7  }
0x28d: {  	v8 =	vld.idx.msk [tilespmem:v3+s9+$0x0], $0xffff;
	_ =	sdelay $0x4  }
0x28e: {  	s12 =	simm.s32 $0x0;
	vm4 =	vlt.s32 v7, v8  }
0x28f: {  	s14 =	simm.s32 $0x10;
	s13 =	simm.s32 $0x0;
	v7 =	vsel vm4, v7, v8;
	v8 =	vld [tilespmem:s12+$0x0]  }
.LBB2_35:
0x290: {  	p2 =	sne.s32 s14, $0x170;
	_ =	sdelay $0x1  }
.Ltmp19:
0x291: {  	v9 =	vor.u32 s12, v4;
	s12 =	smov.u32 s14;
	(pc) =	sbr.rel @p2 .LBB2_35-.Ltmp19, $4  }
0x292: {  	vm4 =	veq.s32 v9, v7  }
0x293: {  	v8 =	vsel vm4, $0x7F800000, v8  }
0x294: {  	[tilespmem:s13+$0x0] =	vst v8;
	s13 =	sadd.s32 $0x10, s13  }
0x295: {  	s14 =	sadd.s32 $0x10, s14;
	v8 =	vld [tilespmem:s13+$0x0]  }
0x296: {  	_ =	sdelay $0x1  }
0x297: {  	v9 =	vor.u32 s12, v4  }
0x298: {  	vm4 =	veq.s32 v9, v7  }
0x299: {  	v8 =	vsel vm4, $0x7F800000, v8  }
0x29a: {  	[tilespmem:s13+$0x0] =	vst v8  }
0x29b: {  	v8 =	vld [tilespmem:$0x0]  }
0x29c: {  	v9 =	vld [tilespmem:$0x10]  }
0x29d: {  	v10 =	vld [tilespmem:$0x20]  }
0x29e: {  	v11 =	vld [tilespmem:$0x30]  }
0x29f: {  	v12 =	vld [tilespmem:$0x40]  }
0x2a0: {  	v13 =	vld [tilespmem:$0x50]  }
0x2a1: {  	v8 =	vmin.f32 v8, v9;
	v9 =	vld [tilespmem:$0x60]  }
0x2a2: {  	v8 =	vmin.f32 v8, v10;
	v10 =	vld [tilespmem:$0x70]  }
0x2a3: {  	v8 =	vmin.f32 v8, v11;
	v11 =	vld [tilespmem:$0x80]  }
0x2a4: {  	v58 =	vld [tilespmem:$0x90];
	v8 =	vmin.f32 v8, v12  }
0x2a5: {  	v59 =	vld [tilespmem:$0xA0];
	v8 =	vmin.f32 v8, v13  }
0x2a6: {  	v8 =	vmin.f32 v8, v9;
	v9 =	vld [tilespmem:$0xB0]  }
0x2a7: {  	v8 =	vmin.f32 v8, v10;
	v10 =	vld [tilespmem:$0xC0]  }
0x2a8: {  	v8 =	vmin.f32 v8, v11;
	v11 =	vld [tilespmem:$0xD0]  }
0x2a9: {  	v60 =	vld [tilespmem:$0xE0];
	v8 =	vmin.f32 v8, v58  }
0x2aa: {  	v61 =	vld [tilespmem:$0xF0];
	v8 =	vmin.f32 v8, v59  }
0x2ab: {  	v8 =	vmin.f32 v8, v9;
	v9 =	vld [tilespmem:$0x100]  }
0x2ac: {  	v8 =	vmin.f32 v8, v10;
	v10 =	vld [tilespmem:$0x110]  }
0x2ad: {  	v8 =	vmin.f32 v8, v11;
	v11 =	vld [tilespmem:$0x120]  }
0x2ae: {  	v62 =	vld [tilespmem:$0x130];
	v8 =	vmin.f32 v8, v60  }
0x2af: {  	v63 =	vld [tilespmem:$0x140];
	v8 =	vmin.f32 v8, v61  }
0x2b0: {  	v8 =	vmin.f32 v8, v9;
	v9 =	vld [tilespmem:$0x150]  }
0x2b1: {  	v8 =	vmin.f32 v8, v10;
	v10 =	vld [tilespmem:$0x160]  }
0x2b2: {  	v8 =	vmin.f32 v8, v11;
	v11 =	vld [tilespmem:$0x170]  }
0x2b3: {  	v8 =	vmin.f32 v8, v62  }
0x2b4: {  	v8 =	vmin.f32 v8, v63  }
0x2b5: {  	v8 =	vmin.f32 v8, v9  }
0x2b6: {  	v8 =	vmin.f32 v8, v10  }
0x2b7: {  	v8 =	vmin.f32 v8, v11  }
0x2b8: {  	[tilespmem:$0x180] =	vst v8  }
0x2b9: {  	v9 =	vld.idx.msk [tilespmem:v0+s9+$0x0], $0xffff;
	_ =	sdelay $0x4  }
0x2ba: {  	v8 =	vmin.f32 v8, v9  }
0x2bb: {  	[tilespmem:$0x180] =	vst v8  }
0x2bc: {  	v9 =	vld.idx.msk [tilespmem:v1+s9+$0x0], $0xffff;
	_ =	sdelay $0x4  }
0x2bd: {  	v8 =	vmin.f32 v8, v9  }
0x2be: {  	[tilespmem:$0x180] =	vst v8  }
0x2bf: {  	v9 =	vld.idx.msk [tilespmem:v2+s9+$0x0], $0xffff;
	_ =	sdelay $0x4  }
0x2c0: {  	v8 =	vmin.f32 v8, v9  }
0x2c1: {  	[tilespmem:$0x180] =	vst v8  }
0x2c2: {  	s31 =	simm.s32 $0x0;
	v9 =	vld.idx.msk [tilespmem:v3+s9+$0x0], $0xffff  }
0x2c3: {  	v10 =	vld [tilespmem:s31+$0x0];
	_ =	sdelay $0x3  }
0x2c4: {  	v9 =	vmin.f32 v8, v9  }
0x2c5: {  	s12 =	simm.s32 $0x10;
	s13 =	simm.s32 $0x10;
	v8 =	vimm.s32 $0x40000000;
	vm4 =	veq.f32 v10, v9;
	v10 =	vor.u32 s31, v4  }
.LBB2_37:
0x2c6: {  	v11 =	vld [tilespmem:s13+$0x0];
	p2 =	sne.s32 s12, $0x170;
	v10 =	vnsel vm4, $0x40000000, v10;
	s14 =	smov.u32 s12;
	s12 =	sadd.s32 $0x10, s12  }
.Ltmp20:
0x2c7: {  	vm4 =	vlt.s32 v8, v10;
	(pc) =	sbr.rel @p2 .LBB2_37-.Ltmp20, $2  }
0x2c8: {  	v8 =	vsel vm4, v8, v10;
	_ =	sdelay $0x2  }
0x2c9: {  	s13 =	sadd.s32 $0x10, s13;
	v10 =	vor.u32 s14, v4;
	vm4 =	veq.f32 v11, v9  }
0x2ca: {  	v9 =	vnsel vm4, $0x40000000, v10  }
0x2cb: {  	vm4 =	vlt.s32 v8, v9  }
0x2cc: {  	v8 =	vsel vm4, v8, v9  }
0x2cd: {  	[tilespmem:$0x180] =	vst v8  }
0x2ce: {  	v9 =	vld.idx.msk [tilespmem:v0+s9+$0x0], $0xffff;
	_ =	sdelay $0x4  }
0x2cf: {  	vm4 =	vlt.s32 v8, v9  }
0x2d0: {  	v8 =	vsel vm4, v8, v9  }
0x2d1: {  	[tilespmem:$0x180] =	vst v8  }
0x2d2: {  	v9 =	vld.idx.msk [tilespmem:v1+s9+$0x0], $0xffff;
	_ =	sdelay $0x4  }
0x2d3: {  	vm4 =	vlt.s32 v8, v9  }
0x2d4: {  	v8 =	vsel vm4, v8, v9  }
0x2d5: {  	[tilespmem:$0x180] =	vst v8  }
0x2d6: {  	v9 =	vld.idx.msk [tilespmem:v2+s9+$0x0], $0xffff;
	_ =	sdelay $0x4  }
0x2d7: {  	vm4 =	vlt.s32 v8, v9  }
0x2d8: {  	v8 =	vsel vm4, v8, v9  }
0x2d9: {  	[tilespmem:$0x180] =	vst v8  }
0x2da: {  	v9 =	vld.idx.msk [tilespmem:v3+s9+$0x0], $0xffff;
	_ =	sdelay $0x4  }
0x2db: {  	s12 =	simm.s32 $0x0;
	vm4 =	vlt.s32 v8, v9  }
0x2dc: {  	s14 =	simm.s32 $0x10;
	s13 =	simm.s32 $0x0;
	v8 =	vsel vm4, v8, v9;
	v9 =	vld [tilespmem:s12+$0x0]  }
.LBB2_39:
0x2dd: {  	p2 =	sne.s32 s14, $0x170;
	_ =	sdelay $0x1  }
.Ltmp21:
0x2de: {  	v10 =	vor.u32 s12, v4;
	s12 =	smov.u32 s14;
	(pc) =	sbr.rel @p2 .LBB2_39-.Ltmp21, $4  }
0x2df: {  	vm4 =	veq.s32 v10, v8  }
0x2e0: {  	v9 =	vsel vm4, $0x7F800000, v9  }
0x2e1: {  	[tilespmem:s13+$0x0] =	vst v9;
	s13 =	sadd.s32 $0x10, s13  }
0x2e2: {  	s14 =	sadd.s32 $0x10, s14;
	v9 =	vld [tilespmem:s13+$0x0]  }
0x2e3: {  	_ =	sdelay $0x1  }
0x2e4: {  	v10 =	vor.u32 s12, v4  }
0x2e5: {  	vm4 =	veq.s32 v10, v8  }
0x2e6: {  	v9 =	vsel vm4, $0x7F800000, v9  }
0x2e7: {  	[tilespmem:s13+$0x0] =	vst v9  }
0x2e8: {  	v9 =	vld [tilespmem:$0x0]  }
0x2e9: {  	v10 =	vld [tilespmem:$0x10]  }
0x2ea: {  	v11 =	vld [tilespmem:$0x20]  }
0x2eb: {  	v12 =	vld [tilespmem:$0x30]  }
0x2ec: {  	v13 =	vld [tilespmem:$0x40]  }
0x2ed: {  	v14 =	vld [tilespmem:$0x50]  }
0x2ee: {  	v9 =	vmin.f32 v9, v10;
	v10 =	vld [tilespmem:$0x60]  }
0x2ef: {  	v9 =	vmin.f32 v9, v11;
	v11 =	vld [tilespmem:$0x70]  }
0x2f0: {  	v54 =	vld [tilespmem:$0x80];
	v9 =	vmin.f32 v9, v12  }
0x2f1: {  	v55 =	vld [tilespmem:$0x90];
	v9 =	vmin.f32 v9, v13  }
0x2f2: {  	v56 =	vld [tilespmem:$0xA0];
	v9 =	vmin.f32 v9, v14  }
0x2f3: {  	v9 =	vmin.f32 v9, v10;
	v10 =	vld [tilespmem:$0xB0]  }
0x2f4: {  	v9 =	vmin.f32 v9, v11;
	v11 =	vld [tilespmem:$0xC0]  }
0x2f5: {  	v57 =	vld [tilespmem:$0xD0];
	v9 =	vmin.f32 v9, v54  }
0x2f6: {  	v58 =	vld [tilespmem:$0xE0];
	v9 =	vmin.f32 v9, v55  }
0x2f7: {  	v59 =	vld [tilespmem:$0xF0];
	v9 =	vmin.f32 v9, v56  }
0x2f8: {  	v9 =	vmin.f32 v9, v10;
	v10 =	vld [tilespmem:$0x100]  }
0x2f9: {  	v9 =	vmin.f32 v9, v11;
	v11 =	vld [tilespmem:$0x110]  }
0x2fa: {  	v60 =	vld [tilespmem:$0x120];
	v9 =	vmin.f32 v9, v57  }
0x2fb: {  	v61 =	vld [tilespmem:$0x130];
	v9 =	vmin.f32 v9, v58  }
0x2fc: {  	v62 =	vld [tilespmem:$0x140];
	v9 =	vmin.f32 v9, v59  }
0x2fd: {  	v9 =	vmin.f32 v9, v10;
	v10 =	vld [tilespmem:$0x150]  }
0x2fe: {  	v9 =	vmin.f32 v9, v11;
	v11 =	vld [tilespmem:$0x160]  }
0x2ff: {  	v63 =	vld [tilespmem:$0x170];
	v9 =	vmin.f32 v9, v60  }
0x300: {  	v9 =	vmin.f32 v9, v61  }
0x301: {  	v9 =	vmin.f32 v9, v62  }
0x302: {  	v9 =	vmin.f32 v9, v10  }
0x303: {  	v9 =	vmin.f32 v9, v11  }
0x304: {  	v9 =	vmin.f32 v9, v63  }
0x305: {  	[tilespmem:$0x180] =	vst v9  }
0x306: {  	v10 =	vld.idx.msk [tilespmem:v0+s9+$0x0], $0xffff;
	_ =	sdelay $0x4  }
0x307: {  	v9 =	vmin.f32 v9, v10  }
0x308: {  	[tilespmem:$0x180] =	vst v9  }
0x309: {  	v10 =	vld.idx.msk [tilespmem:v1+s9+$0x0], $0xffff;
	_ =	sdelay $0x4  }
0x30a: {  	v9 =	vmin.f32 v9, v10  }
0x30b: {  	[tilespmem:$0x180] =	vst v9  }
0x30c: {  	v10 =	vld.idx.msk [tilespmem:v2+s9+$0x0], $0xffff;
	_ =	sdelay $0x4  }
0x30d: {  	v9 =	vmin.f32 v9, v10  }
0x30e: {  	[tilespmem:$0x180] =	vst v9  }
0x30f: {  	s31 =	simm.s32 $0x0;
	v10 =	vld.idx.msk [tilespmem:v3+s9+$0x0], $0xffff  }
0x310: {  	v11 =	vld [tilespmem:s31+$0x0];
	_ =	sdelay $0x3  }
0x311: {  	v10 =	vmin.f32 v9, v10  }
0x312: {  	s12 =	simm.s32 $0x10;
	s13 =	simm.s32 $0x10;
	v9 =	vimm.s32 $0x40000000;
	vm4 =	veq.f32 v11, v10;
	v11 =	vor.u32 s31, v4  }
.LBB2_41:
0x313: {  	v12 =	vld [tilespmem:s13+$0x0];
	p2 =	sne.s32 s12, $0x170;
	v11 =	vnsel vm4, $0x40000000, v11;
	s14 =	smov.u32 s12;
	s12 =	sadd.s32 $0x10, s12  }
.Ltmp22:
0x314: {  	vm4 =	vlt.s32 v9, v11;
	(pc) =	sbr.rel @p2 .LBB2_41-.Ltmp22, $2  }
0x315: {  	v9 =	vsel vm4, v9, v11;
	_ =	sdelay $0x2  }
0x316: {  	s13 =	sadd.s32 $0x10, s13;
	v11 =	vor.u32 s14, v4;
	vm4 =	veq.f32 v12, v10  }
0x317: {  	v10 =	vnsel vm4, $0x40000000, v11  }
0x318: {  	vm4 =	vlt.s32 v9, v10  }
0x319: {  	v9 =	vsel vm4, v9, v10  }
0x31a: {  	[tilespmem:$0x180] =	vst v9  }
0x31b: {  	v10 =	vld.idx.msk [tilespmem:v0+s9+$0x0], $0xffff;
	_ =	sdelay $0x4  }
0x31c: {  	vm4 =	vlt.s32 v9, v10  }
0x31d: {  	v9 =	vsel vm4, v9, v10  }
0x31e: {  	[tilespmem:$0x180] =	vst v9  }
0x31f: {  	v10 =	vld.idx.msk [tilespmem:v1+s9+$0x0], $0xffff;
	_ =	sdelay $0x4  }
0x320: {  	vm4 =	vlt.s32 v9, v10  }
0x321: {  	v9 =	vsel vm4, v9, v10  }
0x322: {  	[tilespmem:$0x180] =	vst v9  }
0x323: {  	v10 =	vld.idx.msk [tilespmem:v2+s9+$0x0], $0xffff;
	_ =	sdelay $0x4  }
0x324: {  	vm4 =	vlt.s32 v9, v10  }
0x325: {  	v9 =	vsel vm4, v9, v10  }
0x326: {  	[tilespmem:$0x180] =	vst v9  }
0x327: {  	v10 =	vld.idx.msk [tilespmem:v3+s9+$0x0], $0xffff;
	_ =	sdelay $0x4  }
0x328: {  	s13 =	simm.s32 $0x0;
	vm4 =	vlt.s32 v9, v10  }
0x329: {  	s14 =	simm.s32 $0x10;
	s12 =	simm.s32 $0x0;
	v9 =	vsel vm4, v9, v10;
	v10 =	vld [tilespmem:s13+$0x0]  }
.LBB2_43:
0x32a: {  	p2 =	sne.s32 s14, $0x170;
	_ =	sdelay $0x1  }
.Ltmp23:
0x32b: {  	v11 =	vor.u32 s13, v4;
	s13 =	smov.u32 s14;
	(pc) =	sbr.rel @p2 .LBB2_43-.Ltmp23, $4  }
0x32c: {  	vm4 =	veq.s32 v11, v9  }
0x32d: {  	v10 =	vsel vm4, $0x7F800000, v10  }
0x32e: {  	[tilespmem:s12+$0x0] =	vst v10;
	s12 =	sadd.s32 $0x10, s12  }
0x32f: {  	s14 =	sadd.s32 $0x10, s14;
	v10 =	vld [tilespmem:s12+$0x0]  }
.Ltmp24:
0x330: {  	_ = 	snop;
	(pc) =	sbr.rel .LBB2_44-.Ltmp24, $1  }
0x331: {  	_ =	sdelay $0x3  }
.LBB2_46:
0x332: {  	_ =	sfence.sel $0x180000  }
0x333: {  	[bflag:$0x0] =	sbarrier.arrive $0xFFFF  }
0x334: {  	p0 =	sne.s32 s5, $0x0;
	_ =	strace $0x90000047  }
0x335: {  	s0 =	sadd.s32 @!p0 $0x100000, s2;
	[bflag:$0x2] =	sbarrier.arrive $0xFFFF  }
0x336: {  	[sflag:s0] =	ssyncadd.tile.s32 @!p0 $0x1;
	_ =	shalt  }
.Lfunc_end2:
_tile_overlayer_lowered:
.L_overlay_start_2:
0x337: {  	(tag) =	ssettag $0x2  }
0x338: {  	s0 =	rddreg [dreg:$0x0];
	s2 =	stileid.u32  }
0x339: {  	s1 =	rddreg [dreg:$0x1];
	p0 =	sne.s32 s2, $0x0  }
0x33a: {  	s3 =	rddreg [dreg:$0x2];
	[bflag:$0x3] =	sbarrier.arrive $0xFFFF;
	s2 =	simm.s32 @!p0 $0x1C01  }
0x33b: {  	[timem:s3], [sflag:s2] =	dma.local @!p0 [hbm:s0], s1  }
0x33c: {  	s0 =	simm.s32 @!p0 $0x1  }
0x33d: {  	_ =	swait.ge @!p0 [sflag:s0], s1  }
0x33e: {  	s1 =	ssub.s32 @!p0 $0x0, s1;
	[sflag:s0] =	ssyncset.done @!p0 $0x0  }
0x33f: {  	[sflag:s0] =	ssyncadd.s32 @!p0 s1  }
0x340: {  	[bflag:$0x3] =	sbarrier.arrive $0xFFFF  }
0x341: {  	_ =	shalt  }

</sc_bundles>
